<compile_context>
chip_gen: v7x
topology: tpu7x:2x2x1
jax: 0.10.2.dev20260603
libtpu: 0.0.44.dev20260713+nightly
codegen_flags: <defaults>
</compile_context>

<pallas_src>
import functools

import jax
import jax.numpy as jnp
from jax import lax
from jax.experimental import pallas as pl
from jax.experimental.pallas import tpu as pltpu
from jax.experimental.pallas import tpu_sc as plsc

N = 16384
NNZ = 262144
D = 64
NC = 2
NS = 16
NW = NC * NS

_MESH = dict(core_axis_name="c", subcore_axis_name="s", num_cores=NC,
             num_subcores=NS)


_SEG_GRP = 1024
_SEG_CHUNK = 128
_ROWS_PER_TILE = NNZ // NS
NH = N // 2


def _seg_pipeline(s, values, idx2d, zeros_hbm, out_hbm, vbuf, wsrc, ibuf,
                  hbuf, table, ssem):
    rows = NH // NS
    zoff = pl.multiple_of(s * rows, rows)
    pltpu.sync_copy(zeros_hbm.at[pl.ds(zoff, rows)],
                    table.at[pl.ds(zoff, rows)])
    plsc.subcore_barrier()

    nchunks = _ROWS_PER_TILE // _SEG_CHUNK

    def chunk(t, _):
        par = jnp.bitwise_and(t, 1)
        h = jnp.bitwise_and(t, 7)
        base = pl.multiple_of(s * _ROWS_PER_TILE + t * _SEG_CHUNK, _SEG_CHUNK)

        @pl.when(h == 0)
        def _():
            pltpu.sync_copy(idx2d.at[pl.ds(pl.multiple_of(base // 128, 8),
                                           8)], ibuf)

        pltpu.sync_copy(values.at[pl.ds(base, _SEG_CHUNK)], vbuf)

        @pl.when(t > 1)
        def _():
            pltpu.make_async_copy(wsrc.at[par],
                                  table.at[hbuf.at[par]], ssem).wait()

        def grpf(k, _):
            iv = ibuf[h, pl.ds(k * 16, 16)]
            hv = lax.shift_right_logical(iv, 1)
            hbuf[par, pl.ds(k * 16, 16)] = hv
            pf = jnp.bitwise_and(iv, 1).astype(jnp.float32)
            for r in range(16):
                row = k * 16 + r
                pfr = lax.gather(
                    pf, jnp.full((16, 1), r, jnp.int32),
                    lax.GatherDimensionNumbers(
                        offset_dims=(), collapsed_slice_dims=(0,),
                        start_index_map=(0,)),
                    (1,),
                    mode=lax.GatherScatterMode.PROMISE_IN_BOUNDS)
                for cc in range(4):
                    sl = pl.ds(cc * 16, 16)
                    lv = vbuf[row, sl]
                    hi = lv * pfr
                    wsrc[par, row, sl] = lv - hi
                    wsrc[par, row, pl.ds(D + cc * 16, 16)] = hi
            return 0

        lax.fori_loop(0, _SEG_CHUNK // 16, grpf, 0)
        pltpu.async_copy(wsrc.at[par], table.at[hbuf.at[par]], ssem, add=True)
        return 0

    lax.fori_loop(0, nchunks, chunk, 0)
    pltpu.make_async_copy(wsrc.at[0], table.at[hbuf.at[0]], ssem).wait()
    pltpu.make_async_copy(wsrc.at[1], table.at[hbuf.at[1]], ssem).wait()
    plsc.subcore_barrier()
    pltpu.sync_copy(table.at[pl.ds(zoff, rows)],
                    out_hbm.at[pl.ds(zoff, rows)])


def _sc_segsum_body(values, idx3d, zeros_hbm, out_both, vbuf, wsrc, ibuf,
                    hbuf, table, ssem):
    c = lax.axis_index("c")
    s = lax.axis_index("s")
    _seg_pipeline(s, values, idx3d.at[c], zeros_hbm, out_both.at[c], vbuf,
                  wsrc, ibuf, hbuf, table, ssem)


def _sc_segsum(values, idx3d, zeros_hbm):
    return pl.kernel(
        _sc_segsum_body,
        out_type=jax.ShapeDtypeStruct((NC, NH, 2 * D), jnp.float32),
        mesh=plsc.VectorSubcoreMesh(**_MESH),
        scratch_types=[
            pltpu.VMEM((_SEG_CHUNK, D), jnp.float32),
            pltpu.VMEM((2, _SEG_CHUNK, 2 * D), jnp.float32),
            pltpu.VMEM((_SEG_GRP // 128, 128), jnp.int32),
            pltpu.VMEM((2, 128), jnp.int32),
            pltpu.VMEM_SHARED((NH, 2 * D), jnp.float32),
            pltpu.SemaphoreType.DMA,
        ],
    )(values, idx3d, zeros_hbm)


_TC1_BLK = 4096


def _tc1_body(vref, wref, segref, sumref):
    i = pl.program_id(0)
    x = vref[...]
    segref[...] = jnp.dot(x, wref[...], preferred_element_type=jnp.float32)
    colsum = jnp.sum(x, axis=0, keepdims=True)

    @pl.when(i == 0)
    def _():
        sumref[...] = colsum

    @pl.when(i > 0)
    def _():
        sumref[...] += colsum


def _tc1(values, WvT):
    return pl.pallas_call(
        _tc1_body,
        grid=(NNZ // _TC1_BLK,),
        in_specs=[pl.BlockSpec((_TC1_BLK, D), lambda i: (i, 0)),
                  pl.BlockSpec((D, D), lambda i: (0, 0))],
        out_specs=[pl.BlockSpec((_TC1_BLK, D), lambda i: (i, 0)),
                   pl.BlockSpec((1, D), lambda i: (0, 0))],
        out_shape=[jax.ShapeDtypeStruct((NNZ, D), jnp.float32),
                   jax.ShapeDtypeStruct((1, D), jnp.float32)],
    )(values, WvT)


_TC2_BLK = 2048


def _tc2_body(cref, rref, sref, wpr, wpc, wm, bref, about):
    crow = jnp.dot(sref[...] * (1.0 / NNZ), wm[...],
                   preferred_element_type=jnp.float32) + bref[...]
    a = jnp.dot(cref[...], wpr[...],
                preferred_element_type=jnp.float32) + crow
    bb = jnp.dot(rref[...], wpc[...], preferred_element_type=jnp.float32)
    about[...] = jnp.concatenate([a, bb], axis=1)


def _tc2(col_t, row_t, vsum, WprT, WpcT, WmT, b2d):
    small = pl.BlockSpec((D, D), lambda i: (0, 0))
    return pl.pallas_call(
        _tc2_body,
        grid=(N // _TC2_BLK,),
        in_specs=[pl.BlockSpec((_TC2_BLK, D), lambda i: (i, 0)),
                  pl.BlockSpec((_TC2_BLK, D), lambda i: (i, 0)),
                  pl.BlockSpec((1, D), lambda i: (0, 0)),
                  small, small, small,
                  pl.BlockSpec((1, D), lambda i: (0, 0))],
        out_specs=pl.BlockSpec((_TC2_BLK, 2 * D), lambda i: (i, 0)),
        out_shape=jax.ShapeDtypeStruct((N, 2 * D), jnp.float32),
    )(col_t, row_t, vsum, WprT, WpcT, WmT, b2d)


_CMB_GRP = 1024
_CMB_CHUNK = 256
_ROWS_PER_W = NNZ // NW


def _sc_combine_body(seg, AB, col2d, row2d, out, sbuf, abuf, bbuf,
                     icol, irow, sema, semb, sems):
    c = lax.axis_index("c")
    s = lax.axis_index("s")
    w = s * NC + c
    base0 = w * _ROWS_PER_W

    def unit(u, _):
        base = pl.multiple_of(base0 + u * _CMB_CHUNK, _CMB_CHUNK)

        @pl.when(jnp.bitwise_and(u, 3) == 0)
        def _():
            ib = pl.multiple_of(base // 128, 8)
            pltpu.sync_copy(col2d.at[pl.ds(ib, _CMB_GRP // 128)], icol)
            pltpu.sync_copy(row2d.at[pl.ds(ib, _CMB_GRP // 128)], irow)

        dseg = pltpu.async_copy(seg.at[pl.ds(base, _CMB_CHUNK)], sbuf, sems)
        hrow = jnp.bitwise_and(u, 3) * 2
        d = []
        for j in range(2):
            d.append((pltpu.async_copy(AB.at[icol.at[hrow + j]],
                                       abuf.at[j], sema),
                      pltpu.async_copy(AB.at[irow.at[hrow + j]],
                                       bbuf.at[j], semb)))
        dseg.wait()
        for j in range(2):
            d[j][0].wait()
            d[j][1].wait()

            def rowf(r, _):
                for cc in range(4):
                    sl = pl.ds(cc * 16, 16)
                    x = (sbuf[j * 128 + r, sl] + abuf[j, r, sl]
                         + bbuf[j, r, pl.ds(D + cc * 16, 16)])
                    sbuf[j * 128 + r, sl] = jnp.maximum(x, 0.01 * x)
                return 0

            lax.fori_loop(0, 128, rowf, 0)
        pltpu.sync_copy(sbuf, out.at[pl.ds(base, _CMB_CHUNK)])
        return 0

    lax.fori_loop(0, _ROWS_PER_W // _CMB_CHUNK, unit, 0)


def _sc_combine(seg, AB, col2d, row2d):
    return pl.kernel(
        _sc_combine_body,
        out_type=jax.ShapeDtypeStruct((NNZ, D), jnp.float32),
        mesh=plsc.VectorSubcoreMesh(**_MESH),
        scratch_types=[
            pltpu.VMEM((_CMB_CHUNK, D), jnp.float32),
            pltpu.VMEM((2, 128, 2 * D), jnp.float32),
            pltpu.VMEM((2, 128, 2 * D), jnp.float32),
            pltpu.VMEM((_CMB_GRP // 128, 128), jnp.int32),
            pltpu.VMEM((_CMB_GRP // 128, 128), jnp.int32),
            pltpu.SemaphoreType.DMA,
            pltpu.SemaphoreType.DMA,
            pltpu.SemaphoreType.DMA,
        ],
    )(seg, AB, col2d, row2d)


def kernel(values, indices, W, b):
    row2d = indices[0].reshape(NNZ // 128, 128)
    col2d = indices[1].reshape(NNZ // 128, 128)
    Wt = W.T
    WvT, WprT, WpcT, WmT = Wt[0:D], Wt[D:2 * D], Wt[2 * D:3 * D], Wt[3 * D:]
    b2d = b.reshape(1, D)

    idx3d = jnp.stack([col2d, row2d])
    zeros_hbm = jnp.zeros((NH, 2 * D), jnp.float32)
    tables = _sc_segsum(values, idx3d, zeros_hbm).reshape(NC, N, D)
    seg, vsum = _tc1(values, WvT)
    AB = _tc2(tables[0], tables[1], vsum, WprT, WpcT, WmT, b2d)
    return _sc_combine(seg, AB, col2d, row2d)

# --- scband reference (transcript-rebuilt; emitter-appended) ---
"""Pipeline reference for scband-exchangable-25503515803842 (READ-ONLY COPY).

The authoritative reference and input builder live on the scoring server;
editing this copy changes nothing except your own understanding.
"""

import jax, jax.numpy as jnp
import numpy as np

N = 16384
NNZ = 262144
IN_DIM = 64
OUT_DIM = 64


def setup_inputs(seed: int = 0) -> dict:
    key = jax.random.key(seed)
    k1, k2, k3, k4 = jax.random.split(key, 4)
    values = jax.random.normal(k1, (NNZ, IN_DIM), dtype=jnp.float32)
    indices = jax.random.randint(k2, (2, NNZ), 0, N, dtype=jnp.int32)
    # nn.Linear(in_dim*4, out_dim): W [out, in*4], b [out]
    fan_in = IN_DIM * 4
    bound = 1.0 / np.sqrt(fan_in)
    W = jax.random.uniform(k3, (OUT_DIM, fan_in), minval=-bound, maxval=bound, dtype=jnp.float32)
    b = jax.random.uniform(k4, (OUT_DIM,), minval=-bound, maxval=bound, dtype=jnp.float32)
    return {"values": values, "indices": indices, "W": W, "b": b}


def reference(values, indices, W, b):
    row_idx = indices[0]
    col_idx = indices[1]
    # Pool(axis=0): torch.sparse.sum over dim 0 -> dense [n_cols, d]; gather back by col index
    col_sum = jax.ops.segment_sum(values, col_idx, num_segments=N)
    pool_row = jnp.take(col_sum, col_idx, axis=0)
    # Pool(axis=1): sum over dim 1 -> dense [n_rows, d]; gather back by row index
    row_sum = jax.ops.segment_sum(values, row_idx, num_segments=N)
    pool_col = jnp.take(row_sum, row_idx, axis=0)
    # global mean broadcast to every nnz entry
    both = jnp.broadcast_to(jnp.mean(values, axis=0)[None, :], values.shape)
    inputs = jnp.concatenate([values, pool_row, pool_col, both], axis=1)
    out = inputs @ W.T + b
    out = jnp.where(out >= 0, out, 0.01 * out)  # leaky_relu, default slope 0.01
    # torch module wraps this into a sparse_coo_tensor with the same indices;
    # we return the new per-nnz values (the sparse tensor's values)
    return out

if __name__ == "__main__":
    import jax
    _d = setup_inputs()
    print(jax.jit(kernel)(*tuple(_d.values())))

</pallas_src>

<mosaic_0001>
#map = affine_map<(d0, d1) -> (0, 0)>
module attributes {stable_mosaic.version = 14 : i64} {
  func.func @_sc_combine_body(%arg0: i32, %arg1: i32, %arg2: memref<262144x64xf32, #tpu.memory_space<hbm>>, %arg3: memref<16384x128xf32, #tpu.memory_space<hbm>>, %arg4: memref<2048x128xi32, #tpu.memory_space<hbm>>, %arg5: memref<2048x128xi32, #tpu.memory_space<hbm>>, %arg6: memref<262144x64xf32, #tpu.memory_space<hbm>>, %arg7: memref<256x64xf32, #tpu.memory_space<vmem>>, %arg8: memref<2x128x128xf32, #tpu.memory_space<vmem>>, %arg9: memref<2x128x128xf32, #tpu.memory_space<vmem>>, %arg10: memref<8x128xi32, #tpu.memory_space<vmem>>, %arg11: memref<8x128xi32, #tpu.memory_space<vmem>>, %arg12: memref<!tpu.dma_semaphore, #tpu.memory_space<semaphore_mem>>, %arg13: memref<!tpu.dma_semaphore, #tpu.memory_space<semaphore_mem>>, %arg14: memref<!tpu.dma_semaphore, #tpu.memory_space<semaphore_mem>>) attributes {dimension_semantics = [#tpu.dimension_semantics<core_parallel>, #tpu.dimension_semantics<subcore_parallel>], iteration_bounds = array<i64: 2, 16>, scalar_prefetch = 0 : i64, scratch_operands = 8 : i64, tpu.core_type = #tpu.core_type<sc_vector_subcore>, window_params = [{transform_indices = #map}, {transform_indices = #map}, {transform_indices = #map}, {transform_indices = #map}, {transform_indices = #map}]} {
    %mul3A = arith.constant 2 : i32
    %mul3A_0 = arith.muli %arg1, %mul3A : i32
    %add3A = arith.addi %mul3A_0, %arg0 : i32
    %mul3A_1 = arith.constant 8192 : i32
    %mul3A_2 = arith.muli %add3A, %mul3A_1 : i32
    %scan3A = arith.constant 0 : i32
    %scan3A_3 = arith.constant 0 : i32
    %scan3A_4 = arith.constant 32 : i32
    %scan3A_5 = arith.addi %scan3A_3, %scan3A_4 : i32
    %scan3A_6 = arith.constant 1 : i32
    %scan3A_7 = scf.for %scan3A_9 = %scan3A_3 to %scan3A_5 step %scan3A_6 iter_args(%scan3A_10 = %scan3A) -> (i32)  : i32 {
      %mul3A_11 = arith.constant 256 : i32
      %mul3A_12 = arith.muli %scan3A_9, %mul3A_11 : i32
      %add3A_13 = arith.addi %mul3A_2, %mul3A_12 : i32
      %multiple_of3A = tpu.assume_multiple %add3A_13, 256 : i32
      %and3A = arith.constant 3 : i32
      %and3A_14 = arith.andi %scan3A_9, %and3A : i32
      %eq3A = arith.constant 0 : i32
      %eq3A_15 = arith.cmpi eq, %and3A_14, %eq3A : i32
      %convert_element_type3A = arith.extui %eq3A_15 : i1 to i32
      %cond3A = arith.constant 0 : i32
      %cond3A_16 = arith.cmpi ne, %convert_element_type3A, %cond3A : i32
      scf.if %cond3A_16 {
        %jit3A = arith.constant 128 : i32
        %div3A = arith.divsi %multiple_of3A, %jit3A : i32
        %sign3A = arith.constant 0 : i32
        %sign3A_138 = arith.cmpi sgt, %multiple_of3A, %sign3A : i32
        %sign3A_139 = arith.extui %sign3A_138 : i1 to i32
        %sign3A_140 = arith.constant 0 : i32
        %sign3A_141 = arith.cmpi slt, %multiple_of3A, %sign3A_140 : i32
        %sign3A_142 = arith.extui %sign3A_141 : i1 to i32
        %sign3A_143 = arith.subi %sign3A_139, %sign3A_142 : i32
        %sign3A_144 = arith.constant 0 : i32
        %sign3A_145 = arith.cmpi sgt, %jit3A, %sign3A_144 : i32
        %sign3A_146 = arith.extui %sign3A_145 : i1 to i32
        %sign3A_147 = arith.constant 0 : i32
        %sign3A_148 = arith.cmpi slt, %jit3A, %sign3A_147 : i32
        %sign3A_149 = arith.extui %sign3A_148 : i1 to i32
        %sign3A_150 = arith.subi %sign3A_146, %sign3A_149 : i32
        %ne3A = arith.cmpi ne, %sign3A_143, %sign3A_150 : i32
        %rem3A = arith.remsi %multiple_of3A, %jit3A : i32
        %ne3A_151 = arith.constant 0 : i32
        %ne3A_152 = arith.cmpi ne, %rem3A, %ne3A_151 : i32
        %and3A_153 = arith.andi %ne3A, %ne3A_152 : i1
        %sub3A = arith.constant 1 : i32
        %sub3A_154 = arith.subi %div3A, %sub3A : i32
        %select_n3A = arith.select %and3A_153, %sub3A_154, %div3A : i32
        %multiple_of3A_155 = tpu.assume_multiple %select_n3A, 8 : i32
        "tpu.region"() ({
          %run_scoped3A = tpu.sem_alloc : memref<!tpu.dma_semaphore, #tpu.memory_space<semaphore_mem>>
          %dma_start3A_156 = arith.constant 0 : i32
          %dma_start3A_157 = tpu.memref_slice %arg4[%multiple_of3A_155, %dma_start3A_156] : memref<2048x128xi32, #tpu.memory_space<hbm>> -> memref<8x128xi32, #tpu.memory_space<hbm>>
          %dma_start3A_158 = arith.constant 0 : i32
          %dma_start3A_159 = tpu.memref_slice %arg4[%multiple_of3A_155, %dma_start3A_158] : memref<2048x128xi32, #tpu.memory_space<hbm>> -> memref<8x128xi32, #tpu.memory_space<hbm>>
          tpu.enqueue_dma source(%dma_start3A_159 : memref<8x128xi32, #tpu.memory_space<hbm>>) target(%arg10 : memref<8x128xi32, #tpu.memory_space<vmem>>) target_semaphore(%run_scoped3A : memref<!tpu.dma_semaphore, #tpu.memory_space<semaphore_mem>>)
          %dma_wait3A_160 = arith.constant 0 : i32
          %dma_wait3A_161 = tpu.memref_slice %arg4[%multiple_of3A_155, %dma_wait3A_160] : memref<2048x128xi32, #tpu.memory_space<hbm>> -> memref<8x128xi32, #tpu.memory_space<hbm>>
          %dma_wait3A_162 = arith.constant 0 : i32
          %dma_wait3A_163 = tpu.memref_slice %arg4[%multiple_of3A_155, %dma_wait3A_162] : memref<2048x128xi32, #tpu.memory_space<hbm>> -> memref<8x128xi32, #tpu.memory_space<hbm>>
          tpu.wait_dma2 semaphore(%run_scoped3A : memref<!tpu.dma_semaphore, #tpu.memory_space<semaphore_mem>>) src(%dma_wait3A_163 : memref<8x128xi32, #tpu.memory_space<hbm>>) dst(%arg10 : memref<8x128xi32, #tpu.memory_space<vmem>>)
          tpu.yield
        }) : () -> ()
        "tpu.region"() ({
          %run_scoped3A = tpu.sem_alloc : memref<!tpu.dma_semaphore, #tpu.memory_space<semaphore_mem>>
          %dma_start3A_156 = arith.constant 0 : i32
          %dma_start3A_157 = tpu.memref_slice %arg5[%multiple_of3A_155, %dma_start3A_156] : memref<2048x128xi32, #tpu.memory_space<hbm>> -> memref<8x128xi32, #tpu.memory_space<hbm>>
          %dma_start3A_158 = arith.constant 0 : i32
          %dma_start3A_159 = tpu.memref_slice %arg5[%multiple_of3A_155, %dma_start3A_158] : memref<2048x128xi32, #tpu.memory_space<hbm>> -> memref<8x128xi32, #tpu.memory_space<hbm>>
          tpu.enqueue_dma source(%dma_start3A_159 : memref<8x128xi32, #tpu.memory_space<hbm>>) target(%arg11 : memref<8x128xi32, #tpu.memory_space<vmem>>) target_semaphore(%run_scoped3A : memref<!tpu.dma_semaphore, #tpu.memory_space<semaphore_mem>>)
          %dma_wait3A_160 = arith.constant 0 : i32
          %dma_wait3A_161 = tpu.memref_slice %arg5[%multiple_of3A_155, %dma_wait3A_160] : memref<2048x128xi32, #tpu.memory_space<hbm>> -> memref<8x128xi32, #tpu.memory_space<hbm>>
          %dma_wait3A_162 = arith.constant 0 : i32
          %dma_wait3A_163 = tpu.memref_slice %arg5[%multiple_of3A_155, %dma_wait3A_162] : memref<2048x128xi32, #tpu.memory_space<hbm>> -> memref<8x128xi32, #tpu.memory_space<hbm>>
          tpu.wait_dma2 semaphore(%run_scoped3A : memref<!tpu.dma_semaphore, #tpu.memory_space<semaphore_mem>>) src(%dma_wait3A_163 : memref<8x128xi32, #tpu.memory_space<hbm>>) dst(%arg11 : memref<8x128xi32, #tpu.memory_space<vmem>>)
          tpu.yield
        }) : () -> ()
      } else {
      }
      %dma_start3A = arith.constant 0 : i32
      %dma_start3A_17 = tpu.memref_slice %arg2[%multiple_of3A, %dma_start3A] : memref<262144x64xf32, #tpu.memory_space<hbm>> -> memref<256x64xf32, #tpu.memory_space<hbm>>
      %dma_start3A_18 = arith.constant 0 : i32
      %dma_start3A_19 = tpu.memref_slice %arg2[%multiple_of3A, %dma_start3A_18] : memref<262144x64xf32, #tpu.memory_space<hbm>> -> memref<256x64xf32, #tpu.memory_space<hbm>>
      tpu.enqueue_dma source(%dma_start3A_19 : memref<256x64xf32, #tpu.memory_space<hbm>>) target(%arg7 : memref<256x64xf32, #tpu.memory_space<vmem>>) target_semaphore(%arg14 : memref<!tpu.dma_semaphore, #tpu.memory_space<semaphore_mem>>)
      %and3A_20 = arith.constant 3 : i32
      %and3A_21 = arith.andi %scan3A_9, %and3A_20 : i32
      %mul3A_22 = arith.constant 2 : i32
      %mul3A_23 = arith.muli %and3A_21, %mul3A_22 : i32
      %add3A_24 = arith.constant 0 : i32
      %add3A_25 = arith.addi %mul3A_23, %add3A_24 : i32
      %dma_start3A_26 = arith.constant 0 : i32
      %dma_start3A_27 = arith.constant 0 : i32
      %dma_start3A_28 = arith.constant 0 : i32
      %dma_start3A_29 = tpu.memref_slice %arg8[%dma_start3A_26, %dma_start3A_27, %dma_start3A_28] : memref<2x128x128xf32, #tpu.memory_space<vmem>> -> memref<1x128x128xf32, #tpu.memory_space<vmem>>
      %dma_start3A_30 = tpu.memref_squeeze %dma_start3A_29 : memref<1x128x128xf32, #tpu.memory_space<vmem>> -> memref<128x128xf32, #tpu.memory_space<vmem>>
      %dma_start3A_31 = arith.constant 0 : i32
      %dma_start3A_32 = tpu.memref_slice %arg10[%add3A_25, %dma_start3A_31] : memref<8x128xi32, #tpu.memory_space<vmem>> -> memref<1x128xi32, #tpu.memory_space<vmem>>
      %dma_start3A_33 = tpu.memref_squeeze %dma_start3A_32 : memref<1x128xi32, #tpu.memory_space<vmem>> -> memref<128xi32, #tpu.memory_space<vmem>>
      %dma_start3A_34 = arith.constant 0 : i32
      %dma_start3A_35 = arith.constant 0 : i32
      %dma_start3A_36 = tpu.memref_slice %arg3[%dma_start3A_34, %dma_start3A_35] : memref<16384x128xf32, #tpu.memory_space<hbm>> -> memref<16384x128xf32, #tpu.memory_space<hbm>>
      tpu.enqueue_indirect_dma source(%dma_start3A_36 : memref<16384x128xf32, #tpu.memory_space<hbm>>) target(%dma_start3A_30 : memref<128x128xf32, #tpu.memory_space<vmem>>) offsets(%dma_start3A_33 : memref<128xi32, #tpu.memory_space<vmem>>) semaphore(%arg12 : memref<!tpu.dma_semaphore, #tpu.memory_space<semaphore_mem>>)
      %add3A_37 = arith.constant 0 : i32
      %add3A_38 = arith.addi %mul3A_23, %add3A_37 : i32
      %dma_start3A_39 = arith.constant 0 : i32
      %dma_start3A_40 = arith.constant 0 : i32
      %dma_start3A_41 = arith.constant 0 : i32
      %dma_start3A_42 = tpu.memref_slice %arg9[%dma_start3A_39, %dma_start3A_40, %dma_start3A_41] : memref<2x128x128xf32, #tpu.memory_space<vmem>> -> memref<1x128x128xf32, #tpu.memory_space<vmem>>
      %dma_start3A_43 = tpu.memref_squeeze %dma_start3A_42 : memref<1x128x128xf32, #tpu.memory_space<vmem>> -> memref<128x128xf32, #tpu.memory_space<vmem>>
      %dma_start3A_44 = arith.constant 0 : i32
      %dma_start3A_45 = tpu.memref_slice %arg11[%add3A_38, %dma_start3A_44] : memref<8x128xi32, #tpu.memory_space<vmem>> -> memref<1x128xi32, #tpu.memory_space<vmem>>
      %dma_start3A_46 = tpu.memref_squeeze %dma_start3A_45 : memref<1x128xi32, #tpu.memory_space<vmem>> -> memref<128xi32, #tpu.memory_space<vmem>>
      %dma_start3A_47 = arith.constant 0 : i32
      %dma_start3A_48 = arith.constant 0 : i32
      %dma_start3A_49 = tpu.memref_slice %arg3[%dma_start3A_47, %dma_start3A_48] : memref<16384x128xf32, #tpu.memory_space<hbm>> -> memref<16384x128xf32, #tpu.memory_space<hbm>>
      tpu.enqueue_indirect_dma source(%dma_start3A_49 : memref<16384x128xf32, #tpu.memory_space<hbm>>) target(%dma_start3A_43 : memref<128x128xf32, #tpu.memory_space<vmem>>) offsets(%dma_start3A_46 : memref<128xi32, #tpu.memory_space<vmem>>) semaphore(%arg13 : memref<!tpu.dma_semaphore, #tpu.memory_space<semaphore_mem>>)
      %add3A_50 = arith.constant 1 : i32
      %add3A_51 = arith.addi %mul3A_23, %add3A_50 : i32
      %dma_start3A_52 = arith.constant 1 : i32
      %dma_start3A_53 = arith.constant 0 : i32
      %dma_start3A_54 = arith.constant 0 : i32
      %dma_start3A_55 = tpu.memref_slice %arg8[%dma_start3A_52, %dma_start3A_53, %dma_start3A_54] : memref<2x128x128xf32, #tpu.memory_space<vmem>> -> memref<1x128x128xf32, #tpu.memory_space<vmem>>
      %dma_start3A_56 = tpu.memref_squeeze %dma_start3A_55 : memref<1x128x128xf32, #tpu.memory_space<vmem>> -> memref<128x128xf32, #tpu.memory_space<vmem>>
      %dma_start3A_57 = arith.constant 0 : i32
      %dma_start3A_58 = tpu.memref_slice %arg10[%add3A_51, %dma_start3A_57] : memref<8x128xi32, #tpu.memory_space<vmem>> -> memref<1x128xi32, #tpu.memory_space<vmem>>
      %dma_start3A_59 = tpu.memref_squeeze %dma_start3A_58 : memref<1x128xi32, #tpu.memory_space<vmem>> -> memref<128xi32, #tpu.memory_space<vmem>>
      %dma_start3A_60 = arith.constant 0 : i32
      %dma_start3A_61 = arith.constant 0 : i32
      %dma_start3A_62 = tpu.memref_slice %arg3[%dma_start3A_60, %dma_start3A_61] : memref<16384x128xf32, #tpu.memory_space<hbm>> -> memref<16384x128xf32, #tpu.memory_space<hbm>>
      tpu.enqueue_indirect_dma source(%dma_start3A_62 : memref<16384x128xf32, #tpu.memory_space<hbm>>) target(%dma_start3A_56 : memref<128x128xf32, #tpu.memory_space<vmem>>) offsets(%dma_start3A_59 : memref<128xi32, #tpu.memory_space<vmem>>) semaphore(%arg12 : memref<!tpu.dma_semaphore, #tpu.memory_space<semaphore_mem>>)
      %add3A_63 = arith.constant 1 : i32
      %add3A_64 = arith.addi %mul3A_23, %add3A_63 : i32
      %dma_start3A_65 = arith.constant 1 : i32
      %dma_start3A_66 = arith.constant 0 : i32
      %dma_start3A_67 = arith.constant 0 : i32
      %dma_start3A_68 = tpu.memref_slice %arg9[%dma_start3A_65, %dma_start3A_66, %dma_start3A_67] : memref<2x128x128xf32, #tpu.memory_space<vmem>> -> memref<1x128x128xf32, #tpu.memory_space<vmem>>
      %dma_start3A_69 = tpu.memref_squeeze %dma_start3A_68 : memref<1x128x128xf32, #tpu.memory_space<vmem>> -> memref<128x128xf32, #tpu.memory_space<vmem>>
      %dma_start3A_70 = arith.constant 0 : i32
      %dma_start3A_71 = tpu.memref_slice %arg11[%add3A_64, %dma_start3A_70] : memref<8x128xi32, #tpu.memory_space<vmem>> -> memref<1x128xi32, #tpu.memory_space<vmem>>
      %dma_start3A_72 = tpu.memref_squeeze %dma_start3A_71 : memref<1x128xi32, #tpu.memory_space<vmem>> -> memref<128xi32, #tpu.memory_space<vmem>>
      %dma_start3A_73 = arith.constant 0 : i32
      %dma_start3A_74 = arith.constant 0 : i32
      %dma_start3A_75 = tpu.memref_slice %arg3[%dma_start3A_73, %dma_start3A_74] : memref<16384x128xf32, #tpu.memory_space<hbm>> -> memref<16384x128xf32, #tpu.memory_space<hbm>>
      tpu.enqueue_indirect_dma source(%dma_start3A_75 : memref<16384x128xf32, #tpu.memory_space<hbm>>) target(%dma_start3A_69 : memref<128x128xf32, #tpu.memory_space<vmem>>) offsets(%dma_start3A_72 : memref<128xi32, #tpu.memory_space<vmem>>) semaphore(%arg13 : memref<!tpu.dma_semaphore, #tpu.memory_space<semaphore_mem>>)
      %dma_wait3A = arith.constant 0 : i32
      %dma_wait3A_76 = tpu.memref_slice %arg2[%multiple_of3A, %dma_wait3A] : memref<262144x64xf32, #tpu.memory_space<hbm>> -> memref<256x64xf32, #tpu.memory_space<hbm>>
      %dma_wait3A_77 = arith.constant 0 : i32
      %dma_wait3A_78 = tpu.memref_slice %arg2[%multiple_of3A, %dma_wait3A_77] : memref<262144x64xf32, #tpu.memory_space<hbm>> -> memref<256x64xf32, #tpu.memory_space<hbm>>
      tpu.wait_dma2 semaphore(%arg14 : memref<!tpu.dma_semaphore, #tpu.memory_space<semaphore_mem>>) src(%dma_wait3A_78 : memref<256x64xf32, #tpu.memory_space<hbm>>) dst(%arg7 : memref<256x64xf32, #tpu.memory_space<vmem>>)
      %dma_wait3A_79 = arith.constant 0 : i32
      %dma_wait3A_80 = arith.constant 0 : i32
      %dma_wait3A_81 = arith.constant 0 : i32
      %dma_wait3A_82 = tpu.memref_slice %arg8[%dma_wait3A_79, %dma_wait3A_80, %dma_wait3A_81] : memref<2x128x128xf32, #tpu.memory_space<vmem>> -> memref<1x128x128xf32, #tpu.memory_space<vmem>>
      %dma_wait3A_83 = tpu.memref_squeeze %dma_wait3A_82 : memref<1x128x128xf32, #tpu.memory_space<vmem>> -> memref<128x128xf32, #tpu.memory_space<vmem>>
      %dma_wait3A_84 = arith.constant 0 : i32
      %dma_wait3A_85 = tpu.memref_slice %arg10[%add3A_25, %dma_wait3A_84] : memref<8x128xi32, #tpu.memory_space<vmem>> -> memref<1x128xi32, #tpu.memory_space<vmem>>
      %dma_wait3A_86 = tpu.memref_squeeze %dma_wait3A_85 : memref<1x128xi32, #tpu.memory_space<vmem>> -> memref<128xi32, #tpu.memory_space<vmem>>
      %dma_wait3A_87 = arith.constant 0 : i32
      %dma_wait3A_88 = arith.constant 0 : i32
      %dma_wait3A_89 = tpu.memref_slice %arg3[%dma_wait3A_87, %dma_wait3A_88] : memref<16384x128xf32, #tpu.memory_space<hbm>> -> memref<16384x128xf32, #tpu.memory_space<hbm>>
      tpu.wait_indirect_dma semaphore(%arg12 : memref<!tpu.dma_semaphore, #tpu.memory_space<semaphore_mem>>) src(%dma_wait3A_89 : memref<16384x128xf32, #tpu.memory_space<hbm>>) dst(%dma_wait3A_83 : memref<128x128xf32, #tpu.memory_space<vmem>>)
      %dma_wait3A_90 = arith.constant 0 : i32
      %dma_wait3A_91 = arith.constant 0 : i32
      %dma_wait3A_92 = arith.constant 0 : i32
      %dma_wait3A_93 = tpu.memref_slice %arg9[%dma_wait3A_90, %dma_wait3A_91, %dma_wait3A_92] : memref<2x128x128xf32, #tpu.memory_space<vmem>> -> memref<1x128x128xf32, #tpu.memory_space<vmem>>
      %dma_wait3A_94 = tpu.memref_squeeze %dma_wait3A_93 : memref<1x128x128xf32, #tpu.memory_space<vmem>> -> memref<128x128xf32, #tpu.memory_space<vmem>>
      %dma_wait3A_95 = arith.constant 0 : i32
      %dma_wait3A_96 = tpu.memref_slice %arg11[%add3A_38, %dma_wait3A_95] : memref<8x128xi32, #tpu.memory_space<vmem>> -> memref<1x128xi32, #tpu.memory_space<vmem>>
      %dma_wait3A_97 = tpu.memref_squeeze %dma_wait3A_96 : memref<1x128xi32, #tpu.memory_space<vmem>> -> memref<128xi32, #tpu.memory_space<vmem>>
      %dma_wait3A_98 = arith.constant 0 : i32
      %dma_wait3A_99 = arith.constant 0 : i32
      %dma_wait3A_100 = tpu.memref_slice %arg3[%dma_wait3A_98, %dma_wait3A_99] : memref<16384x128xf32, #tpu.memory_space<hbm>> -> memref<16384x128xf32, #tpu.memory_space<hbm>>
      tpu.wait_indirect_dma semaphore(%arg13 : memref<!tpu.dma_semaphore, #tpu.memory_space<semaphore_mem>>) src(%dma_wait3A_100 : memref<16384x128xf32, #tpu.memory_space<hbm>>) dst(%dma_wait3A_94 : memref<128x128xf32, #tpu.memory_space<vmem>>)
      %scan3A_101 = arith.constant 0 : i32
      %scan3A_102 = arith.constant 0 : i32
      %scan3A_103 = arith.constant 128 : i32
      %scan3A_104 = arith.addi %scan3A_102, %scan3A_103 : i32
      %scan3A_105 = arith.constant 1 : i32
      %scan3A_106 = scf.for %scan3A_138 = %scan3A_102 to %scan3A_104 step %scan3A_105 iter_args(%scan3A_139 = %scan3A_101) -> (i32)  : i32 {
        %add3A_140 = arith.constant 0 : i32
        %add3A_141 = arith.addi %add3A_140, %scan3A_138 : i32
        %get3A = arith.index_cast %add3A_141 : i32 to index
        %get3A_142 = arith.constant 0 : index
        %get3A_143 = tpu.vector_load %arg7[%get3A, %get3A_142] {strides = array<i32>} : memref<256x64xf32, #tpu.memory_space<vmem>>, vector<1x16xf32>,
        %get3A_144 = vector.shape_cast %get3A_143 : vector<1x16xf32> to vector<16xf32>
        %get3A_145 = arith.constant 0 : i32
        %get3A_146 = arith.index_cast %get3A_145 : i32 to index
        %get3A_147 = arith.index_cast %scan3A_138 : i32 to index
        %get3A_148 = arith.constant 0 : index
        %get3A_149 = tpu.vector_load %arg8[%get3A_146, %get3A_147, %get3A_148] {strides = array<i32>} : memref<2x128x128xf32, #tpu.memory_space<vmem>>, vector<1x1x16xf32>,
        %get3A_150 = vector.shape_cast %get3A_149 : vector<1x1x16xf32> to vector<16xf32>
        %add3A_151 = arith.addf %get3A_144, %get3A_150 : vector<16xf32>
        %get3A_152 = arith.constant 0 : i32
        %get3A_153 = arith.index_cast %get3A_152 : i32 to index
        %get3A_154 = arith.index_cast %scan3A_138 : i32 to index
        %get3A_155 = arith.constant 64 : index
        %get3A_156 = tpu.vector_load %arg9[%get3A_153, %get3A_154, %get3A_155] {strides = array<i32>} : memref<2x128x128xf32, #tpu.memory_space<vmem>>, vector<1x1x16xf32>,
        %get3A_157 = vector.shape_cast %get3A_156 : vector<1x1x16xf32> to vector<16xf32>
        %add3A_158 = arith.addf %add3A_151, %get3A_157 : vector<16xf32>
        %mul3A_159 = arith.constant 0.00999999977 : f32
        %mul3A_160 = vector.broadcast %mul3A_159 : f32 to vector<16xf32>
        %mul3A_161 = arith.mulf %mul3A_160, %add3A_158 : vector<16xf32>
        %max3A = arith.maximumf %add3A_158, %mul3A_161 : vector<16xf32>
        %add3A_162 = arith.constant 0 : i32
        %add3A_163 = arith.addi %add3A_162, %scan3A_138 : i32
        %swap3A = arith.index_cast %add3A_163 : i32 to index
        %swap3A_164 = arith.constant 0 : index
        %swap3A_165 = tpu.vector_load %arg7[%swap3A, %swap3A_164] {strides = array<i32>} : memref<256x64xf32, #tpu.memory_space<vmem>>, vector<1x16xf32>,
        %swap3A_166 = vector.shape_cast %swap3A_165 : vector<1x16xf32> to vector<16xf32>
        %swap3A_167 = vector.shape_cast %max3A : vector<16xf32> to vector<1x16xf32>
        tpu.vector_store %arg7[%swap3A, %swap3A_164], %swap3A_167 {strides = array<i32>} : memref<256x64xf32, #tpu.memory_space<vmem>>, vector<1x16xf32>,
        %add3A_168 = arith.constant 0 : i32
        %add3A_169 = arith.addi %add3A_168, %scan3A_138 : i32
        %get3A_170 = arith.index_cast %add3A_169 : i32 to index
        %get3A_171 = arith.constant 16 : index
        %get3A_172 = tpu.vector_load %arg7[%get3A_170, %get3A_171] {strides = array<i32>} : memref<256x64xf32, #tpu.memory_space<vmem>>, vector<1x16xf32>,
        %get3A_173 = vector.shape_cast %get3A_172 : vector<1x16xf32> to vector<16xf32>
        %get3A_174 = arith.constant 0 : i32
        %get3A_175 = arith.index_cast %get3A_174 : i32 to index
        %get3A_176 = arith.index_cast %scan3A_138 : i32 to index
        %get3A_177 = arith.constant 16 : index
        %get3A_178 = tpu.vector_load %arg8[%get3A_175, %get3A_176, %get3A_177] {strides = array<i32>} : memref<2x128x128xf32, #tpu.memory_space<vmem>>, vector<1x1x16xf32>,
        %get3A_179 = vector.shape_cast %get3A_178 : vector<1x1x16xf32> to vector<16xf32>
        %add3A_180 = arith.addf %get3A_173, %get3A_179 : vector<16xf32>
        %get3A_181 = arith.constant 0 : i32
        %get3A_182 = arith.index_cast %get3A_181 : i32 to index
        %get3A_183 = arith.index_cast %scan3A_138 : i32 to index
        %get3A_184 = arith.constant 80 : index
        %get3A_185 = tpu.vector_load %arg9[%get3A_182, %get3A_183, %get3A_184] {strides = array<i32>} : memref<2x128x128xf32, #tpu.memory_space<vmem>>, vector<1x1x16xf32>,
        %get3A_186 = vector.shape_cast %get3A_185 : vector<1x1x16xf32> to vector<16xf32>
        %add3A_187 = arith.addf %add3A_180, %get3A_186 : vector<16xf32>
        %mul3A_188 = arith.constant 0.00999999977 : f32
        %mul3A_189 = vector.broadcast %mul3A_188 : f32 to vector<16xf32>
        %mul3A_190 = arith.mulf %mul3A_189, %add3A_187 : vector<16xf32>
        %max3A_191 = arith.maximumf %add3A_187, %mul3A_190 : vector<16xf32>
        %add3A_192 = arith.constant 0 : i32
        %add3A_193 = arith.addi %add3A_192, %scan3A_138 : i32
        %swap3A_194 = arith.index_cast %add3A_193 : i32 to index
        %swap3A_195 = arith.constant 16 : index
        %swap3A_196 = tpu.vector_load %arg7[%swap3A_194, %swap3A_195] {strides = array<i32>} : memref<256x64xf32, #tpu.memory_space<vmem>>, vector<1x16xf32>,
        %swap3A_197 = vector.shape_cast %swap3A_196 : vector<1x16xf32> to vector<16xf32>
        %swap3A_198 = vector.shape_cast %max3A_191 : vector<16xf32> to vector<1x16xf32>
        tpu.vector_store %arg7[%swap3A_194, %swap3A_195], %swap3A_198 {strides = array<i32>} : memref<256x64xf32, #tpu.memory_space<vmem>>, vector<1x16xf32>,
        %add3A_199 = arith.constant 0 : i32
        %add3A_200 = arith.addi %add3A_199, %scan3A_138 : i32
        %get3A_201 = arith.index_cast %add3A_200 : i32 to index
        %get3A_202 = arith.constant 32 : index
        %get3A_203 = tpu.vector_load %arg7[%get3A_201, %get3A_202] {strides = array<i32>} : memref<256x64xf32, #tpu.memory_space<vmem>>, vector<1x16xf32>,
        %get3A_204 = vector.shape_cast %get3A_203 : vector<1x16xf32> to vector<16xf32>
        %get3A_205 = arith.constant 0 : i32
        %get3A_206 = arith.index_cast %get3A_205 : i32 to index
        %get3A_207 = arith.index_cast %scan3A_138 : i32 to index
        %get3A_208 = arith.constant 32 : index
        %get3A_209 = tpu.vector_load %arg8[%get3A_206, %get3A_207, %get3A_208] {strides = array<i32>} : memref<2x128x128xf32, #tpu.memory_space<vmem>>, vector<1x1x16xf32>,
        %get3A_210 = vector.shape_cast %get3A_209 : vector<1x1x16xf32> to vector<16xf32>
        %add3A_211 = arith.addf %get3A_204, %get3A_210 : vector<16xf32>
        %get3A_212 = arith.constant 0 : i32
        %get3A_213 = arith.index_cast %get3A_212 : i32 to index
        %get3A_214 = arith.index_cast %scan3A_138 : i32 to index
        %get3A_215 = arith.constant 96 : index
        %get3A_216 = tpu.vector_load %arg9[%get3A_213, %get3A_214, %get3A_215] {strides = array<i32>} : memref<2x128x128xf32, #tpu.memory_space<vmem>>, vector<1x1x16xf32>,
        %get3A_217 = vector.shape_cast %get3A_216 : vector<1x1x16xf32> to vector<16xf32>
        %add3A_218 = arith.addf %add3A_211, %get3A_217 : vector<16xf32>
        %mul3A_219 = arith.constant 0.00999999977 : f32
        %mul3A_220 = vector.broadcast %mul3A_219 : f32 to vector<16xf32>
        %mul3A_221 = arith.mulf %mul3A_220, %add3A_218 : vector<16xf32>
        %max3A_222 = arith.maximumf %add3A_218, %mul3A_221 : vector<16xf32>
        %add3A_223 = arith.constant 0 : i32
        %add3A_224 = arith.addi %add3A_223, %scan3A_138 : i32
        %swap3A_225 = arith.index_cast %add3A_224 : i32 to index
        %swap3A_226 = arith.constant 32 : index
        %swap3A_227 = tpu.vector_load %arg7[%swap3A_225, %swap3A_226] {strides = array<i32>} : memref<256x64xf32, #tpu.memory_space<vmem>>, vector<1x16xf32>,
        %swap3A_228 = vector.shape_cast %swap3A_227 : vector<1x16xf32> to vector<16xf32>
        %swap3A_229 = vector.shape_cast %max3A_222 : vector<16xf32> to vector<1x16xf32>
        tpu.vector_store %arg7[%swap3A_225, %swap3A_226], %swap3A_229 {strides = array<i32>} : memref<256x64xf32, #tpu.memory_space<vmem>>, vector<1x16xf32>,
        %add3A_230 = arith.constant 0 : i32
        %add3A_231 = arith.addi %add3A_230, %scan3A_138 : i32
        %get3A_232 = arith.index_cast %add3A_231 : i32 to index
        %get3A_233 = arith.constant 48 : index
        %get3A_234 = tpu.vector_load %arg7[%get3A_232, %get3A_233] {strides = array<i32>} : memref<256x64xf32, #tpu.memory_space<vmem>>, vector<1x16xf32>,
        %get3A_235 = vector.shape_cast %get3A_234 : vector<1x16xf32> to vector<16xf32>
        %get3A_236 = arith.constant 0 : i32
        %get3A_237 = arith.index_cast %get3A_236 : i32 to index
        %get3A_238 = arith.index_cast %scan3A_138 : i32 to index
        %get3A_239 = arith.constant 48 : index
        %get3A_240 = tpu.vector_load %arg8[%get3A_237, %get3A_238, %get3A_239] {strides = array<i32>} : memref<2x128x128xf32, #tpu.memory_space<vmem>>, vector<1x1x16xf32>,
        %get3A_241 = vector.shape_cast %get3A_240 : vector<1x1x16xf32> to vector<16xf32>
        %add3A_242 = arith.addf %get3A_235, %get3A_241 : vector<16xf32>
        %get3A_243 = arith.constant 0 : i32
        %get3A_244 = arith.index_cast %get3A_243 : i32 to index
        %get3A_245 = arith.index_cast %scan3A_138 : i32 to index
        %get3A_246 = arith.constant 112 : index
        %get3A_247 = tpu.vector_load %arg9[%get3A_244, %get3A_245, %get3A_246] {strides = array<i32>} : memref<2x128x128xf32, #tpu.memory_space<vmem>>, vector<1x1x16xf32>,
        %get3A_248 = vector.shape_cast %get3A_247 : vector<1x1x16xf32> to vector<16xf32>
        %add3A_249 = arith.addf %add3A_242, %get3A_248 : vector<16xf32>
        %mul3A_250 = arith.constant 0.00999999977 : f32
        %mul3A_251 = vector.broadcast %mul3A_250 : f32 to vector<16xf32>
        %mul3A_252 = arith.mulf %mul3A_251, %add3A_249 : vector<16xf32>
        %max3A_253 = arith.maximumf %add3A_249, %mul3A_252 : vector<16xf32>
        %add3A_254 = arith.constant 0 : i32
        %add3A_255 = arith.addi %add3A_254, %scan3A_138 : i32
        %swap3A_256 = arith.index_cast %add3A_255 : i32 to index
        %swap3A_257 = arith.constant 48 : index
        %swap3A_258 = tpu.vector_load %arg7[%swap3A_256, %swap3A_257] {strides = array<i32>} : memref<256x64xf32, #tpu.memory_space<vmem>>, vector<1x16xf32>,
        %swap3A_259 = vector.shape_cast %swap3A_258 : vector<1x16xf32> to vector<16xf32>
        %swap3A_260 = vector.shape_cast %max3A_253 : vector<16xf32> to vector<1x16xf32>
        tpu.vector_store %arg7[%swap3A_256, %swap3A_257], %swap3A_260 {strides = array<i32>} : memref<256x64xf32, #tpu.memory_space<vmem>>, vector<1x16xf32>,
        %scan3A_261 = arith.constant 0 : i32
        scf.yield %scan3A_261 : i32
      }
      %scan3A_107 = arith.constant 128 : i32
      %dma_wait3A_108 = arith.constant 1 : i32
      %dma_wait3A_109 = arith.constant 0 : i32
      %dma_wait3A_110 = arith.constant 0 : i32
      %dma_wait3A_111 = tpu.memref_slice %arg8[%dma_wait3A_108, %dma_wait3A_109, %dma_wait3A_110] : memref<2x128x128xf32, #tpu.memory_space<vmem>> -> memref<1x128x128xf32, #tpu.memory_space<vmem>>
      %dma_wait3A_112 = tpu.memref_squeeze %dma_wait3A_111 : memref<1x128x128xf32, #tpu.memory_space<vmem>> -> memref<128x128xf32, #tpu.memory_space<vmem>>
      %dma_wait3A_113 = arith.constant 0 : i32
      %dma_wait3A_114 = tpu.memref_slice %arg10[%add3A_51, %dma_wait3A_113] : memref<8x128xi32, #tpu.memory_space<vmem>> -> memref<1x128xi32, #tpu.memory_space<vmem>>
      %dma_wait3A_115 = tpu.memref_squeeze %dma_wait3A_114 : memref<1x128xi32, #tpu.memory_space<vmem>> -> memref<128xi32, #tpu.memory_space<vmem>>
      %dma_wait3A_116 = arith.constant 0 : i32
      %dma_wait3A_117 = arith.constant 0 : i32
      %dma_wait3A_118 = tpu.memref_slice %arg3[%dma_wait3A_116, %dma_wait3A_117] : memref<16384x128xf32, #tpu.memory_space<hbm>> -> memref<16384x128xf32, #tpu.memory_space<hbm>>
      tpu.wait_indirect_dma semaphore(%arg12 : memref<!tpu.dma_semaphore, #tpu.memory_space<semaphore_mem>>) src(%dma_wait3A_118 : memref<16384x128xf32, #tpu.memory_space<hbm>>) dst(%dma_wait3A_112 : memref<128x128xf32, #tpu.memory_space<vmem>>)
      %dma_wait3A_119 = arith.constant 1 : i32
      %dma_wait3A_120 = arith.constant 0 : i32
      %dma_wait3A_121 = arith.constant 0 : i32
      %dma_wait3A_122 = tpu.memref_slice %arg9[%dma_wait3A_119, %dma_wait3A_120, %dma_wait3A_121] : memref<2x128x128xf32, #tpu.memory_space<vmem>> -> memref<1x128x128xf32, #tpu.memory_space<vmem>>
      %dma_wait3A_123 = tpu.memref_squeeze %dma_wait3A_122 : memref<1x128x128xf32, #tpu.memory_space<vmem>> -> memref<128x128xf32, #tpu.memory_space<vmem>>
      %dma_wait3A_124 = arith.constant 0 : i32
      %dma_wait3A_125 = tpu.memref_slice %arg11[%add3A_64, %dma_wait3A_124] : memref<8x128xi32, #tpu.memory_space<vmem>> -> memref<1x128xi32, #tpu.memory_space<vmem>>
      %dma_wait3A_126 = tpu.memref_squeeze %dma_wait3A_125 : memref<1x128xi32, #tpu.memory_space<vmem>> -> memref<128xi32, #tpu.memory_space<vmem>>
      %dma_wait3A_127 = arith.constant 0 : i32
      %dma_wait3A_128 = arith.constant 0 : i32
      %dma_wait3A_129 = tpu.memref_slice %arg3[%dma_wait3A_127, %dma_wait3A_128] : memref<16384x128xf32, #tpu.memory_space<hbm>> -> memref<16384x128xf32, #tpu.memory_space<hbm>>
      tpu.wait_indirect_dma semaphore(%arg13 : memref<!tpu.dma_semaphore, #tpu.memory_space<semaphore_mem>>) src(%dma_wait3A_129 : memref<16384x128xf32, #tpu.memory_space<hbm>>) dst(%dma_wait3A_123 : memref<128x128xf32, #tpu.memory_space<vmem>>)
      %scan3A_130 = arith.constant 0 : i32
      %scan3A_131 = arith.constant 0 : i32
      %scan3A_132 = arith.constant 128 : i32
      %scan3A_133 = arith.addi %scan3A_131, %scan3A_132 : i32
      %scan3A_134 = arith.constant 1 : i32
      %scan3A_135 = scf.for %scan3A_138 = %scan3A_131 to %scan3A_133 step %scan3A_134 iter_args(%scan3A_139 = %scan3A_130) -> (i32)  : i32 {
        %add3A_140 = arith.constant 128 : i32
        %add3A_141 = arith.addi %add3A_140, %scan3A_138 : i32
        %get3A = arith.index_cast %add3A_141 : i32 to index
        %get3A_142 = arith.constant 0 : index
        %get3A_143 = tpu.vector_load %arg7[%get3A, %get3A_142] {strides = array<i32>} : memref<256x64xf32, #tpu.memory_space<vmem>>, vector<1x16xf32>,
        %get3A_144 = vector.shape_cast %get3A_143 : vector<1x16xf32> to vector<16xf32>
        %get3A_145 = arith.constant 1 : i32
        %get3A_146 = arith.index_cast %get3A_145 : i32 to index
        %get3A_147 = arith.index_cast %scan3A_138 : i32 to index
        %get3A_148 = arith.constant 0 : index
        %get3A_149 = tpu.vector_load %arg8[%get3A_146, %get3A_147, %get3A_148] {strides = array<i32>} : memref<2x128x128xf32, #tpu.memory_space<vmem>>, vector<1x1x16xf32>,
        %get3A_150 = vector.shape_cast %get3A_149 : vector<1x1x16xf32> to vector<16xf32>
        %add3A_151 = arith.addf %get3A_144, %get3A_150 : vector<16xf32>
        %get3A_152 = arith.constant 1 : i32
        %get3A_153 = arith.index_cast %get3A_152 : i32 to index
        %get3A_154 = arith.index_cast %scan3A_138 : i32 to index
        %get3A_155 = arith.constant 64 : index
        %get3A_156 = tpu.vector_load %arg9[%get3A_153, %get3A_154, %get3A_155] {strides = array<i32>} : memref<2x128x128xf32, #tpu.memory_space<vmem>>, vector<1x1x16xf32>,
        %get3A_157 = vector.shape_cast %get3A_156 : vector<1x1x16xf32> to vector<16xf32>
        %add3A_158 = arith.addf %add3A_151, %get3A_157 : vector<16xf32>
        %mul3A_159 = arith.constant 0.00999999977 : f32
        %mul3A_160 = vector.broadcast %mul3A_159 : f32 to vector<16xf32>
        %mul3A_161 = arith.mulf %mul3A_160, %add3A_158 : vector<16xf32>
        %max3A = arith.maximumf %add3A_158, %mul3A_161 : vector<16xf32>
        %add3A_162 = arith.constant 128 : i32
        %add3A_163 = arith.addi %add3A_162, %scan3A_138 : i32
        %swap3A = arith.index_cast %add3A_163 : i32 to index
        %swap3A_164 = arith.constant 0 : index
        %swap3A_165 = tpu.vector_load %arg7[%swap3A, %swap3A_164] {strides = array<i32>} : memref<256x64xf32, #tpu.memory_space<vmem>>, vector<1x16xf32>,
        %swap3A_166 = vector.shape_cast %swap3A_165 : vector<1x16xf32> to vector<16xf32>
        %swap3A_167 = vector.shape_cast %max3A : vector<16xf32> to vector<1x16xf32>
        tpu.vector_store %arg7[%swap3A, %swap3A_164], %swap3A_167 {strides = array<i32>} : memref<256x64xf32, #tpu.memory_space<vmem>>, vector<1x16xf32>,
        %add3A_168 = arith.constant 128 : i32
        %add3A_169 = arith.addi %add3A_168, %scan3A_138 : i32
        %get3A_170 = arith.index_cast %add3A_169 : i32 to index
        %get3A_171 = arith.constant 16 : index
        %get3A_172 = tpu.vector_load %arg7[%get3A_170, %get3A_171] {strides = array<i32>} : memref<256x64xf32, #tpu.memory_space<vmem>>, vector<1x16xf32>,
        %get3A_173 = vector.shape_cast %get3A_172 : vector<1x16xf32> to vector<16xf32>
        %get3A_174 = arith.constant 1 : i32
        %get3A_175 = arith.index_cast %get3A_174 : i32 to index
        %get3A_176 = arith.index_cast %scan3A_138 : i32 to index
        %get3A_177 = arith.constant 16 : index
        %get3A_178 = tpu.vector_load %arg8[%get3A_175, %get3A_176, %get3A_177] {strides = array<i32>} : memref<2x128x128xf32, #tpu.memory_space<vmem>>, vector<1x1x16xf32>,
        %get3A_179 = vector.shape_cast %get3A_178 : vector<1x1x16xf32> to vector<16xf32>
        %add3A_180 = arith.addf %get3A_173, %get3A_179 : vector<16xf32>
        %get3A_181 = arith.constant 1 : i32
        %get3A_182 = arith.index_cast %get3A_181 : i32 to index
        %get3A_183 = arith.index_cast %scan3A_138 : i32 to index
        %get3A_184 = arith.constant 80 : index
        %get3A_185 = tpu.vector_load %arg9[%get3A_182, %get3A_183, %get3A_184] {strides = array<i32>} : memref<2x128x128xf32, #tpu.memory_space<vmem>>, vector<1x1x16xf32>,
        %get3A_186 = vector.shape_cast %get3A_185 : vector<1x1x16xf32> to vector<16xf32>
        %add3A_187 = arith.addf %add3A_180, %get3A_186 : vector<16xf32>
        %mul3A_188 = arith.constant 0.00999999977 : f32
        %mul3A_189 = vector.broadcast %mul3A_188 : f32 to vector<16xf32>
        %mul3A_190 = arith.mulf %mul3A_189, %add3A_187 : vector<16xf32>
        %max3A_191 = arith.maximumf %add3A_187, %mul3A_190 : vector<16xf32>
        %add3A_192 = arith.constant 128 : i32
        %add3A_193 = arith.addi %add3A_192, %scan3A_138 : i32
        %swap3A_194 = arith.index_cast %add3A_193 : i32 to index
        %swap3A_195 = arith.constant 16 : index
        %swap3A_196 = tpu.vector_load %arg7[%swap3A_194, %swap3A_195] {strides = array<i32>} : memref<256x64xf32, #tpu.memory_space<vmem>>, vector<1x16xf32>,
        %swap3A_197 = vector.shape_cast %swap3A_196 : vector<1x16xf32> to vector<16xf32>
        %swap3A_198 = vector.shape_cast %max3A_191 : vector<16xf32> to vector<1x16xf32>
        tpu.vector_store %arg7[%swap3A_194, %swap3A_195], %swap3A_198 {strides = array<i32>} : memref<256x64xf32, #tpu.memory_space<vmem>>, vector<1x16xf32>,
        %add3A_199 = arith.constant 128 : i32
        %add3A_200 = arith.addi %add3A_199, %scan3A_138 : i32
        %get3A_201 = arith.index_cast %add3A_200 : i32 to index
        %get3A_202 = arith.constant 32 : index
        %get3A_203 = tpu.vector_load %arg7[%get3A_201, %get3A_202] {strides = array<i32>} : memref<256x64xf32, #tpu.memory_space<vmem>>, vector<1x16xf32>,
        %get3A_204 = vector.shape_cast %get3A_203 : vector<1x16xf32> to vector<16xf32>
        %get3A_205 = arith.constant 1 : i32
        %get3A_206 = arith.index_cast %get3A_205 : i32 to index
        %get3A_207 = arith.index_cast %scan3A_138 : i32 to index
        %get3A_208 = arith.constant 32 : index
        %get3A_209 = tpu.vector_load %arg8[%get3A_206, %get3A_207, %get3A_208] {strides = array<i32>} : memref<2x128x128xf32, #tpu.memory_space<vmem>>, vector<1x1x16xf32>,
        %get3A_210 = vector.shape_cast %get3A_209 : vector<1x1x16xf32> to vector<16xf32>
        %add3A_211 = arith.addf %get3A_204, %get3A_210 : vector<16xf32>
        %get3A_212 = arith.constant 1 : i32
        %get3A_213 = arith.index_cast %get3A_212 : i32 to index
        %get3A_214 = arith.index_cast %scan3A_138 : i32 to index
        %get3A_215 = arith.constant 96 : index
        %get3A_216 = tpu.vector_load %arg9[%get3A_213, %get3A_214, %get3A_215] {strides = array<i32>} : memref<2x128x128xf32, #tpu.memory_space<vmem>>, vector<1x1x16xf32>,
        %get3A_217 = vector.shape_cast %get3A_216 : vector<1x1x16xf32> to vector<16xf32>
        %add3A_218 = arith.addf %add3A_211, %get3A_217 : vector<16xf32>
        %mul3A_219 = arith.constant 0.00999999977 : f32
        %mul3A_220 = vector.broadcast %mul3A_219 : f32 to vector<16xf32>
        %mul3A_221 = arith.mulf %mul3A_220, %add3A_218 : vector<16xf32>
        %max3A_222 = arith.maximumf %add3A_218, %mul3A_221 : vector<16xf32>
        %add3A_223 = arith.constant 128 : i32
        %add3A_224 = arith.addi %add3A_223, %scan3A_138 : i32
        %swap3A_225 = arith.index_cast %add3A_224 : i32 to index
        %swap3A_226 = arith.constant 32 : index
        %swap3A_227 = tpu.vector_load %arg7[%swap3A_225, %swap3A_226] {strides = array<i32>} : memref<256x64xf32, #tpu.memory_space<vmem>>, vector<1x16xf32>,
        %swap3A_228 = vector.shape_cast %swap3A_227 : vector<1x16xf32> to vector<16xf32>
        %swap3A_229 = vector.shape_cast %max3A_222 : vector<16xf32> to vector<1x16xf32>
        tpu.vector_store %arg7[%swap3A_225, %swap3A_226], %swap3A_229 {strides = array<i32>} : memref<256x64xf32, #tpu.memory_space<vmem>>, vector<1x16xf32>,
        %add3A_230 = arith.constant 128 : i32
        %add3A_231 = arith.addi %add3A_230, %scan3A_138 : i32
        %get3A_232 = arith.index_cast %add3A_231 : i32 to index
        %get3A_233 = arith.constant 48 : index
        %get3A_234 = tpu.vector_load %arg7[%get3A_232, %get3A_233] {strides = array<i32>} : memref<256x64xf32, #tpu.memory_space<vmem>>, vector<1x16xf32>,
        %get3A_235 = vector.shape_cast %get3A_234 : vector<1x16xf32> to vector<16xf32>
        %get3A_236 = arith.constant 1 : i32
        %get3A_237 = arith.index_cast %get3A_236 : i32 to index
        %get3A_238 = arith.index_cast %scan3A_138 : i32 to index
        %get3A_239 = arith.constant 48 : index
        %get3A_240 = tpu.vector_load %arg8[%get3A_237, %get3A_238, %get3A_239] {strides = array<i32>} : memref<2x128x128xf32, #tpu.memory_space<vmem>>, vector<1x1x16xf32>,
        %get3A_241 = vector.shape_cast %get3A_240 : vector<1x1x16xf32> to vector<16xf32>
        %add3A_242 = arith.addf %get3A_235, %get3A_241 : vector<16xf32>
        %get3A_243 = arith.constant 1 : i32
        %get3A_244 = arith.index_cast %get3A_243 : i32 to index
        %get3A_245 = arith.index_cast %scan3A_138 : i32 to index
        %get3A_246 = arith.constant 112 : index
        %get3A_247 = tpu.vector_load %arg9[%get3A_244, %get3A_245, %get3A_246] {strides = array<i32>} : memref<2x128x128xf32, #tpu.memory_space<vmem>>, vector<1x1x16xf32>,
        %get3A_248 = vector.shape_cast %get3A_247 : vector<1x1x16xf32> to vector<16xf32>
        %add3A_249 = arith.addf %add3A_242, %get3A_248 : vector<16xf32>
        %mul3A_250 = arith.constant 0.00999999977 : f32
        %mul3A_251 = vector.broadcast %mul3A_250 : f32 to vector<16xf32>
        %mul3A_252 = arith.mulf %mul3A_251, %add3A_249 : vector<16xf32>
        %max3A_253 = arith.maximumf %add3A_249, %mul3A_252 : vector<16xf32>
        %add3A_254 = arith.constant 128 : i32
        %add3A_255 = arith.addi %add3A_254, %scan3A_138 : i32
        %swap3A_256 = arith.index_cast %add3A_255 : i32 to index
        %swap3A_257 = arith.constant 48 : index
        %swap3A_258 = tpu.vector_load %arg7[%swap3A_256, %swap3A_257] {strides = array<i32>} : memref<256x64xf32, #tpu.memory_space<vmem>>, vector<1x16xf32>,
        %swap3A_259 = vector.shape_cast %swap3A_258 : vector<1x16xf32> to vector<16xf32>
        %swap3A_260 = vector.shape_cast %max3A_253 : vector<16xf32> to vector<1x16xf32>
        tpu.vector_store %arg7[%swap3A_256, %swap3A_257], %swap3A_260 {strides = array<i32>} : memref<256x64xf32, #tpu.memory_space<vmem>>, vector<1x16xf32>,
        %scan3A_261 = arith.constant 0 : i32
        scf.yield %scan3A_261 : i32
      }
      %scan3A_136 = arith.constant 128 : i32
      "tpu.region"() ({
        %run_scoped3A = tpu.sem_alloc : memref<!tpu.dma_semaphore, #tpu.memory_space<semaphore_mem>>
        %dma_start3A_138 = arith.constant 0 : i32
        %dma_start3A_139 = tpu.memref_slice %arg6[%multiple_of3A, %dma_start3A_138] : memref<262144x64xf32, #tpu.memory_space<hbm>> -> memref<256x64xf32, #tpu.memory_space<hbm>>
        %dma_start3A_140 = arith.constant 0 : i32
        %dma_start3A_141 = tpu.memref_slice %arg6[%multiple_of3A, %dma_start3A_140] : memref<262144x64xf32, #tpu.memory_space<hbm>> -> memref<256x64xf32, #tpu.memory_space<hbm>>
        tpu.enqueue_dma source(%arg7 : memref<256x64xf32, #tpu.memory_space<vmem>>) target(%dma_start3A_141 : memref<256x64xf32, #tpu.memory_space<hbm>>) target_semaphore(%run_scoped3A : memref<!tpu.dma_semaphore, #tpu.memory_space<semaphore_mem>>)
        %dma_wait3A_142 = arith.constant 0 : i32
        %dma_wait3A_143 = tpu.memref_slice %arg6[%multiple_of3A, %dma_wait3A_142] : memref<262144x64xf32, #tpu.memory_space<hbm>> -> memref<256x64xf32, #tpu.memory_space<hbm>>
        %dma_wait3A_144 = arith.constant 0 : i32
        %dma_wait3A_145 = tpu.memref_slice %arg6[%multiple_of3A, %dma_wait3A_144] : memref<262144x64xf32, #tpu.memory_space<hbm>> -> memref<256x64xf32, #tpu.memory_space<hbm>>
        tpu.wait_dma2 semaphore(%run_scoped3A : memref<!tpu.dma_semaphore, #tpu.memory_space<semaphore_mem>>) src(%arg7 : memref<256x64xf32, #tpu.memory_space<vmem>>) dst(%dma_wait3A_145 : memref<256x64xf32, #tpu.memory_space<hbm>>)
        tpu.yield
      }) : () -> ()
      %scan3A_137 = arith.constant 0 : i32
      scf.yield %scan3A_137 : i32
    }
    %scan3A_8 = arith.constant 32 : i32
    return
  }
}

#map = affine_map<(d0, d1) -> (0, 0)>
#map1 = affine_map<(d0, d1) -> (0, 0, 0)>
module attributes {stable_mosaic.version = 14 : i64} {
  func.func @_sc_segsum_body(%arg0: i32, %arg1: i32, %arg2: memref<262144x64xf32, #tpu.memory_space<hbm>>, %arg3: memref<2x2048x128xi32, #tpu.memory_space<hbm>>, %arg4: memref<8192x128xf32, #tpu.memory_space<hbm>>, %arg5: memref<2x8192x128xf32, #tpu.memory_space<hbm>>, %arg6: memref<128x64xf32, #tpu.memory_space<vmem>>, %arg7: memref<2x128x128xf32, #tpu.memory_space<vmem>>, %arg8: memref<8x128xi32, #tpu.memory_space<vmem>>, %arg9: memref<2x128xi32, #tpu.memory_space<vmem>>, %arg10: memref<8192x128xf32, #tpu.memory_space<vmem_shared>>, %arg11: memref<!tpu.dma_semaphore, #tpu.memory_space<semaphore_mem>>) attributes {dimension_semantics = [#tpu.dimension_semantics<core_parallel>, #tpu.dimension_semantics<subcore_parallel>], iteration_bounds = array<i64: 2, 16>, scalar_prefetch = 0 : i64, scratch_operands = 6 : i64, tpu.core_type = #tpu.core_type<sc_vector_subcore>, window_params = [{transform_indices = #map}, {transform_indices = #map1}, {transform_indices = #map}, {transform_indices = #map1}]} {
    %mul3A = arith.constant 512 : i32
    %mul3A_0 = arith.muli %arg1, %mul3A : i32
    %multiple_of3A = tpu.assume_multiple %mul3A_0, 512 : i32
    "tpu.region"() ({
      %run_scoped3A = tpu.sem_alloc : memref<!tpu.dma_semaphore, #tpu.memory_space<semaphore_mem>>
      %dma_start3A = arith.constant 0 : i32
      %dma_start3A_31 = tpu.memref_slice %arg10[%multiple_of3A, %dma_start3A] : memref<8192x128xf32, #tpu.memory_space<vmem_shared>> -> memref<512x128xf32, #tpu.memory_space<vmem_shared>>
      %dma_start3A_32 = arith.constant 0 : i32
      %dma_start3A_33 = tpu.memref_slice %arg4[%multiple_of3A, %dma_start3A_32] : memref<8192x128xf32, #tpu.memory_space<hbm>> -> memref<512x128xf32, #tpu.memory_space<hbm>>
      tpu.enqueue_dma source(%dma_start3A_33 : memref<512x128xf32, #tpu.memory_space<hbm>>) target(%dma_start3A_31 : memref<512x128xf32, #tpu.memory_space<vmem_shared>>) target_semaphore(%run_scoped3A : memref<!tpu.dma_semaphore, #tpu.memory_space<semaphore_mem>>)
      %dma_wait3A_34 = arith.constant 0 : i32
      %dma_wait3A_35 = tpu.memref_slice %arg10[%multiple_of3A, %dma_wait3A_34] : memref<8192x128xf32, #tpu.memory_space<vmem_shared>> -> memref<512x128xf32, #tpu.memory_space<vmem_shared>>
      %dma_wait3A_36 = arith.constant 0 : i32
      %dma_wait3A_37 = tpu.memref_slice %arg4[%multiple_of3A, %dma_wait3A_36] : memref<8192x128xf32, #tpu.memory_space<hbm>> -> memref<512x128xf32, #tpu.memory_space<hbm>>
      tpu.wait_dma2 semaphore(%run_scoped3A : memref<!tpu.dma_semaphore, #tpu.memory_space<semaphore_mem>>) src(%dma_wait3A_37 : memref<512x128xf32, #tpu.memory_space<hbm>>) dst(%dma_wait3A_35 : memref<512x128xf32, #tpu.memory_space<vmem_shared>>)
      tpu.yield
    }) : () -> ()
    %barrier3A = arith.constant 0 : index
    tpu.barrier barrier_id(%barrier3A)
    %scan3A = arith.constant 0 : i32
    %scan3A_1 = arith.constant 0 : i32
    %scan3A_2 = arith.constant 128 : i32
    %scan3A_3 = arith.addi %scan3A_1, %scan3A_2 : i32
    %scan3A_4 = arith.constant 1 : i32
    %scan3A_5 = scf.for %scan3A_31 = %scan3A_1 to %scan3A_3 step %scan3A_4 iter_args(%scan3A_32 = %scan3A) -> (i32)  : i32 {
      %and3A = arith.constant 1 : i32
      %and3A_33 = arith.andi %scan3A_31, %and3A : i32
      %and3A_34 = arith.constant 7 : i32
      %and3A_35 = arith.andi %scan3A_31, %and3A_34 : i32
      %mul3A_36 = arith.constant 16384 : i32
      %mul3A_37 = arith.muli %arg1, %mul3A_36 : i32
      %mul3A_38 = arith.constant 128 : i32
      %mul3A_39 = arith.muli %scan3A_31, %mul3A_38 : i32
      %add3A = arith.addi %mul3A_37, %mul3A_39 : i32
      %multiple_of3A_40 = tpu.assume_multiple %add3A, 128 : i32
      %eq3A = arith.constant 0 : i32
      %eq3A_41 = arith.cmpi eq, %and3A_35, %eq3A : i32
      %convert_element_type3A = arith.extui %eq3A_41 : i1 to i32
      %cond3A = arith.constant 0 : i32
      %cond3A_42 = arith.cmpi ne, %convert_element_type3A, %cond3A : i32
      scf.if %cond3A_42 {
        %jit3A = arith.constant 128 : i32
        %div3A = arith.divsi %multiple_of3A_40, %jit3A : i32
        %sign3A = arith.constant 0 : i32
        %sign3A_64 = arith.cmpi sgt, %multiple_of3A_40, %sign3A : i32
        %sign3A_65 = arith.extui %sign3A_64 : i1 to i32
        %sign3A_66 = arith.constant 0 : i32
        %sign3A_67 = arith.cmpi slt, %multiple_of3A_40, %sign3A_66 : i32
        %sign3A_68 = arith.extui %sign3A_67 : i1 to i32
        %sign3A_69 = arith.subi %sign3A_65, %sign3A_68 : i32
        %sign3A_70 = arith.constant 0 : i32
        %sign3A_71 = arith.cmpi sgt, %jit3A, %sign3A_70 : i32
        %sign3A_72 = arith.extui %sign3A_71 : i1 to i32
        %sign3A_73 = arith.constant 0 : i32
        %sign3A_74 = arith.cmpi slt, %jit3A, %sign3A_73 : i32
        %sign3A_75 = arith.extui %sign3A_74 : i1 to i32
        %sign3A_76 = arith.subi %sign3A_72, %sign3A_75 : i32
        %ne3A = arith.cmpi ne, %sign3A_69, %sign3A_76 : i32
        %rem3A = arith.remsi %multiple_of3A_40, %jit3A : i32
        %ne3A_77 = arith.constant 0 : i32
        %ne3A_78 = arith.cmpi ne, %rem3A, %ne3A_77 : i32
        %and3A_79 = arith.andi %ne3A, %ne3A_78 : i1
        %sub3A = arith.constant 1 : i32
        %sub3A_80 = arith.subi %div3A, %sub3A : i32
        %select_n3A = arith.select %and3A_79, %sub3A_80, %div3A : i32
        %multiple_of3A_81 = tpu.assume_multiple %select_n3A, 8 : i32
        "tpu.region"() ({
          %run_scoped3A = tpu.sem_alloc : memref<!tpu.dma_semaphore, #tpu.memory_space<semaphore_mem>>
          %dma_start3A_82 = arith.constant 0 : i32
          %dma_start3A_83 = arith.constant 0 : i32
          %dma_start3A_84 = tpu.memref_slice %arg3[%arg0, %dma_start3A_82, %dma_start3A_83] : memref<2x2048x128xi32, #tpu.memory_space<hbm>> -> memref<1x2048x128xi32, #tpu.memory_space<hbm>>
          %dma_start3A_85 = tpu.memref_squeeze %dma_start3A_84 : memref<1x2048x128xi32, #tpu.memory_space<hbm>> -> memref<2048x128xi32, #tpu.memory_space<hbm>>
          %dma_start3A_86 = arith.constant 0 : i32
          %dma_start3A_87 = tpu.memref_slice %dma_start3A_85[%multiple_of3A_81, %dma_start3A_86] : memref<2048x128xi32, #tpu.memory_space<hbm>> -> memref<8x128xi32, #tpu.memory_space<hbm>>
          %dma_start3A_88 = arith.constant 0 : i32
          %dma_start3A_89 = arith.constant 0 : i32
          %dma_start3A_90 = tpu.memref_slice %arg3[%arg0, %dma_start3A_88, %dma_start3A_89] : memref<2x2048x128xi32, #tpu.memory_space<hbm>> -> memref<1x2048x128xi32, #tpu.memory_space<hbm>>
          %dma_start3A_91 = tpu.memref_squeeze %dma_start3A_90 : memref<1x2048x128xi32, #tpu.memory_space<hbm>> -> memref<2048x128xi32, #tpu.memory_space<hbm>>
          %dma_start3A_92 = arith.constant 0 : i32
          %dma_start3A_93 = tpu.memref_slice %dma_start3A_91[%multiple_of3A_81, %dma_start3A_92] : memref<2048x128xi32, #tpu.memory_space<hbm>> -> memref<8x128xi32, #tpu.memory_space<hbm>>
          tpu.enqueue_dma source(%dma_start3A_93 : memref<8x128xi32, #tpu.memory_space<hbm>>) target(%arg8 : memref<8x128xi32, #tpu.memory_space<vmem>>) target_semaphore(%run_scoped3A : memref<!tpu.dma_semaphore, #tpu.memory_space<semaphore_mem>>)
          %dma_wait3A_94 = arith.constant 0 : i32
          %dma_wait3A_95 = arith.constant 0 : i32
          %dma_wait3A_96 = tpu.memref_slice %arg3[%arg0, %dma_wait3A_94, %dma_wait3A_95] : memref<2x2048x128xi32, #tpu.memory_space<hbm>> -> memref<1x2048x128xi32, #tpu.memory_space<hbm>>
          %dma_wait3A_97 = tpu.memref_squeeze %dma_wait3A_96 : memref<1x2048x128xi32, #tpu.memory_space<hbm>> -> memref<2048x128xi32, #tpu.memory_space<hbm>>
          %dma_wait3A_98 = arith.constant 0 : i32
          %dma_wait3A_99 = tpu.memref_slice %dma_wait3A_97[%multiple_of3A_81, %dma_wait3A_98] : memref<2048x128xi32, #tpu.memory_space<hbm>> -> memref<8x128xi32, #tpu.memory_space<hbm>>
          %dma_wait3A_100 = arith.constant 0 : i32
          %dma_wait3A_101 = arith.constant 0 : i32
          %dma_wait3A_102 = tpu.memref_slice %arg3[%arg0, %dma_wait3A_100, %dma_wait3A_101] : memref<2x2048x128xi32, #tpu.memory_space<hbm>> -> memref<1x2048x128xi32, #tpu.memory_space<hbm>>
          %dma_wait3A_103 = tpu.memref_squeeze %dma_wait3A_102 : memref<1x2048x128xi32, #tpu.memory_space<hbm>> -> memref<2048x128xi32, #tpu.memory_space<hbm>>
          %dma_wait3A_104 = arith.constant 0 : i32
          %dma_wait3A_105 = tpu.memref_slice %dma_wait3A_103[%multiple_of3A_81, %dma_wait3A_104] : memref<2048x128xi32, #tpu.memory_space<hbm>> -> memref<8x128xi32, #tpu.memory_space<hbm>>
          tpu.wait_dma2 semaphore(%run_scoped3A : memref<!tpu.dma_semaphore, #tpu.memory_space<semaphore_mem>>) src(%dma_wait3A_105 : memref<8x128xi32, #tpu.memory_space<hbm>>) dst(%arg8 : memref<8x128xi32, #tpu.memory_space<vmem>>)
          tpu.yield
        }) : () -> ()
      } else {
      }
      "tpu.region"() ({
        %run_scoped3A = tpu.sem_alloc : memref<!tpu.dma_semaphore, #tpu.memory_space<semaphore_mem>>
        %dma_start3A_64 = arith.constant 0 : i32
        %dma_start3A_65 = tpu.memref_slice %arg2[%multiple_of3A_40, %dma_start3A_64] : memref<262144x64xf32, #tpu.memory_space<hbm>> -> memref<128x64xf32, #tpu.memory_space<hbm>>
        %dma_start3A_66 = arith.constant 0 : i32
        %dma_start3A_67 = tpu.memref_slice %arg2[%multiple_of3A_40, %dma_start3A_66] : memref<262144x64xf32, #tpu.memory_space<hbm>> -> memref<128x64xf32, #tpu.memory_space<hbm>>
        tpu.enqueue_dma source(%dma_start3A_67 : memref<128x64xf32, #tpu.memory_space<hbm>>) target(%arg6 : memref<128x64xf32, #tpu.memory_space<vmem>>) target_semaphore(%run_scoped3A : memref<!tpu.dma_semaphore, #tpu.memory_space<semaphore_mem>>)
        %dma_wait3A_68 = arith.constant 0 : i32
        %dma_wait3A_69 = tpu.memref_slice %arg2[%multiple_of3A_40, %dma_wait3A_68] : memref<262144x64xf32, #tpu.memory_space<hbm>> -> memref<128x64xf32, #tpu.memory_space<hbm>>
        %dma_wait3A_70 = arith.constant 0 : i32
        %dma_wait3A_71 = tpu.memref_slice %arg2[%multiple_of3A_40, %dma_wait3A_70] : memref<262144x64xf32, #tpu.memory_space<hbm>> -> memref<128x64xf32, #tpu.memory_space<hbm>>
        tpu.wait_dma2 semaphore(%run_scoped3A : memref<!tpu.dma_semaphore, #tpu.memory_space<semaphore_mem>>) src(%dma_wait3A_71 : memref<128x64xf32, #tpu.memory_space<hbm>>) dst(%arg6 : memref<128x64xf32, #tpu.memory_space<vmem>>)
        tpu.yield
      }) : () -> ()
      %gt3A = arith.constant 1 : i32
      %gt3A_43 = arith.cmpi sgt, %scan3A_31, %gt3A : i32
      %convert_element_type3A_44 = arith.extui %gt3A_43 : i1 to i32
      %cond3A_45 = arith.constant 0 : i32
      %cond3A_46 = arith.cmpi ne, %convert_element_type3A_44, %cond3A_45 : i32
      scf.if %cond3A_46 {
        %dma_wait3A_64 = arith.constant 0 : i32
        %dma_wait3A_65 = arith.constant 0 : i32
        %dma_wait3A_66 = tpu.memref_slice %arg7[%and3A_33, %dma_wait3A_64, %dma_wait3A_65] : memref<2x128x128xf32, #tpu.memory_space<vmem>> -> memref<1x128x128xf32, #tpu.memory_space<vmem>>
        %dma_wait3A_67 = tpu.memref_squeeze %dma_wait3A_66 : memref<1x128x128xf32, #tpu.memory_space<vmem>> -> memref<128x128xf32, #tpu.memory_space<vmem>>
        %dma_wait3A_68 = arith.constant 0 : i32
        %dma_wait3A_69 = tpu.memref_slice %arg9[%and3A_33, %dma_wait3A_68] : memref<2x128xi32, #tpu.memory_space<vmem>> -> memref<1x128xi32, #tpu.memory_space<vmem>>
        %dma_wait3A_70 = tpu.memref_squeeze %dma_wait3A_69 : memref<1x128xi32, #tpu.memory_space<vmem>> -> memref<128xi32, #tpu.memory_space<vmem>>
        %dma_wait3A_71 = arith.constant 0 : i32
        %dma_wait3A_72 = arith.constant 0 : i32
        %dma_wait3A_73 = tpu.memref_slice %arg10[%dma_wait3A_71, %dma_wait3A_72] : memref<8192x128xf32, #tpu.memory_space<vmem_shared>> -> memref<8192x128xf32, #tpu.memory_space<vmem_shared>>
        tpu.wait_indirect_dma semaphore(%arg11 : memref<!tpu.dma_semaphore, #tpu.memory_space<semaphore_mem>>) src(%dma_wait3A_67 : memref<128x128xf32, #tpu.memory_space<vmem>>) dst(%dma_wait3A_73 : memref<8192x128xf32, #tpu.memory_space<vmem_shared>>)
      } else {
      }
      %scan3A_47 = arith.constant 0 : i32
      %scan3A_48 = arith.constant 0 : i32
      %scan3A_49 = arith.constant 8 : i32
      %scan3A_50 = arith.addi %scan3A_48, %scan3A_49 : i32
      %scan3A_51 = arith.constant 1 : i32
      %scan3A_52 = scf.for %scan3A_64 = %scan3A_48 to %scan3A_50 step %scan3A_51 iter_args(%scan3A_65 = %scan3A_47) -> (i32)  : i32 {
        %mul3A_66 = arith.constant 16 : i32
        %mul3A_67 = arith.muli %scan3A_64, %mul3A_66 : i32
        %get3A = arith.index_cast %and3A_35 : i32 to index
        %get3A_68 = arith.index_cast %mul3A_67 : i32 to index
        %get3A_69 = tpu.vector_load %arg8[%get3A, %get3A_68] {strides = array<i32>} : memref<8x128xi32, #tpu.memory_space<vmem>>, vector<1x16xi32>,
        %get3A_70 = vector.shape_cast %get3A_69 : vector<1x16xi32> to vector<16xi32>
        %shift_right_logical3A = arith.constant 1 : i32
        %shift_right_logical3A_71 = vector.broadcast %shift_right_logical3A : i32 to vector<16xi32>
        %shift_right_logical3A_72 = arith.shrui %get3A_70, %shift_right_logical3A_71 : vector<16xi32>
        %mul3A_73 = arith.constant 16 : i32
        %mul3A_74 = arith.muli %scan3A_64, %mul3A_73 : i32
        %swap3A = arith.index_cast %and3A_33 : i32 to index
        %swap3A_75 = arith.index_cast %mul3A_74 : i32 to index
        %swap3A_76 = tpu.vector_load %arg9[%swap3A, %swap3A_75] {strides = array<i32>} : memref<2x128xi32, #tpu.memory_space<vmem>>, vector<1x16xi32>,
        %swap3A_77 = vector.shape_cast %swap3A_76 : vector<1x16xi32> to vector<16xi32>
        %swap3A_78 = vector.shape_cast %shift_right_logical3A_72 : vector<16xi32> to vector<1x16xi32>
        tpu.vector_store %arg9[%swap3A, %swap3A_75], %swap3A_78 {strides = array<i32>} : memref<2x128xi32, #tpu.memory_space<vmem>>, vector<1x16xi32>,
        %and3A_79 = arith.constant 1 : i32
        %and3A_80 = vector.broadcast %and3A_79 : i32 to vector<16xi32>
        %and3A_81 = arith.andi %get3A_70, %and3A_80 : vector<16xi32>
        %convert_element_type3A_82 = arith.sitofp %and3A_81 : vector<16xi32> to vector<16xf32>
        %mul3A_83 = arith.constant 16 : i32
        %mul3A_84 = arith.muli %scan3A_64, %mul3A_83 : i32
        %add3A_85 = arith.constant 0 : i32
        %add3A_86 = arith.addi %mul3A_84, %add3A_85 : i32
        %broadcast_in_dim3A = arith.constant 0 : i32
        %broadcast_in_dim3A_87 = vector.broadcast %broadcast_in_dim3A : i32 to vector<16x1xi32>
        %gather3A = vector.shape_cast %broadcast_in_dim3A_87 : vector<16x1xi32> to vector<16xi32>
        %gather3A_88 = tpu.dynamic_gather %convert_element_type3A_82[%gather3A] in [0] : vector<16xf32>, vector<16xi32> -> vector<16xf32>
        %get3A_89 = arith.index_cast %add3A_86 : i32 to index
        %get3A_90 = arith.constant 0 : index
        %get3A_91 = tpu.vector_load %arg6[%get3A_89, %get3A_90] {strides = array<i32>} : memref<128x64xf32, #tpu.memory_space<vmem>>, vector<1x16xf32>,
        %get3A_92 = vector.shape_cast %get3A_91 : vector<1x16xf32> to vector<16xf32>
        %mul3A_93 = arith.mulf %get3A_92, %gather3A_88 : vector<16xf32>
        %sub3A = arith.subf %get3A_92, %mul3A_93 : vector<16xf32>
        %swap3A_94 = arith.index_cast %and3A_33 : i32 to index
        %swap3A_95 = arith.index_cast %add3A_86 : i32 to index
        %swap3A_96 = arith.constant 0 : index
        %swap3A_97 = tpu.vector_load %arg7[%swap3A_94, %swap3A_95, %swap3A_96] {strides = array<i32>} : memref<2x128x128xf32, #tpu.memory_space<vmem>>, vector<1x1x16xf32>,
        %swap3A_98 = vector.shape_cast %swap3A_97 : vector<1x1x16xf32> to vector<16xf32>
        %swap3A_99 = vector.shape_cast %sub3A : vector<16xf32> to vector<1x1x16xf32>
        tpu.vector_store %arg7[%swap3A_94, %swap3A_95, %swap3A_96], %swap3A_99 {strides = array<i32>} : memref<2x128x128xf32, #tpu.memory_space<vmem>>, vector<1x1x16xf32>,
        %swap3A_100 = arith.index_cast %and3A_33 : i32 to index
        %swap3A_101 = arith.index_cast %add3A_86 : i32 to index
        %swap3A_102 = arith.constant 64 : index
        %swap3A_103 = tpu.vector_load %arg7[%swap3A_100, %swap3A_101, %swap3A_102] {strides = array<i32>} : memref<2x128x128xf32, #tpu.memory_space<vmem>>, vector<1x1x16xf32>,
        %swap3A_104 = vector.shape_cast %swap3A_103 : vector<1x1x16xf32> to vector<16xf32>
        %swap3A_105 = vector.shape_cast %mul3A_93 : vector<16xf32> to vector<1x1x16xf32>
        tpu.vector_store %arg7[%swap3A_100, %swap3A_101, %swap3A_102], %swap3A_105 {strides = array<i32>} : memref<2x128x128xf32, #tpu.memory_space<vmem>>, vector<1x1x16xf32>,
        %get3A_106 = arith.index_cast %add3A_86 : i32 to index
        %get3A_107 = arith.constant 16 : index
        %get3A_108 = tpu.vector_load %arg6[%get3A_106, %get3A_107] {strides = array<i32>} : memref<128x64xf32, #tpu.memory_space<vmem>>, vector<1x16xf32>,
        %get3A_109 = vector.shape_cast %get3A_108 : vector<1x16xf32> to vector<16xf32>
        %mul3A_110 = arith.mulf %get3A_109, %gather3A_88 : vector<16xf32>
        %sub3A_111 = arith.subf %get3A_109, %mul3A_110 : vector<16xf32>
        %swap3A_112 = arith.index_cast %and3A_33 : i32 to index
        %swap3A_113 = arith.index_cast %add3A_86 : i32 to index
        %swap3A_114 = arith.constant 16 : index
        %swap3A_115 = tpu.vector_load %arg7[%swap3A_112, %swap3A_113, %swap3A_114] {strides = array<i32>} : memref<2x128x128xf32, #tpu.memory_space<vmem>>, vector<1x1x16xf32>,
        %swap3A_116 = vector.shape_cast %swap3A_115 : vector<1x1x16xf32> to vector<16xf32>
        %swap3A_117 = vector.shape_cast %sub3A_111 : vector<16xf32> to vector<1x1x16xf32>
        tpu.vector_store %arg7[%swap3A_112, %swap3A_113, %swap3A_114], %swap3A_117 {strides = array<i32>} : memref<2x128x128xf32, #tpu.memory_space<vmem>>, vector<1x1x16xf32>,
        %swap3A_118 = arith.index_cast %and3A_33 : i32 to index
        %swap3A_119 = arith.index_cast %add3A_86 : i32 to index
        %swap3A_120 = arith.constant 80 : index
        %swap3A_121 = tpu.vector_load %arg7[%swap3A_118, %swap3A_119, %swap3A_120] {strides = array<i32>} : memref<2x128x128xf32, #tpu.memory_space<vmem>>, vector<1x1x16xf32>,
        %swap3A_122 = vector.shape_cast %swap3A_121 : vector<1x1x16xf32> to vector<16xf32>
        %swap3A_123 = vector.shape_cast %mul3A_110 : vector<16xf32> to vector<1x1x16xf32>
        tpu.vector_store %arg7[%swap3A_118, %swap3A_119, %swap3A_120], %swap3A_123 {strides = array<i32>} : memref<2x128x128xf32, #tpu.memory_space<vmem>>, vector<1x1x16xf32>,
        %get3A_124 = arith.index_cast %add3A_86 : i32 to index
        %get3A_125 = arith.constant 32 : index
        %get3A_126 = tpu.vector_load %arg6[%get3A_124, %get3A_125] {strides = array<i32>} : memref<128x64xf32, #tpu.memory_space<vmem>>, vector<1x16xf32>,
        %get3A_127 = vector.shape_cast %get3A_126 : vector<1x16xf32> to vector<16xf32>
        %mul3A_128 = arith.mulf %get3A_127, %gather3A_88 : vector<16xf32>
        %sub3A_129 = arith.subf %get3A_127, %mul3A_128 : vector<16xf32>
        %swap3A_130 = arith.index_cast %and3A_33 : i32 to index
        %swap3A_131 = arith.index_cast %add3A_86 : i32 to index
        %swap3A_132 = arith.constant 32 : index
        %swap3A_133 = tpu.vector_load %arg7[%swap3A_130, %swap3A_131, %swap3A_132] {strides = array<i32>} : memref<2x128x128xf32, #tpu.memory_space<vmem>>, vector<1x1x16xf32>,
        %swap3A_134 = vector.shape_cast %swap3A_133 : vector<1x1x16xf32> to vector<16xf32>
        %swap3A_135 = vector.shape_cast %sub3A_129 : vector<16xf32> to vector<1x1x16xf32>
        tpu.vector_store %arg7[%swap3A_130, %swap3A_131, %swap3A_132], %swap3A_135 {strides = array<i32>} : memref<2x128x128xf32, #tpu.memory_space<vmem>>, vector<1x1x16xf32>,
        %swap3A_136 = arith.index_cast %and3A_33 : i32 to index
        %swap3A_137 = arith.index_cast %add3A_86 : i32 to index
        %swap3A_138 = arith.constant 96 : index
        %swap3A_139 = tpu.vector_load %arg7[%swap3A_136, %swap3A_137, %swap3A_138] {strides = array<i32>} : memref<2x128x128xf32, #tpu.memory_space<vmem>>, vector<1x1x16xf32>,
        %swap3A_140 = vector.shape_cast %swap3A_139 : vector<1x1x16xf32> to vector<16xf32>
        %swap3A_141 = vector.shape_cast %mul3A_128 : vector<16xf32> to vector<1x1x16xf32>
        tpu.vector_store %arg7[%swap3A_136, %swap3A_137, %swap3A_138], %swap3A_141 {strides = array<i32>} : memref<2x128x128xf32, #tpu.memory_space<vmem>>, vector<1x1x16xf32>,
        %get3A_142 = arith.index_cast %add3A_86 : i32 to index
        %get3A_143 = arith.constant 48 : index
        %get3A_144 = tpu.vector_load %arg6[%get3A_142, %get3A_143] {strides = array<i32>} : memref<128x64xf32, #tpu.memory_space<vmem>>, vector<1x16xf32>,
        %get3A_145 = vector.shape_cast %get3A_144 : vector<1x16xf32> to vector<16xf32>
        %mul3A_146 = arith.mulf %get3A_145, %gather3A_88 : vector<16xf32>
        %sub3A_147 = arith.subf %get3A_145, %mul3A_146 : vector<16xf32>
        %swap3A_148 = arith.index_cast %and3A_33 : i32 to index
        %swap3A_149 = arith.index_cast %add3A_86 : i32 to index
        %swap3A_150 = arith.constant 48 : index
        %swap3A_151 = tpu.vector_load %arg7[%swap3A_148, %swap3A_149, %swap3A_150] {strides = array<i32>} : memref<2x128x128xf32, #tpu.memory_space<vmem>>, vector<1x1x16xf32>,
        %swap3A_152 = vector.shape_cast %swap3A_151 : vector<1x1x16xf32> to vector<16xf32>
        %swap3A_153 = vector.shape_cast %sub3A_147 : vector<16xf32> to vector<1x1x16xf32>
        tpu.vector_store %arg7[%swap3A_148, %swap3A_149, %swap3A_150], %swap3A_153 {strides = array<i32>} : memref<2x128x128xf32, #tpu.memory_space<vmem>>, vector<1x1x16xf32>,
        %swap3A_154 = arith.index_cast %and3A_33 : i32 to index
        %swap3A_155 = arith.index_cast %add3A_86 : i32 to index
        %swap3A_156 = arith.constant 112 : index
        %swap3A_157 = tpu.vector_load %arg7[%swap3A_154, %swap3A_155, %swap3A_156] {strides = array<i32>} : memref<2x128x128xf32, #tpu.memory_space<vmem>>, vector<1x1x16xf32>,
        %swap3A_158 = vector.shape_cast %swap3A_157 : vector<1x1x16xf32> to vector<16xf32>
        %swap3A_159 = vector.shape_cast %mul3A_146 : vector<16xf32> to vector<1x1x16xf32>
        tpu.vector_store %arg7[%swap3A_154, %swap3A_155, %swap3A_156], %swap3A_159 {strides = array<i32>} : memref<2x128x128xf32, #tpu.memory_space<vmem>>, vector<1x1x16xf32>,
        %mul3A_160 = arith.constant 16 : i32
        %mul3A_161 = arith.muli %scan3A_64, %mul3A_160 : i32
        %add3A_162 = arith.constant 1 : i32
        %add3A_163 = arith.addi %mul3A_161, %add3A_162 : i32
        %broadcast_in_dim3A_164 = arith.constant 1 : i32
        %broadcast_in_dim3A_165 = vector.broadcast %broadcast_in_dim3A_164 : i32 to vector<16x1xi32>
        %gather3A_166 = vector.shape_cast %broadcast_in_dim3A_165 : vector<16x1xi32> to vector<16xi32>
        %gather3A_167 = tpu.dynamic_gather %convert_element_type3A_82[%gather3A_166] in [0] : vector<16xf32>, vector<16xi32> -> vector<16xf32>
        %get3A_168 = arith.index_cast %add3A_163 : i32 to index
        %get3A_169 = arith.constant 0 : index
        %get3A_170 = tpu.vector_load %arg6[%get3A_168, %get3A_169] {strides = array<i32>} : memref<128x64xf32, #tpu.memory_space<vmem>>, vector<1x16xf32>,
        %get3A_171 = vector.shape_cast %get3A_170 : vector<1x16xf32> to vector<16xf32>
        %mul3A_172 = arith.mulf %get3A_171, %gather3A_167 : vector<16xf32>
        %sub3A_173 = arith.subf %get3A_171, %mul3A_172 : vector<16xf32>
        %swap3A_174 = arith.index_cast %and3A_33 : i32 to index
        %swap3A_175 = arith.index_cast %add3A_163 : i32 to index
        %swap3A_176 = arith.constant 0 : index
        %swap3A_177 = tpu.vector_load %arg7[%swap3A_174, %swap3A_175, %swap3A_176] {strides = array<i32>} : memref<2x128x128xf32, #tpu.memory_space<vmem>>, vector<1x1x16xf32>,
        %swap3A_178 = vector.shape_cast %swap3A_177 : vector<1x1x16xf32> to vector<16xf32>
        %swap3A_179 = vector.shape_cast %sub3A_173 : vector<16xf32> to vector<1x1x16xf32>
        tpu.vector_store %arg7[%swap3A_174, %swap3A_175, %swap3A_176], %swap3A_179 {strides = array<i32>} : memref<2x128x128xf32, #tpu.memory_space<vmem>>, vector<1x1x16xf32>,
        %swap3A_180 = arith.index_cast %and3A_33 : i32 to index
        %swap3A_181 = arith.index_cast %add3A_163 : i32 to index
        %swap3A_182 = arith.constant 64 : index
        %swap3A_183 = tpu.vector_load %arg7[%swap3A_180, %swap3A_181, %swap3A_182] {strides = array<i32>} : memref<2x128x128xf32, #tpu.memory_space<vmem>>, vector<1x1x16xf32>,
        %swap3A_184 = vector.shape_cast %swap3A_183 : vector<1x1x16xf32> to vector<16xf32>
        %swap3A_185 = vector.shape_cast %mul3A_172 : vector<16xf32> to vector<1x1x16xf32>
        tpu.vector_store %arg7[%swap3A_180, %swap3A_181, %swap3A_182], %swap3A_185 {strides = array<i32>} : memref<2x128x128xf32, #tpu.memory_space<vmem>>, vector<1x1x16xf32>,
        %get3A_186 = arith.index_cast %add3A_163 : i32 to index
        %get3A_187 = arith.constant 16 : index
        %get3A_188 = tpu.vector_load %arg6[%get3A_186, %get3A_187] {strides = array<i32>} : memref<128x64xf32, #tpu.memory_space<vmem>>, vector<1x16xf32>,
        %get3A_189 = vector.shape_cast %get3A_188 : vector<1x16xf32> to vector<16xf32>
        %mul3A_190 = arith.mulf %get3A_189, %gather3A_167 : vector<16xf32>
        %sub3A_191 = arith.subf %get3A_189, %mul3A_190 : vector<16xf32>
        %swap3A_192 = arith.index_cast %and3A_33 : i32 to index
        %swap3A_193 = arith.index_cast %add3A_163 : i32 to index
        %swap3A_194 = arith.constant 16 : index
        %swap3A_195 = tpu.vector_load %arg7[%swap3A_192, %swap3A_193, %swap3A_194] {strides = array<i32>} : memref<2x128x128xf32, #tpu.memory_space<vmem>>, vector<1x1x16xf32>,
        %swap3A_196 = vector.shape_cast %swap3A_195 : vector<1x1x16xf32> to vector<16xf32>
        %swap3A_197 = vector.shape_cast %sub3A_191 : vector<16xf32> to vector<1x1x16xf32>
        tpu.vector_store %arg7[%swap3A_192, %swap3A_193, %swap3A_194], %swap3A_197 {strides = array<i32>} : memref<2x128x128xf32, #tpu.memory_space<vmem>>, vector<1x1x16xf32>,
        %swap3A_198 = arith.index_cast %and3A_33 : i32 to index
        %swap3A_199 = arith.index_cast %add3A_163 : i32 to index
        %swap3A_200 = arith.constant 80 : index
        %swap3A_201 = tpu.vector_load %arg7[%swap3A_198, %swap3A_199, %swap3A_200] {strides = array<i32>} : memref<2x128x128xf32, #tpu.memory_space<vmem>>, vector<1x1x16xf32>,
        %swap3A_202 = vector.shape_cast %swap3A_201 : vector<1x1x16xf32> to vector<16xf32>
        %swap3A_203 = vector.shape_cast %mul3A_190 : vector<16xf32> to vector<1x1x16xf32>
        tpu.vector_store %arg7[%swap3A_198, %swap3A_199, %swap3A_200], %swap3A_203 {strides = array<i32>} : memref<2x128x128xf32, #tpu.memory_space<vmem>>, vector<1x1x16xf32>,
        %get3A_204 = arith.index_cast %add3A_163 : i32 to index
        %get3A_205 = arith.constant 32 : index
        %get3A_206 = tpu.vector_load %arg6[%get3A_204, %get3A_205] {strides = array<i32>} : memref<128x64xf32, #tpu.memory_space<vmem>>, vector<1x16xf32>,
        %get3A_207 = vector.shape_cast %get3A_206 : vector<1x16xf32> to vector<16xf32>
        %mul3A_208 = arith.mulf %get3A_207, %gather3A_167 : vector<16xf32>
        %sub3A_209 = arith.subf %get3A_207, %mul3A_208 : vector<16xf32>
        %swap3A_210 = arith.index_cast %and3A_33 : i32 to index
        %swap3A_211 = arith.index_cast %add3A_163 : i32 to index
        %swap3A_212 = arith.constant 32 : index
        %swap3A_213 = tpu.vector_load %arg7[%swap3A_210, %swap3A_211, %swap3A_212] {strides = array<i32>} : memref<2x128x128xf32, #tpu.memory_space<vmem>>, vector<1x1x16xf32>,
        %swap3A_214 = vector.shape_cast %swap3A_213 : vector<1x1x16xf32> to vector<16xf32>
        %swap3A_215 = vector.shape_cast %sub3A_209 : vector<16xf32> to vector<1x1x16xf32>
        tpu.vector_store %arg7[%swap3A_210, %swap3A_211, %swap3A_212], %swap3A_215 {strides = array<i32>} : memref<2x128x128xf32, #tpu.memory_space<vmem>>, vector<1x1x16xf32>,
        %swap3A_216 = arith.index_cast %and3A_33 : i32 to index
        %swap3A_217 = arith.index_cast %add3A_163 : i32 to index
        %swap3A_218 = arith.constant 96 : index
        %swap3A_219 = tpu.vector_load %arg7[%swap3A_216, %swap3A_217, %swap3A_218] {strides = array<i32>} : memref<2x128x128xf32, #tpu.memory_space<vmem>>, vector<1x1x16xf32>,
        %swap3A_220 = vector.shape_cast %swap3A_219 : vector<1x1x16xf32> to vector<16xf32>
        %swap3A_221 = vector.shape_cast %mul3A_208 : vector<16xf32> to vector<1x1x16xf32>
        tpu.vector_store %arg7[%swap3A_216, %swap3A_217, %swap3A_218], %swap3A_221 {strides = array<i32>} : memref<2x128x128xf32, #tpu.memory_space<vmem>>, vector<1x1x16xf32>,
        %get3A_222 = arith.index_cast %add3A_163 : i32 to index
        %get3A_223 = arith.constant 48 : index
        %get3A_224 = tpu.vector_load %arg6[%get3A_222, %get3A_223] {strides = array<i32>} : memref<128x64xf32, #tpu.memory_space<vmem>>, vector<1x16xf32>,
        %get3A_225 = vector.shape_cast %get3A_224 : vector<1x16xf32> to vector<16xf32>
        %mul3A_226 = arith.mulf %get3A_225, %gather3A_167 : vector<16xf32>
        %sub3A_227 = arith.subf %get3A_225, %mul3A_226 : vector<16xf32>
        %swap3A_228 = arith.index_cast %and3A_33 : i32 to index
        %swap3A_229 = arith.index_cast %add3A_163 : i32 to index
        %swap3A_230 = arith.constant 48 : index
        %swap3A_231 = tpu.vector_load %arg7[%swap3A_228, %swap3A_229, %swap3A_230] {strides = array<i32>} : memref<2x128x128xf32, #tpu.memory_space<vmem>>, vector<1x1x16xf32>,
        %swap3A_232 = vector.shape_cast %swap3A_231 : vector<1x1x16xf32> to vector<16xf32>
        %swap3A_233 = vector.shape_cast %sub3A_227 : vector<16xf32> to vector<1x1x16xf32>
        tpu.vector_store %arg7[%swap3A_228, %swap3A_229, %swap3A_230], %swap3A_233 {strides = array<i32>} : memref<2x128x128xf32, #tpu.memory_space<vmem>>, vector<1x1x16xf32>,
        %swap3A_234 = arith.index_cast %and3A_33 : i32 to index
        %swap3A_235 = arith.index_cast %add3A_163 : i32 to index
        %swap3A_236 = arith.constant 112 : index
        %swap3A_237 = tpu.vector_load %arg7[%swap3A_234, %swap3A_235, %swap3A_236] {strides = array<i32>} : memref<2x128x128xf32, #tpu.memory_space<vmem>>, vector<1x1x16xf32>,
        %swap3A_238 = vector.shape_cast %swap3A_237 : vector<1x1x16xf32> to vector<16xf32>
        %swap3A_239 = vector.shape_cast %mul3A_226 : vector<16xf32> to vector<1x1x16xf32>
        tpu.vector_store %arg7[%swap3A_234, %swap3A_235, %swap3A_236], %swap3A_239 {strides = array<i32>} : memref<2x128x128xf32, #tpu.memory_space<vmem>>, vector<1x1x16xf32>,
        %mul3A_240 = arith.constant 16 : i32
        %mul3A_241 = arith.muli %scan3A_64, %mul3A_240 : i32
        %add3A_242 = arith.constant 2 : i32
        %add3A_243 = arith.addi %mul3A_241, %add3A_242 : i32
        %broadcast_in_dim3A_244 = arith.constant 2 : i32
        %broadcast_in_dim3A_245 = vector.broadcast %broadcast_in_dim3A_244 : i32 to vector<16x1xi32>
        %gather3A_246 = vector.shape_cast %broadcast_in_dim3A_245 : vector<16x1xi32> to vector<16xi32>
        %gather3A_247 = tpu.dynamic_gather %convert_element_type3A_82[%gather3A_246] in [0] : vector<16xf32>, vector<16xi32> -> vector<16xf32>
        %get3A_248 = arith.index_cast %add3A_243 : i32 to index
        %get3A_249 = arith.constant 0 : index
        %get3A_250 = tpu.vector_load %arg6[%get3A_248, %get3A_249] {strides = array<i32>} : memref<128x64xf32, #tpu.memory_space<vmem>>, vector<1x16xf32>,
        %get3A_251 = vector.shape_cast %get3A_250 : vector<1x16xf32> to vector<16xf32>
        %mul3A_252 = arith.mulf %get3A_251, %gather3A_247 : vector<16xf32>
        %sub3A_253 = arith.subf %get3A_251, %mul3A_252 : vector<16xf32>
        %swap3A_254 = arith.index_cast %and3A_33 : i32 to index
        %swap3A_255 = arith.index_cast %add3A_243 : i32 to index
        %swap3A_256 = arith.constant 0 : index
        %swap3A_257 = tpu.vector_load %arg7[%swap3A_254, %swap3A_255, %swap3A_256] {strides = array<i32>} : memref<2x128x128xf32, #tpu.memory_space<vmem>>, vector<1x1x16xf32>,
        %swap3A_258 = vector.shape_cast %swap3A_257 : vector<1x1x16xf32> to vector<16xf32>
        %swap3A_259 = vector.shape_cast %sub3A_253 : vector<16xf32> to vector<1x1x16xf32>
        tpu.vector_store %arg7[%swap3A_254, %swap3A_255, %swap3A_256], %swap3A_259 {strides = array<i32>} : memref<2x128x128xf32, #tpu.memory_space<vmem>>, vector<1x1x16xf32>,
        %swap3A_260 = arith.index_cast %and3A_33 : i32 to index
        %swap3A_261 = arith.index_cast %add3A_243 : i32 to index
        %swap3A_262 = arith.constant 64 : index
        %swap3A_263 = tpu.vector_load %arg7[%swap3A_260, %swap3A_261, %swap3A_262] {strides = array<i32>} : memref<2x128x128xf32, #tpu.memory_space<vmem>>, vector<1x1x16xf32>,
        %swap3A_264 = vector.shape_cast %swap3A_263 : vector<1x1x16xf32> to vector<16xf32>
        %swap3A_265 = vector.shape_cast %mul3A_252 : vector<16xf32> to vector<1x1x16xf32>
        tpu.vector_store %arg7[%swap3A_260, %swap3A_261, %swap3A_262], %swap3A_265 {strides = array<i32>} : memref<2x128x128xf32, #tpu.memory_space<vmem>>, vector<1x1x16xf32>,
        %get3A_266 = arith.index_cast %add3A_243 : i32 to index
        %get3A_267 = arith.constant 16 : index
        %get3A_268 = tpu.vector_load %arg6[%get3A_266, %get3A_267] {strides = array<i32>} : memref<128x64xf32, #tpu.memory_space<vmem>>, vector<1x16xf32>,
        %get3A_269 = vector.shape_cast %get3A_268 : vector<1x16xf32> to vector<16xf32>
        %mul3A_270 = arith.mulf %get3A_269, %gather3A_247 : vector<16xf32>
        %sub3A_271 = arith.subf %get3A_269, %mul3A_270 : vector<16xf32>
        %swap3A_272 = arith.index_cast %and3A_33 : i32 to index
        %swap3A_273 = arith.index_cast %add3A_243 : i32 to index
        %swap3A_274 = arith.constant 16 : index
        %swap3A_275 = tpu.vector_load %arg7[%swap3A_272, %swap3A_273, %swap3A_274] {strides = array<i32>} : memref<2x128x128xf32, #tpu.memory_space<vmem>>, vector<1x1x16xf32>,
        %swap3A_276 = vector.shape_cast %swap3A_275 : vector<1x1x16xf32> to vector<16xf32>
        %swap3A_277 = vector.shape_cast %sub3A_271 : vector<16xf32> to vector<1x1x16xf32>
        tpu.vector_store %arg7[%swap3A_272, %swap3A_273, %swap3A_274], %swap3A_277 {strides = array<i32>} : memref<2x128x128xf32, #tpu.memory_space<vmem>>, vector<1x1x16xf32>,
        %swap3A_278 = arith.index_cast %and3A_33 : i32 to index
        %swap3A_279 = arith.index_cast %add3A_243 : i32 to index
        %swap3A_280 = arith.constant 80 : index
        %swap3A_281 = tpu.vector_load %arg7[%swap3A_278, %swap3A_279, %swap3A_280] {strides = array<i32>} : memref<2x128x128xf32, #tpu.memory_space<vmem>>, vector<1x1x16xf32>,
        %swap3A_282 = vector.shape_cast %swap3A_281 : vector<1x1x16xf32> to vector<16xf32>
        %swap3A_283 = vector.shape_cast %mul3A_270 : vector<16xf32> to vector<1x1x16xf32>
        tpu.vector_store %arg7[%swap3A_278, %swap3A_279, %swap3A_280], %swap3A_283 {strides = array<i32>} : memref<2x128x128xf32, #tpu.memory_space<vmem>>, vector<1x1x16xf32>,
        %get3A_284 = arith.index_cast %add3A_243 : i32 to index
        %get3A_285 = arith.constant 32 : index
        %get3A_286 = tpu.vector_load %arg6[%get3A_284, %get3A_285] {strides = array<i32>} : memref<128x64xf32, #tpu.memory_space<vmem>>, vector<1x16xf32>,
        %get3A_287 = vector.shape_cast %get3A_286 : vector<1x16xf32> to vector<16xf32>
        %mul3A_288 = arith.mulf %get3A_287, %gather3A_247 : vector<16xf32>
        %sub3A_289 = arith.subf %get3A_287, %mul3A_288 : vector<16xf32>
        %swap3A_290 = arith.index_cast %and3A_33 : i32 to index
        %swap3A_291 = arith.index_cast %add3A_243 : i32 to index
        %swap3A_292 = arith.constant 32 : index
        %swap3A_293 = tpu.vector_load %arg7[%swap3A_290, %swap3A_291, %swap3A_292] {strides = array<i32>} : memref<2x128x128xf32, #tpu.memory_space<vmem>>, vector<1x1x16xf32>,
        %swap3A_294 = vector.shape_cast %swap3A_293 : vector<1x1x16xf32> to vector<16xf32>
        %swap3A_295 = vector.shape_cast %sub3A_289 : vector<16xf32> to vector<1x1x16xf32>
        tpu.vector_store %arg7[%swap3A_290, %swap3A_291, %swap3A_292], %swap3A_295 {strides = array<i32>} : memref<2x128x128xf32, #tpu.memory_space<vmem>>, vector<1x1x16xf32>,
        %swap3A_296 = arith.index_cast %and3A_33 : i32 to index
        %swap3A_297 = arith.index_cast %add3A_243 : i32 to index
        %swap3A_298 = arith.constant 96 : index
        %swap3A_299 = tpu.vector_load %arg7[%swap3A_296, %swap3A_297, %swap3A_298] {strides = array<i32>} : memref<2x128x128xf32, #tpu.memory_space<vmem>>, vector<1x1x16xf32>,
        %swap3A_300 = vector.shape_cast %swap3A_299 : vector<1x1x16xf32> to vector<16xf32>
        %swap3A_301 = vector.shape_cast %mul3A_288 : vector<16xf32> to vector<1x1x16xf32>
        tpu.vector_store %arg7[%swap3A_296, %swap3A_297, %swap3A_298], %swap3A_301 {strides = array<i32>} : memref<2x128x128xf32, #tpu.memory_space<vmem>>, vector<1x1x16xf32>,
        %get3A_302 = arith.index_cast %add3A_243 : i32 to index
        %get3A_303 = arith.constant 48 : index
        %get3A_304 = tpu.vector_load %arg6[%get3A_302, %get3A_303] {strides = array<i32>} : memref<128x64xf32, #tpu.memory_space<vmem>>, vector<1x16xf32>,
        %get3A_305 = vector.shape_cast %get3A_304 : vector<1x16xf32> to vector<16xf32>
        %mul3A_306 = arith.mulf %get3A_305, %gather3A_247 : vector<16xf32>
        %sub3A_307 = arith.subf %get3A_305, %mul3A_306 : vector<16xf32>
        %swap3A_308 = arith.index_cast %and3A_33 : i32 to index
        %swap3A_309 = arith.index_cast %add3A_243 : i32 to index
        %swap3A_310 = arith.constant 48 : index
        %swap3A_311 = tpu.vector_load %arg7[%swap3A_308, %swap3A_309, %swap3A_310] {strides = array<i32>} : memref<2x128x128xf32, #tpu.memory_space<vmem>>, vector<1x1x16xf32>,
        %swap3A_312 = vector.shape_cast %swap3A_311 : vector<1x1x16xf32> to vector<16xf32>
        %swap3A_313 = vector.shape_cast %sub3A_307 : vector<16xf32> to vector<1x1x16xf32>
        tpu.vector_store %arg7[%swap3A_308, %swap3A_309, %swap3A_310], %swap3A_313 {strides = array<i32>} : memref<2x128x128xf32, #tpu.memory_space<vmem>>, vector<1x1x16xf32>,
        %swap3A_314 = arith.index_cast %and3A_33 : i32 to index
        %swap3A_315 = arith.index_cast %add3A_243 : i32 to index
        %swap3A_316 = arith.constant 112 : index
        %swap3A_317 = tpu.vector_load %arg7[%swap3A_314, %swap3A_315, %swap3A_316] {strides = array<i32>} : memref<2x128x128xf32, #tpu.memory_space<vmem>>, vector<1x1x16xf32>,
        %swap3A_318 = vector.shape_cast %swap3A_317 : vector<1x1x16xf32> to vector<16xf32>
        %swap3A_319 = vector.shape_cast %mul3A_306 : vector<16xf32> to vector<1x1x16xf32>
        tpu.vector_store %arg7[%swap3A_314, %swap3A_315, %swap3A_316], %swap3A_319 {strides = array<i32>} : memref<2x128x128xf32, #tpu.memory_space<vmem>>, vector<1x1x16xf32>,
        %mul3A_320 = arith.constant 16 : i32
        %mul3A_321 = arith.muli %scan3A_64, %mul3A_320 : i32
        %add3A_322 = arith.constant 3 : i32
        %add3A_323 = arith.addi %mul3A_321, %add3A_322 : i32
        %broadcast_in_dim3A_324 = arith.constant 3 : i32
        %broadcast_in_dim3A_325 = vector.broadcast %broadcast_in_dim3A_324 : i32 to vector<16x1xi32>
        %gather3A_326 = vector.shape_cast %broadcast_in_dim3A_325 : vector<16x1xi32> to vector<16xi32>
        %gather3A_327 = tpu.dynamic_gather %convert_element_type3A_82[%gather3A_326] in [0] : vector<16xf32>, vector<16xi32> -> vector<16xf32>
        %get3A_328 = arith.index_cast %add3A_323 : i32 to index
        %get3A_329 = arith.constant 0 : index
        %get3A_330 = tpu.vector_load %arg6[%get3A_328, %get3A_329] {strides = array<i32>} : memref<128x64xf32, #tpu.memory_space<vmem>>, vector<1x16xf32>,
        %get3A_331 = vector.shape_cast %get3A_330 : vector<1x16xf32> to vector<16xf32>
        %mul3A_332 = arith.mulf %get3A_331, %gather3A_327 : vector<16xf32>
        %sub3A_333 = arith.subf %get3A_331, %mul3A_332 : vector<16xf32>
        %swap3A_334 = arith.index_cast %and3A_33 : i32 to index
        %swap3A_335 = arith.index_cast %add3A_323 : i32 to index
        %swap3A_336 = arith.constant 0 : index
        %swap3A_337 = tpu.vector_load %arg7[%swap3A_334, %swap3A_335, %swap3A_336] {strides = array<i32>} : memref<2x128x128xf32, #tpu.memory_space<vmem>>, vector<1x1x16xf32>,
        %swap3A_338 = vector.shape_cast %swap3A_337 : vector<1x1x16xf32> to vector<16xf32>
        %swap3A_339 = vector.shape_cast %sub3A_333 : vector<16xf32> to vector<1x1x16xf32>
        tpu.vector_store %arg7[%swap3A_334, %swap3A_335, %swap3A_336], %swap3A_339 {strides = array<i32>} : memref<2x128x128xf32, #tpu.memory_space<vmem>>, vector<1x1x16xf32>,
        %swap3A_340 = arith.index_cast %and3A_33 : i32 to index
        %swap3A_341 = arith.index_cast %add3A_323 : i32 to index
        %swap3A_342 = arith.constant 64 : index
        %swap3A_343 = tpu.vector_load %arg7[%swap3A_340, %swap3A_341, %swap3A_342] {strides = array<i32>} : memref<2x128x128xf32, #tpu.memory_space<vmem>>, vector<1x1x16xf32>,
        %swap3A_344 = vector.shape_cast %swap3A_343 : vector<1x1x16xf32> to vector<16xf32>
        %swap3A_345 = vector.shape_cast %mul3A_332 : vector<16xf32> to vector<1x1x16xf32>
        tpu.vector_store %arg7[%swap3A_340, %swap3A_341, %swap3A_342], %swap3A_345 {strides = array<i32>} : memref<2x128x128xf32, #tpu.memory_space<vmem>>, vector<1x1x16xf32>,
        %get3A_346 = arith.index_cast %add3A_323 : i32 to index
        %get3A_347 = arith.constant 16 : index
        %get3A_348 = tpu.vector_load %arg6[%get3A_346, %get3A_347] {strides = array<i32>} : memref<128x64xf32, #tpu.memory_space<vmem>>, vector<1x16xf32>,
        %get3A_349 = vector.shape_cast %get3A_348 : vector<1x16xf32> to vector<16xf32>
        %mul3A_350 = arith.mulf %get3A_349, %gather3A_327 : vector<16xf32>
        %sub3A_351 = arith.subf %get3A_349, %mul3A_350 : vector<16xf32>
        %swap3A_352 = arith.index_cast %and3A_33 : i32 to index
        %swap3A_353 = arith.index_cast %add3A_323 : i32 to index
        %swap3A_354 = arith.constant 16 : index
        %swap3A_355 = tpu.vector_load %arg7[%swap3A_352, %swap3A_353, %swap3A_354] {strides = array<i32>} : memref<2x128x128xf32, #tpu.memory_space<vmem>>, vector<1x1x16xf32>,
        %swap3A_356 = vector.shape_cast %swap3A_355 : vector<1x1x16xf32> to vector<16xf32>
        %swap3A_357 = vector.shape_cast %sub3A_351 : vector<16xf32> to vector<1x1x16xf32>
        tpu.vector_store %arg7[%swap3A_352, %swap3A_353, %swap3A_354], %swap3A_357 {strides = array<i32>} : memref<2x128x128xf32, #tpu.memory_space<vmem>>, vector<1x1x16xf32>,
        %swap3A_358 = arith.index_cast %and3A_33 : i32 to index
        %swap3A_359 = arith.index_cast %add3A_323 : i32 to index
        %swap3A_360 = arith.constant 80 : index
        %swap3A_361 = tpu.vector_load %arg7[%swap3A_358, %swap3A_359, %swap3A_360] {strides = array<i32>} : memref<2x128x128xf32, #tpu.memory_space<vmem>>, vector<1x1x16xf32>,
        %swap3A_362 = vector.shape_cast %swap3A_361 : vector<1x1x16xf32> to vector<16xf32>
        %swap3A_363 = vector.shape_cast %mul3A_350 : vector<16xf32> to vector<1x1x16xf32>
        tpu.vector_store %arg7[%swap3A_358, %swap3A_359, %swap3A_360], %swap3A_363 {strides = array<i32>} : memref<2x128x128xf32, #tpu.memory_space<vmem>>, vector<1x1x16xf32>,
        %get3A_364 = arith.index_cast %add3A_323 : i32 to index
        %get3A_365 = arith.constant 32 : index
        %get3A_366 = tpu.vector_load %arg6[%get3A_364, %get3A_365] {strides = array<i32>} : memref<128x64xf32, #tpu.memory_space<vmem>>, vector<1x16xf32>,
        %get3A_367 = vector.shape_cast %get3A_366 : vector<1x16xf32> to vector<16xf32>
        %mul3A_368 = arith.mulf %get3A_367, %gather3A_327 : vector<16xf32>
        %sub3A_369 = arith.subf %get3A_367, %mul3A_368 : vector<16xf32>
        %swap3A_370 = arith.index_cast %and3A_33 : i32 to index
        %swap3A_371 = arith.index_cast %add3A_323 : i32 to index
        %swap3A_372 = arith.constant 32 : index
        %swap3A_373 = tpu.vector_load %arg7[%swap3A_370, %swap3A_371, %swap3A_372] {strides = array<i32>} : memref<2x128x128xf32, #tpu.memory_space<vmem>>, vector<1x1x16xf32>,
        %swap3A_374 = vector.shape_cast %swap3A_373 : vector<1x1x16xf32> to vector<16xf32>
        %swap3A_375 = vector.shape_cast %sub3A_369 : vector<16xf32> to vector<1x1x16xf32>
        tpu.vector_store %arg7[%swap3A_370, %swap3A_371, %swap3A_372], %swap3A_375 {strides = array<i32>} : memref<2x128x128xf32, #tpu.memory_space<vmem>>, vector<1x1x16xf32>,
        %swap3A_376 = arith.index_cast %and3A_33 : i32 to index
        %swap3A_377 = arith.index_cast %add3A_323 : i32 to index
        %swap3A_378 = arith.constant 96 : index
        %swap3A_379 = tpu.vector_load %arg7[%swap3A_376, %swap3A_377, %swap3A_378] {strides = array<i32>} : memref<2x128x128xf32, #tpu.memory_space<vmem>>, vector<1x1x16xf32>,
        %swap3A_380 = vector.shape_cast %swap3A_379 : vector<1x1x16xf32> to vector<16xf32>
        %swap3A_381 = vector.shape_cast %mul3A_368 : vector<16xf32> to vector<1x1x16xf32>
        tpu.vector_store %arg7[%swap3A_376, %swap3A_377, %swap3A_378], %swap3A_381 {strides = array<i32>} : memref<2x128x128xf32, #tpu.memory_space<vmem>>, vector<1x1x16xf32>,
        %get3A_382 = arith.index_cast %add3A_323 : i32 to index
        %get3A_383 = arith.constant 48 : index
        %get3A_384 = tpu.vector_load %arg6[%get3A_382, %get3A_383] {strides = array<i32>} : memref<128x64xf32, #tpu.memory_space<vmem>>, vector<1x16xf32>,
        %get3A_385 = vector.shape_cast %get3A_384 : vector<1x16xf32> to vector<16xf32>
        %mul3A_386 = arith.mulf %get3A_385, %gather3A_327 : vector<16xf32>
        %sub3A_387 = arith.subf %get3A_385, %mul3A_386 : vector<16xf32>
        %swap3A_388 = arith.index_cast %and3A_33 : i32 to index
        %swap3A_389 = arith.index_cast %add3A_323 : i32 to index
        %swap3A_390 = arith.constant 48 : index
        %swap3A_391 = tpu.vector_load %arg7[%swap3A_388, %swap3A_389, %swap3A_390] {strides = array<i32>} : memref<2x128x128xf32, #tpu.memory_space<vmem>>, vector<1x1x16xf32>,
        %swap3A_392 = vector.shape_cast %swap3A_391 : vector<1x1x16xf32> to vector<16xf32>
        %swap3A_393 = vector.shape_cast %sub3A_387 : vector<16xf32> to vector<1x1x16xf32>
        tpu.vector_store %arg7[%swap3A_388, %swap3A_389, %swap3A_390], %swap3A_393 {strides = array<i32>} : memref<2x128x128xf32, #tpu.memory_space<vmem>>, vector<1x1x16xf32>,
        %swap3A_394 = arith.index_cast %and3A_33 : i32 to index
        %swap3A_395 = arith.index_cast %add3A_323 : i32 to index
        %swap3A_396 = arith.constant 112 : index
        %swap3A_397 = tpu.vector_load %arg7[%swap3A_394, %swap3A_395, %swap3A_396] {strides = array<i32>} : memref<2x128x128xf32, #tpu.memory_space<vmem>>, vector<1x1x16xf32>,
        %swap3A_398 = vector.shape_cast %swap3A_397 : vector<1x1x16xf32> to vector<16xf32>
        %swap3A_399 = vector.shape_cast %mul3A_386 : vector<16xf32> to vector<1x1x16xf32>
        tpu.vector_store %arg7[%swap3A_394, %swap3A_395, %swap3A_396], %swap3A_399 {strides = array<i32>} : memref<2x128x128xf32, #tpu.memory_space<vmem>>, vector<1x1x16xf32>,
        %mul3A_400 = arith.constant 16 : i32
        %mul3A_401 = arith.muli %scan3A_64, %mul3A_400 : i32
        %add3A_402 = arith.constant 4 : i32
        %add3A_403 = arith.addi %mul3A_401, %add3A_402 : i32
        %broadcast_in_dim3A_404 = arith.constant 4 : i32
        %broadcast_in_dim3A_405 = vector.broadcast %broadcast_in_dim3A_404 : i32 to vector<16x1xi32>
        %gather3A_406 = vector.shape_cast %broadcast_in_dim3A_405 : vector<16x1xi32> to vector<16xi32>
        %gather3A_407 = tpu.dynamic_gather %convert_element_type3A_82[%gather3A_406] in [0] : vector<16xf32>, vector<16xi32> -> vector<16xf32>
        %get3A_408 = arith.index_cast %add3A_403 : i32 to index
        %get3A_409 = arith.constant 0 : index
        %get3A_410 = tpu.vector_load %arg6[%get3A_408, %get3A_409] {strides = array<i32>} : memref<128x64xf32, #tpu.memory_space<vmem>>, vector<1x16xf32>,
        %get3A_411 = vector.shape_cast %get3A_410 : vector<1x16xf32> to vector<16xf32>
        %mul3A_412 = arith.mulf %get3A_411, %gather3A_407 : vector<16xf32>
        %sub3A_413 = arith.subf %get3A_411, %mul3A_412 : vector<16xf32>
        %swap3A_414 = arith.index_cast %and3A_33 : i32 to index
        %swap3A_415 = arith.index_cast %add3A_403 : i32 to index
        %swap3A_416 = arith.constant 0 : index
        %swap3A_417 = tpu.vector_load %arg7[%swap3A_414, %swap3A_415, %swap3A_416] {strides = array<i32>} : memref<2x128x128xf32, #tpu.memory_space<vmem>>, vector<1x1x16xf32>,
        %swap3A_418 = vector.shape_cast %swap3A_417 : vector<1x1x16xf32> to vector<16xf32>
        %swap3A_419 = vector.shape_cast %sub3A_413 : vector<16xf32> to vector<1x1x16xf32>
        tpu.vector_store %arg7[%swap3A_414, %swap3A_415, %swap3A_416], %swap3A_419 {strides = array<i32>} : memref<2x128x128xf32, #tpu.memory_space<vmem>>, vector<1x1x16xf32>,
        %swap3A_420 = arith.index_cast %and3A_33 : i32 to index
        %swap3A_421 = arith.index_cast %add3A_403 : i32 to index
        %swap3A_422 = arith.constant 64 : index
        %swap3A_423 = tpu.vector_load %arg7[%swap3A_420, %swap3A_421, %swap3A_422] {strides = array<i32>} : memref<2x128x128xf32, #tpu.memory_space<vmem>>, vector<1x1x16xf32>,
        %swap3A_424 = vector.shape_cast %swap3A_423 : vector<1x1x16xf32> to vector<16xf32>
        %swap3A_425 = vector.shape_cast %mul3A_412 : vector<16xf32> to vector<1x1x16xf32>
        tpu.vector_store %arg7[%swap3A_420, %swap3A_421, %swap3A_422], %swap3A_425 {strides = array<i32>} : memref<2x128x128xf32, #tpu.memory_space<vmem>>, vector<1x1x16xf32>,
        %get3A_426 = arith.index_cast %add3A_403 : i32 to index
        %get3A_427 = arith.constant 16 : index
        %get3A_428 = tpu.vector_load %arg6[%get3A_426, %get3A_427] {strides = array<i32>} : memref<128x64xf32, #tpu.memory_space<vmem>>, vector<1x16xf32>,
        %get3A_429 = vector.shape_cast %get3A_428 : vector<1x16xf32> to vector<16xf32>
        %mul3A_430 = arith.mulf %get3A_429, %gather3A_407 : vector<16xf32>
        %sub3A_431 = arith.subf %get3A_429, %mul3A_430 : vector<16xf32>
        %swap3A_432 = arith.index_cast %and3A_33 : i32 to index
        %swap3A_433 = arith.index_cast %add3A_403 : i32 to index
        %swap3A_434 = arith.constant 16 : index
        %swap3A_435 = tpu.vector_load %arg7[%swap3A_432, %swap3A_433, %swap3A_434] {strides = array<i32>} : memref<2x128x128xf32, #tpu.memory_space<vmem>>, vector<1x1x16xf32>,
        %swap3A_436 = vector.shape_cast %swap3A_435 : vector<1x1x16xf32> to vector<16xf32>
        %swap3A_437 = vector.shape_cast %sub3A_431 : vector<16xf32> to vector<1x1x16xf32>
        tpu.vector_store %arg7[%swap3A_432, %swap3A_433, %swap3A_434], %swap3A_437 {strides = array<i32>} : memref<2x128x128xf32, #tpu.memory_space<vmem>>, vector<1x1x16xf32>,
        %swap3A_438 = arith.index_cast %and3A_33 : i32 to index
        %swap3A_439 = arith.index_cast %add3A_403 : i32 to index
        %swap3A_440 = arith.constant 80 : index
        %swap3A_441 = tpu.vector_load %arg7[%swap3A_438, %swap3A_439, %swap3A_440] {strides = array<i32>} : memref<2x128x128xf32, #tpu.memory_space<vmem>>, vector<1x1x16xf32>,
        %swap3A_442 = vector.shape_cast %swap3A_441 : vector<1x1x16xf32> to vector<16xf32>
        %swap3A_443 = vector.shape_cast %mul3A_430 : vector<16xf32> to vector<1x1x16xf32>
        tpu.vector_store %arg7[%swap3A_438, %swap3A_439, %swap3A_440], %swap3A_443 {strides = array<i32>} : memref<2x128x128xf32, #tpu.memory_space<vmem>>, vector<1x1x16xf32>,
        %get3A_444 = arith.index_cast %add3A_403 : i32 to index
        %get3A_445 = arith.constant 32 : index
        %get3A_446 = tpu.vector_load %arg6[%get3A_444, %get3A_445] {strides = array<i32>} : memref<128x64xf32, #tpu.memory_space<vmem>>, vector<1x16xf32>,
        %get3A_447 = vector.shape_cast %get3A_446 : vector<1x16xf32> to vector<16xf32>
        %mul3A_448 = arith.mulf %get3A_447, %gather3A_407 : vector<16xf32>
        %sub3A_449 = arith.subf %get3A_447, %mul3A_448 : vector<16xf32>
        %swap3A_450 = arith.index_cast %and3A_33 : i32 to index
        %swap3A_451 = arith.index_cast %add3A_403 : i32 to index
        %swap3A_452 = arith.constant 32 : index
        %swap3A_453 = tpu.vector_load %arg7[%swap3A_450, %swap3A_451, %swap3A_452] {strides = array<i32>} : memref<2x128x128xf32, #tpu.memory_space<vmem>>, vector<1x1x16xf32>,
        %swap3A_454 = vector.shape_cast %swap3A_453 : vector<1x1x16xf32> to vector<16xf32>
        %swap3A_455 = vector.shape_cast %sub3A_449 : vector<16xf32> to vector<1x1x16xf32>
        tpu.vector_store %arg7[%swap3A_450, %swap3A_451, %swap3A_452], %swap3A_455 {strides = array<i32>} : memref<2x128x128xf32, #tpu.memory_space<vmem>>, vector<1x1x16xf32>,
        %swap3A_456 = arith.index_cast %and3A_33 : i32 to index
        %swap3A_457 = arith.index_cast %add3A_403 : i32 to index
        %swap3A_458 = arith.constant 96 : index
        %swap3A_459 = tpu.vector_load %arg7[%swap3A_456, %swap3A_457, %swap3A_458] {strides = array<i32>} : memref<2x128x128xf32, #tpu.memory_space<vmem>>, vector<1x1x16xf32>,
        %swap3A_460 = vector.shape_cast %swap3A_459 : vector<1x1x16xf32> to vector<16xf32>
        %swap3A_461 = vector.shape_cast %mul3A_448 : vector<16xf32> to vector<1x1x16xf32>
        tpu.vector_store %arg7[%swap3A_456, %swap3A_457, %swap3A_458], %swap3A_461 {strides = array<i32>} : memref<2x128x128xf32, #tpu.memory_space<vmem>>, vector<1x1x16xf32>,
        %get3A_462 = arith.index_cast %add3A_403 : i32 to index
        %get3A_463 = arith.constant 48 : index
        %get3A_464 = tpu.vector_load %arg6[%get3A_462, %get3A_463] {strides = array<i32>} : memref<128x64xf32, #tpu.memory_space<vmem>>, vector<1x16xf32>,
        %get3A_465 = vector.shape_cast %get3A_464 : vector<1x16xf32> to vector<16xf32>
        %mul3A_466 = arith.mulf %get3A_465, %gather3A_407 : vector<16xf32>
        %sub3A_467 = arith.subf %get3A_465, %mul3A_466 : vector<16xf32>
        %swap3A_468 = arith.index_cast %and3A_33 : i32 to index
        %swap3A_469 = arith.index_cast %add3A_403 : i32 to index
        %swap3A_470 = arith.constant 48 : index
        %swap3A_471 = tpu.vector_load %arg7[%swap3A_468, %swap3A_469, %swap3A_470] {strides = array<i32>} : memref<2x128x128xf32, #tpu.memory_space<vmem>>, vector<1x1x16xf32>,
        %swap3A_472 = vector.shape_cast %swap3A_471 : vector<1x1x16xf32> to vector<16xf32>
        %swap3A_473 = vector.shape_cast %sub3A_467 : vector<16xf32> to vector<1x1x16xf32>
        tpu.vector_store %arg7[%swap3A_468, %swap3A_469, %swap3A_470], %swap3A_473 {strides = array<i32>} : memref<2x128x128xf32, #tpu.memory_space<vmem>>, vector<1x1x16xf32>,
        %swap3A_474 = arith.index_cast %and3A_33 : i32 to index
        %swap3A_475 = arith.index_cast %add3A_403 : i32 to index
        %swap3A_476 = arith.constant 112 : index
        %swap3A_477 = tpu.vector_load %arg7[%swap3A_474, %swap3A_475, %swap3A_476] {strides = array<i32>} : memref<2x128x128xf32, #tpu.memory_space<vmem>>, vector<1x1x16xf32>,
        %swap3A_478 = vector.shape_cast %swap3A_477 : vector<1x1x16xf32> to vector<16xf32>
        %swap3A_479 = vector.shape_cast %mul3A_466 : vector<16xf32> to vector<1x1x16xf32>
        tpu.vector_store %arg7[%swap3A_474, %swap3A_475, %swap3A_476], %swap3A_479 {strides = array<i32>} : memref<2x128x128xf32, #tpu.memory_space<vmem>>, vector<1x1x16xf32>,
        %mul3A_480 = arith.constant 16 : i32
        %mul3A_481 = arith.muli %scan3A_64, %mul3A_480 : i32
        %add3A_482 = arith.constant 5 : i32
        %add3A_483 = arith.addi %mul3A_481, %add3A_482 : i32
        %broadcast_in_dim3A_484 = arith.constant 5 : i32
        %broadcast_in_dim3A_485 = vector.broadcast %broadcast_in_dim3A_484 : i32 to vector<16x1xi32>
        %gather3A_486 = vector.shape_cast %broadcast_in_dim3A_485 : vector<16x1xi32> to vector<16xi32>
        %gather3A_487 = tpu.dynamic_gather %convert_element_type3A_82[%gather3A_486] in [0] : vector<16xf32>, vector<16xi32> -> vector<16xf32>
        %get3A_488 = arith.index_cast %add3A_483 : i32 to index
        %get3A_489 = arith.constant 0 : index
        %get3A_490 = tpu.vector_load %arg6[%get3A_488, %get3A_489] {strides = array<i32>} : memref<128x64xf32, #tpu.memory_space<vmem>>, vector<1x16xf32>,
        %get3A_491 = vector.shape_cast %get3A_490 : vector<1x16xf32> to vector<16xf32>
        %mul3A_492 = arith.mulf %get3A_491, %gather3A_487 : vector<16xf32>
        %sub3A_493 = arith.subf %get3A_491, %mul3A_492 : vector<16xf32>
        %swap3A_494 = arith.index_cast %and3A_33 : i32 to index
        %swap3A_495 = arith.index_cast %add3A_483 : i32 to index
        %swap3A_496 = arith.constant 0 : index
        %swap3A_497 = tpu.vector_load %arg7[%swap3A_494, %swap3A_495, %swap3A_496] {strides = array<i32>} : memref<2x128x128xf32, #tpu.memory_space<vmem>>, vector<1x1x16xf32>,
        %swap3A_498 = vector.shape_cast %swap3A_497 : vector<1x1x16xf32> to vector<16xf32>
        %swap3A_499 = vector.shape_cast %sub3A_493 : vector<16xf32> to vector<1x1x16xf32>
        tpu.vector_store %arg7[%swap3A_494, %swap3A_495, %swap3A_496], %swap3A_499 {strides = array<i32>} : memref<2x128x128xf32, #tpu.memory_space<vmem>>, vector<1x1x16xf32>,
        %swap3A_500 = arith.index_cast %and3A_33 : i32 to index
        %swap3A_501 = arith.index_cast %add3A_483 : i32 to index
        %swap3A_502 = arith.constant 64 : index
        %swap3A_503 = tpu.vector_load %arg7[%swap3A_500, %swap3A_501, %swap3A_502] {strides = array<i32>} : memref<2x128x128xf32, #tpu.memory_space<vmem>>, vector<1x1x16xf32>,
        %swap3A_504 = vector.shape_cast %swap3A_503 : vector<1x1x16xf32> to vector<16xf32>
        %swap3A_505 = vector.shape_cast %mul3A_492 : vector<16xf32> to vector<1x1x16xf32>
        tpu.vector_store %arg7[%swap3A_500, %swap3A_501, %swap3A_502], %swap3A_505 {strides = array<i32>} : memref<2x128x128xf32, #tpu.memory_space<vmem>>, vector<1x1x16xf32>,
        %get3A_506 = arith.index_cast %add3A_483 : i32 to index
        %get3A_507 = arith.constant 16 : index
        %get3A_508 = tpu.vector_load %arg6[%get3A_506, %get3A_507] {strides = array<i32>} : memref<128x64xf32, #tpu.memory_space<vmem>>, vector<1x16xf32>,
        %get3A_509 = vector.shape_cast %get3A_508 : vector<1x16xf32> to vector<16xf32>
        %mul3A_510 = arith.mulf %get3A_509, %gather3A_487 : vector<16xf32>
        %sub3A_511 = arith.subf %get3A_509, %mul3A_510 : vector<16xf32>
        %swap3A_512 = arith.index_cast %and3A_33 : i32 to index
        %swap3A_513 = arith.index_cast %add3A_483 : i32 to index
        %swap3A_514 = arith.constant 16 : index
        %swap3A_515 = tpu.vector_load %arg7[%swap3A_512, %swap3A_513, %swap3A_514] {strides = array<i32>} : memref<2x128x128xf32, #tpu.memory_space<vmem>>, vector<1x1x16xf32>,
        %swap3A_516 = vector.shape_cast %swap3A_515 : vector<1x1x16xf32> to vector<16xf32>
        %swap3A_517 = vector.shape_cast %sub3A_511 : vector<16xf32> to vector<1x1x16xf32>
        tpu.vector_store %arg7[%swap3A_512, %swap3A_513, %swap3A_514], %swap3A_517 {strides = array<i32>} : memref<2x128x128xf32, #tpu.memory_space<vmem>>, vector<1x1x16xf32>,
        %swap3A_518 = arith.index_cast %and3A_33 : i32 to index
        %swap3A_519 = arith.index_cast %add3A_483 : i32 to index
        %swap3A_520 = arith.constant 80 : index
        %swap3A_521 = tpu.vector_load %arg7[%swap3A_518, %swap3A_519, %swap3A_520] {strides = array<i32>} : memref<2x128x128xf32, #tpu.memory_space<vmem>>, vector<1x1x16xf32>,
        %swap3A_522 = vector.shape_cast %swap3A_521 : vector<1x1x16xf32> to vector<16xf32>
        %swap3A_523 = vector.shape_cast %mul3A_510 : vector<16xf32> to vector<1x1x16xf32>
        tpu.vector_store %arg7[%swap3A_518, %swap3A_519, %swap3A_520], %swap3A_523 {strides = array<i32>} : memref<2x128x128xf32, #tpu.memory_space<vmem>>, vector<1x1x16xf32>,
        %get3A_524 = arith.index_cast %add3A_483 : i32 to index
        %get3A_525 = arith.constant 32 : index
        %get3A_526 = tpu.vector_load %arg6[%get3A_524, %get3A_525] {strides = array<i32>} : memref<128x64xf32, #tpu.memory_space<vmem>>, vector<1x16xf32>,
        %get3A_527 = vector.shape_cast %get3A_526 : vector<1x16xf32> to vector<16xf32>
        %mul3A_528 = arith.mulf %get3A_527, %gather3A_487 : vector<16xf32>
        %sub3A_529 = arith.subf %get3A_527, %mul3A_528 : vector<16xf32>
        %swap3A_530 = arith.index_cast %and3A_33 : i32 to index
        %swap3A_531 = arith.index_cast %add3A_483 : i32 to index
        %swap3A_532 = arith.constant 32 : index
        %swap3A_533 = tpu.vector_load %arg7[%swap3A_530, %swap3A_531, %swap3A_532] {strides = array<i32>} : memref<2x128x128xf32, #tpu.memory_space<vmem>>, vector<1x1x16xf32>,
        %swap3A_534 = vector.shape_cast %swap3A_533 : vector<1x1x16xf32> to vector<16xf32>
        %swap3A_535 = vector.shape_cast %sub3A_529 : vector<16xf32> to vector<1x1x16xf32>
        tpu.vector_store %arg7[%swap3A_530, %swap3A_531, %swap3A_532], %swap3A_535 {strides = array<i32>} : memref<2x128x128xf32, #tpu.memory_space<vmem>>, vector<1x1x16xf32>,
        %swap3A_536 = arith.index_cast %and3A_33 : i32 to index
        %swap3A_537 = arith.index_cast %add3A_483 : i32 to index
        %swap3A_538 = arith.constant 96 : index
        %swap3A_539 = tpu.vector_load %arg7[%swap3A_536, %swap3A_537, %swap3A_538] {strides = array<i32>} : memref<2x128x128xf32, #tpu.memory_space<vmem>>, vector<1x1x16xf32>,
        %swap3A_540 = vector.shape_cast %swap3A_539 : vector<1x1x16xf32> to vector<16xf32>
        %swap3A_541 = vector.shape_cast %mul3A_528 : vector<16xf32> to vector<1x1x16xf32>
        tpu.vector_store %arg7[%swap3A_536, %swap3A_537, %swap3A_538], %swap3A_541 {strides = array<i32>} : memref<2x128x128xf32, #tpu.memory_space<vmem>>, vector<1x1x16xf32>,
        %get3A_542 = arith.index_cast %add3A_483 : i32 to index
        %get3A_543 = arith.constant 48 : index
        %get3A_544 = tpu.vector_load %arg6[%get3A_542, %get3A_543] {strides = array<i32>} : memref<128x64xf32, #tpu.memory_space<vmem>>, vector<1x16xf32>,
        %get3A_545 = vector.shape_cast %get3A_544 : vector<1x16xf32> to vector<16xf32>
        %mul3A_546 = arith.mulf %get3A_545, %gather3A_487 : vector<16xf32>
        %sub3A_547 = arith.subf %get3A_545, %mul3A_546 : vector<16xf32>
        %swap3A_548 = arith.index_cast %and3A_33 : i32 to index
        %swap3A_549 = arith.index_cast %add3A_483 : i32 to index
        %swap3A_550 = arith.constant 48 : index
        %swap3A_551 = tpu.vector_load %arg7[%swap3A_548, %swap3A_549, %swap3A_550] {strides = array<i32>} : memref<2x128x128xf32, #tpu.memory_space<vmem>>, vector<1x1x16xf32>,
        %swap3A_552 = vector.shape_cast %swap3A_551 : vector<1x1x16xf32> to vector<16xf32>
        %swap3A_553 = vector.shape_cast %sub3A_547 : vector<16xf32> to vector<1x1x16xf32>
        tpu.vector_store %arg7[%swap3A_548, %swap3A_549, %swap3A_550], %swap3A_553 {strides = array<i32>} : memref<2x128x128xf32, #tpu.memory_space<vmem>>, vector<1x1x16xf32>,
        %swap3A_554 = arith.index_cast %and3A_33 : i32 to index
        %swap3A_555 = arith.index_cast %add3A_483 : i32 to index
        %swap3A_556 = arith.constant 112 : index
        %swap3A_557 = tpu.vector_load %arg7[%swap3A_554, %swap3A_555, %swap3A_556] {strides = array<i32>} : memref<2x128x128xf32, #tpu.memory_space<vmem>>, vector<1x1x16xf32>,
        %swap3A_558 = vector.shape_cast %swap3A_557 : vector<1x1x16xf32> to vector<16xf32>
        %swap3A_559 = vector.shape_cast %mul3A_546 : vector<16xf32> to vector<1x1x16xf32>
        tpu.vector_store %arg7[%swap3A_554, %swap3A_555, %swap3A_556], %swap3A_559 {strides = array<i32>} : memref<2x128x128xf32, #tpu.memory_space<vmem>>, vector<1x1x16xf32>,
        %mul3A_560 = arith.constant 16 : i32
        %mul3A_561 = arith.muli %scan3A_64, %mul3A_560 : i32
        %add3A_562 = arith.constant 6 : i32
        %add3A_563 = arith.addi %mul3A_561, %add3A_562 : i32
        %broadcast_in_dim3A_564 = arith.constant 6 : i32
        %broadcast_in_dim3A_565 = vector.broadcast %broadcast_in_dim3A_564 : i32 to vector<16x1xi32>
        %gather3A_566 = vector.shape_cast %broadcast_in_dim3A_565 : vector<16x1xi32> to vector<16xi32>
        %gather3A_567 = tpu.dynamic_gather %convert_element_type3A_82[%gather3A_566] in [0] : vector<16xf32>, vector<16xi32> -> vector<16xf32>
        %get3A_568 = arith.index_cast %add3A_563 : i32 to index
        %get3A_569 = arith.constant 0 : index
        %get3A_570 = tpu.vector_load %arg6[%get3A_568, %get3A_569] {strides = array<i32>} : memref<128x64xf32, #tpu.memory_space<vmem>>, vector<1x16xf32>,
        %get3A_571 = vector.shape_cast %get3A_570 : vector<1x16xf32> to vector<16xf32>
        %mul3A_572 = arith.mulf %get3A_571, %gather3A_567 : vector<16xf32>
        %sub3A_573 = arith.subf %get3A_571, %mul3A_572 : vector<16xf32>
        %swap3A_574 = arith.index_cast %and3A_33 : i32 to index
        %swap3A_575 = arith.index_cast %add3A_563 : i32 to index
        %swap3A_576 = arith.constant 0 : index
        %swap3A_577 = tpu.vector_load %arg7[%swap3A_574, %swap3A_575, %swap3A_576] {strides = array<i32>} : memref<2x128x128xf32, #tpu.memory_space<vmem>>, vector<1x1x16xf32>,
        %swap3A_578 = vector.shape_cast %swap3A_577 : vector<1x1x16xf32> to vector<16xf32>
        %swap3A_579 = vector.shape_cast %sub3A_573 : vector<16xf32> to vector<1x1x16xf32>
        tpu.vector_store %arg7[%swap3A_574, %swap3A_575, %swap3A_576], %swap3A_579 {strides = array<i32>} : memref<2x128x128xf32, #tpu.memory_space<vmem>>, vector<1x1x16xf32>,
        %swap3A_580 = arith.index_cast %and3A_33 : i32 to index
        %swap3A_581 = arith.index_cast %add3A_563 : i32 to index
        %swap3A_582 = arith.constant 64 : index
        %swap3A_583 = tpu.vector_load %arg7[%swap3A_580, %swap3A_581, %swap3A_582] {strides = array<i32>} : memref<2x128x128xf32, #tpu.memory_space<vmem>>, vector<1x1x16xf32>,
        %swap3A_584 = vector.shape_cast %swap3A_583 : vector<1x1x16xf32> to vector<16xf32>
        %swap3A_585 = vector.shape_cast %mul3A_572 : vector<16xf32> to vector<1x1x16xf32>
        tpu.vector_store %arg7[%swap3A_580, %swap3A_581, %swap3A_582], %swap3A_585 {strides = array<i32>} : memref<2x128x128xf32, #tpu.memory_space<vmem>>, vector<1x1x16xf32>,
        %get3A_586 = arith.index_cast %add3A_563 : i32 to index
        %get3A_587 = arith.constant 16 : index
        %get3A_588 = tpu.vector_load %arg6[%get3A_586, %get3A_587] {strides = array<i32>} : memref<128x64xf32, #tpu.memory_space<vmem>>, vector<1x16xf32>,
        %get3A_589 = vector.shape_cast %get3A_588 : vector<1x16xf32> to vector<16xf32>
        %mul3A_590 = arith.mulf %get3A_589, %gather3A_567 : vector<16xf32>
        %sub3A_591 = arith.subf %get3A_589, %mul3A_590 : vector<16xf32>
        %swap3A_592 = arith.index_cast %and3A_33 : i32 to index
        %swap3A_593 = arith.index_cast %add3A_563 : i32 to index
        %swap3A_594 = arith.constant 16 : index
        %swap3A_595 = tpu.vector_load %arg7[%swap3A_592, %swap3A_593, %swap3A_594] {strides = array<i32>} : memref<2x128x128xf32, #tpu.memory_space<vmem>>, vector<1x1x16xf32>,
        %swap3A_596 = vector.shape_cast %swap3A_595 : vector<1x1x16xf32> to vector<16xf32>
        %swap3A_597 = vector.shape_cast %sub3A_591 : vector<16xf32> to vector<1x1x16xf32>
        tpu.vector_store %arg7[%swap3A_592, %swap3A_593, %swap3A_594], %swap3A_597 {strides = array<i32>} : memref<2x128x128xf32, #tpu.memory_space<vmem>>, vector<1x1x16xf32>,
        %swap3A_598 = arith.index_cast %and3A_33 : i32 to index
        %swap3A_599 = arith.index_cast %add3A_563 : i32 to index
        %swap3A_600 = arith.constant 80 : index
        %swap3A_601 = tpu.vector_load %arg7[%swap3A_598, %swap3A_599, %swap3A_600] {strides = array<i32>} : memref<2x128x128xf32, #tpu.memory_space<vmem>>, vector<1x1x16xf32>,
        %swap3A_602 = vector.shape_cast %swap3A_601 : vector<1x1x16xf32> to vector<16xf32>
        %swap3A_603 = vector.shape_cast %mul3A_590 : vector<16xf32> to vector<1x1x16xf32>
        tpu.vector_store %arg7[%swap3A_598, %swap3A_599, %swap3A_600], %swap3A_603 {strides = array<i32>} : memref<2x128x128xf32, #tpu.memory_space<vmem>>, vector<1x1x16xf32>,
        %get3A_604 = arith.index_cast %add3A_563 : i32 to index
        %get3A_605 = arith.constant 32 : index
        %get3A_606 = tpu.vector_load %arg6[%get3A_604, %get3A_605] {strides = array<i32>} : memref<128x64xf32, #tpu.memory_space<vmem>>, vector<1x16xf32>,
        %get3A_607 = vector.shape_cast %get3A_606 : vector<1x16xf32> to vector<16xf32>
        %mul3A_608 = arith.mulf %get3A_607, %gather3A_567 : vector<16xf32>
        %sub3A_609 = arith.subf %get3A_607, %mul3A_608 : vector<16xf32>
        %swap3A_610 = arith.index_cast %and3A_33 : i32 to index
        %swap3A_611 = arith.index_cast %add3A_563 : i32 to index
        %swap3A_612 = arith.constant 32 : index
        %swap3A_613 = tpu.vector_load %arg7[%swap3A_610, %swap3A_611, %swap3A_612] {strides = array<i32>} : memref<2x128x128xf32, #tpu.memory_space<vmem>>, vector<1x1x16xf32>,
        %swap3A_614 = vector.shape_cast %swap3A_613 : vector<1x1x16xf32> to vector<16xf32>
        %swap3A_615 = vector.shape_cast %sub3A_609 : vector<16xf32> to vector<1x1x16xf32>
        tpu.vector_store %arg7[%swap3A_610, %swap3A_611, %swap3A_612], %swap3A_615 {strides = array<i32>} : memref<2x128x128xf32, #tpu.memory_space<vmem>>, vector<1x1x16xf32>,
        %swap3A_616 = arith.index_cast %and3A_33 : i32 to index
        %swap3A_617 = arith.index_cast %add3A_563 : i32 to index
        %swap3A_618 = arith.constant 96 : index
        %swap3A_619 = tpu.vector_load %arg7[%swap3A_616, %swap3A_617, %swap3A_618] {strides = array<i32>} : memref<2x128x128xf32, #tpu.memory_space<vmem>>, vector<1x1x16xf32>,
        %swap3A_620 = vector.shape_cast %swap3A_619 : vector<1x1x16xf32> to vector<16xf32>
        %swap3A_621 = vector.shape_cast %mul3A_608 : vector<16xf32> to vector<1x1x16xf32>
        tpu.vector_store %arg7[%swap3A_616, %swap3A_617, %swap3A_618], %swap3A_621 {strides = array<i32>} : memref<2x128x128xf32, #tpu.memory_space<vmem>>, vector<1x1x16xf32>,
        %get3A_622 = arith.index_cast %add3A_563 : i32 to index
        %get3A_623 = arith.constant 48 : index
        %get3A_624 = tpu.vector_load %arg6[%get3A_622, %get3A_623] {strides = array<i32>} : memref<128x64xf32, #tpu.memory_space<vmem>>, vector<1x16xf32>,
        %get3A_625 = vector.shape_cast %get3A_624 : vector<1x16xf32> to vector<16xf32>
        %mul3A_626 = arith.mulf %get3A_625, %gather3A_567 : vector<16xf32>
        %sub3A_627 = arith.subf %get3A_625, %mul3A_626 : vector<16xf32>
        %swap3A_628 = arith.index_cast %and3A_33 : i32 to index
        %swap3A_629 = arith.index_cast %add3A_563 : i32 to index
        %swap3A_630 = arith.constant 48 : index
        %swap3A_631 = tpu.vector_load %arg7[%swap3A_628, %swap3A_629, %swap3A_630] {strides = array<i32>} : memref<2x128x128xf32, #tpu.memory_space<vmem>>, vector<1x1x16xf32>,
        %swap3A_632 = vector.shape_cast %swap3A_631 : vector<1x1x16xf32> to vector<16xf32>
        %swap3A_633 = vector.shape_cast %sub3A_627 : vector<16xf32> to vector<1x1x16xf32>
        tpu.vector_store %arg7[%swap3A_628, %swap3A_629, %swap3A_630], %swap3A_633 {strides = array<i32>} : memref<2x128x128xf32, #tpu.memory_space<vmem>>, vector<1x1x16xf32>,
        %swap3A_634 = arith.index_cast %and3A_33 : i32 to index
        %swap3A_635 = arith.index_cast %add3A_563 : i32 to index
        %swap3A_636 = arith.constant 112 : index
        %swap3A_637 = tpu.vector_load %arg7[%swap3A_634, %swap3A_635, %swap3A_636] {strides = array<i32>} : memref<2x128x128xf32, #tpu.memory_space<vmem>>, vector<1x1x16xf32>,
        %swap3A_638 = vector.shape_cast %swap3A_637 : vector<1x1x16xf32> to vector<16xf32>
        %swap3A_639 = vector.shape_cast %mul3A_626 : vector<16xf32> to vector<1x1x16xf32>
        tpu.vector_store %arg7[%swap3A_634, %swap3A_635, %swap3A_636], %swap3A_639 {strides = array<i32>} : memref<2x128x128xf32, #tpu.memory_space<vmem>>, vector<1x1x16xf32>,
        %mul3A_640 = arith.constant 16 : i32
        %mul3A_641 = arith.muli %scan3A_64, %mul3A_640 : i32
        %add3A_642 = arith.constant 7 : i32
        %add3A_643 = arith.addi %mul3A_641, %add3A_642 : i32
        %broadcast_in_dim3A_644 = arith.constant 7 : i32
        %broadcast_in_dim3A_645 = vector.broadcast %broadcast_in_dim3A_644 : i32 to vector<16x1xi32>
        %gather3A_646 = vector.shape_cast %broadcast_in_dim3A_645 : vector<16x1xi32> to vector<16xi32>
        %gather3A_647 = tpu.dynamic_gather %convert_element_type3A_82[%gather3A_646] in [0] : vector<16xf32>, vector<16xi32> -> vector<16xf32>
        %get3A_648 = arith.index_cast %add3A_643 : i32 to index
        %get3A_649 = arith.constant 0 : index
        %get3A_650 = tpu.vector_load %arg6[%get3A_648, %get3A_649] {strides = array<i32>} : memref<128x64xf32, #tpu.memory_space<vmem>>, vector<1x16xf32>,
        %get3A_651 = vector.shape_cast %get3A_650 : vector<1x16xf32> to vector<16xf32>
        %mul3A_652 = arith.mulf %get3A_651, %gather3A_647 : vector<16xf32>
        %sub3A_653 = arith.subf %get3A_651, %mul3A_652 : vector<16xf32>
        %swap3A_654 = arith.index_cast %and3A_33 : i32 to index
        %swap3A_655 = arith.index_cast %add3A_643 : i32 to index
        %swap3A_656 = arith.constant 0 : index
        %swap3A_657 = tpu.vector_load %arg7[%swap3A_654, %swap3A_655, %swap3A_656] {strides = array<i32>} : memref<2x128x128xf32, #tpu.memory_space<vmem>>, vector<1x1x16xf32>,
        %swap3A_658 = vector.shape_cast %swap3A_657 : vector<1x1x16xf32> to vector<16xf32>
        %swap3A_659 = vector.shape_cast %sub3A_653 : vector<16xf32> to vector<1x1x16xf32>
        tpu.vector_store %arg7[%swap3A_654, %swap3A_655, %swap3A_656], %swap3A_659 {strides = array<i32>} : memref<2x128x128xf32, #tpu.memory_space<vmem>>, vector<1x1x16xf32>,
        %swap3A_660 = arith.index_cast %and3A_33 : i32 to index
        %swap3A_661 = arith.index_cast %add3A_643 : i32 to index
        %swap3A_662 = arith.constant 64 : index
        %swap3A_663 = tpu.vector_load %arg7[%swap3A_660, %swap3A_661, %swap3A_662] {strides = array<i32>} : memref<2x128x128xf32, #tpu.memory_space<vmem>>, vector<1x1x16xf32>,
        %swap3A_664 = vector.shape_cast %swap3A_663 : vector<1x1x16xf32> to vector<16xf32>
        %swap3A_665 = vector.shape_cast %mul3A_652 : vector<16xf32> to vector<1x1x16xf32>
        tpu.vector_store %arg7[%swap3A_660, %swap3A_661, %swap3A_662], %swap3A_665 {strides = array<i32>} : memref<2x128x128xf32, #tpu.memory_space<vmem>>, vector<1x1x16xf32>,
        %get3A_666 = arith.index_cast %add3A_643 : i32 to index
        %get3A_667 = arith.constant 16 : index
        %get3A_668 = tpu.vector_load %arg6[%get3A_666, %get3A_667] {strides = array<i32>} : memref<128x64xf32, #tpu.memory_space<vmem>>, vector<1x16xf32>,
        %get3A_669 = vector.shape_cast %get3A_668 : vector<1x16xf32> to vector<16xf32>
        %mul3A_670 = arith.mulf %get3A_669, %gather3A_647 : vector<16xf32>
        %sub3A_671 = arith.subf %get3A_669, %mul3A_670 : vector<16xf32>
        %swap3A_672 = arith.index_cast %and3A_33 : i32 to index
        %swap3A_673 = arith.index_cast %add3A_643 : i32 to index
        %swap3A_674 = arith.constant 16 : index
        %swap3A_675 = tpu.vector_load %arg7[%swap3A_672, %swap3A_673, %swap3A_674] {strides = array<i32>} : memref<2x128x128xf32, #tpu.memory_space<vmem>>, vector<1x1x16xf32>,
        %swap3A_676 = vector.shape_cast %swap3A_675 : vector<1x1x16xf32> to vector<16xf32>
        %swap3A_677 = vector.shape_cast %sub3A_671 : vector<16xf32> to vector<1x1x16xf32>
        tpu.vector_store %arg7[%swap3A_672, %swap3A_673, %swap3A_674], %swap3A_677 {strides = array<i32>} : memref<2x128x128xf32, #tpu.memory_space<vmem>>, vector<1x1x16xf32>,
        %swap3A_678 = arith.index_cast %and3A_33 : i32 to index
        %swap3A_679 = arith.index_cast %add3A_643 : i32 to index
        %swap3A_680 = arith.constant 80 : index
        %swap3A_681 = tpu.vector_load %arg7[%swap3A_678, %swap3A_679, %swap3A_680] {strides = array<i32>} : memref<2x128x128xf32, #tpu.memory_space<vmem>>, vector<1x1x16xf32>,
        %swap3A_682 = vector.shape_cast %swap3A_681 : vector<1x1x16xf32> to vector<16xf32>
        %swap3A_683 = vector.shape_cast %mul3A_670 : vector<16xf32> to vector<1x1x16xf32>
        tpu.vector_store %arg7[%swap3A_678, %swap3A_679, %swap3A_680], %swap3A_683 {strides = array<i32>} : memref<2x128x128xf32, #tpu.memory_space<vmem>>, vector<1x1x16xf32>,
        %get3A_684 = arith.index_cast %add3A_643 : i32 to index
        %get3A_685 = arith.constant 32 : index
        %get3A_686 = tpu.vector_load %arg6[%get3A_684, %get3A_685] {strides = array<i32>} : memref<128x64xf32, #tpu.memory_space<vmem>>, vector<1x16xf32>,
        %get3A_687 = vector.shape_cast %get3A_686 : vector<1x16xf32> to vector<16xf32>
        %mul3A_688 = arith.mulf %get3A_687, %gather3A_647 : vector<16xf32>
        %sub3A_689 = arith.subf %get3A_687, %mul3A_688 : vector<16xf32>
        %swap3A_690 = arith.index_cast %and3A_33 : i32 to index
        %swap3A_691 = arith.index_cast %add3A_643 : i32 to index
        %swap3A_692 = arith.constant 32 : index
        %swap3A_693 = tpu.vector_load %arg7[%swap3A_690, %swap3A_691, %swap3A_692] {strides = array<i32>} : memref<2x128x128xf32, #tpu.memory_space<vmem>>, vector<1x1x16xf32>,
        %swap3A_694 = vector.shape_cast %swap3A_693 : vector<1x1x16xf32> to vector<16xf32>
        %swap3A_695 = vector.shape_cast %sub3A_689 : vector<16xf32> to vector<1x1x16xf32>
        tpu.vector_store %arg7[%swap3A_690, %swap3A_691, %swap3A_692], %swap3A_695 {strides = array<i32>} : memref<2x128x128xf32, #tpu.memory_space<vmem>>, vector<1x1x16xf32>,
        %swap3A_696 = arith.index_cast %and3A_33 : i32 to index
        %swap3A_697 = arith.index_cast %add3A_643 : i32 to index
        %swap3A_698 = arith.constant 96 : index
        %swap3A_699 = tpu.vector_load %arg7[%swap3A_696, %swap3A_697, %swap3A_698] {strides = array<i32>} : memref<2x128x128xf32, #tpu.memory_space<vmem>>, vector<1x1x16xf32>,
        %swap3A_700 = vector.shape_cast %swap3A_699 : vector<1x1x16xf32> to vector<16xf32>
        %swap3A_701 = vector.shape_cast %mul3A_688 : vector<16xf32> to vector<1x1x16xf32>
        tpu.vector_store %arg7[%swap3A_696, %swap3A_697, %swap3A_698], %swap3A_701 {strides = array<i32>} : memref<2x128x128xf32, #tpu.memory_space<vmem>>, vector<1x1x16xf32>,
        %get3A_702 = arith.index_cast %add3A_643 : i32 to index
        %get3A_703 = arith.constant 48 : index
        %get3A_704 = tpu.vector_load %arg6[%get3A_702, %get3A_703] {strides = array<i32>} : memref<128x64xf32, #tpu.memory_space<vmem>>, vector<1x16xf32>,
        %get3A_705 = vector.shape_cast %get3A_704 : vector<1x16xf32> to vector<16xf32>
        %mul3A_706 = arith.mulf %get3A_705, %gather3A_647 : vector<16xf32>
        %sub3A_707 = arith.subf %get3A_705, %mul3A_706 : vector<16xf32>
        %swap3A_708 = arith.index_cast %and3A_33 : i32 to index
        %swap3A_709 = arith.index_cast %add3A_643 : i32 to index
        %swap3A_710 = arith.constant 48 : index
        %swap3A_711 = tpu.vector_load %arg7[%swap3A_708, %swap3A_709, %swap3A_710] {strides = array<i32>} : memref<2x128x128xf32, #tpu.memory_space<vmem>>, vector<1x1x16xf32>,
        %swap3A_712 = vector.shape_cast %swap3A_711 : vector<1x1x16xf32> to vector<16xf32>
        %swap3A_713 = vector.shape_cast %sub3A_707 : vector<16xf32> to vector<1x1x16xf32>
        tpu.vector_store %arg7[%swap3A_708, %swap3A_709, %swap3A_710], %swap3A_713 {strides = array<i32>} : memref<2x128x128xf32, #tpu.memory_space<vmem>>, vector<1x1x16xf32>,
        %swap3A_714 = arith.index_cast %and3A_33 : i32 to index
        %swap3A_715 = arith.index_cast %add3A_643 : i32 to index
        %swap3A_716 = arith.constant 112 : index
        %swap3A_717 = tpu.vector_load %arg7[%swap3A_714, %swap3A_715, %swap3A_716] {strides = array<i32>} : memref<2x128x128xf32, #tpu.memory_space<vmem>>, vector<1x1x16xf32>,
        %swap3A_718 = vector.shape_cast %swap3A_717 : vector<1x1x16xf32> to vector<16xf32>
        %swap3A_719 = vector.shape_cast %mul3A_706 : vector<16xf32> to vector<1x1x16xf32>
        tpu.vector_store %arg7[%swap3A_714, %swap3A_715, %swap3A_716], %swap3A_719 {strides = array<i32>} : memref<2x128x128xf32, #tpu.memory_space<vmem>>, vector<1x1x16xf32>,
        %mul3A_720 = arith.constant 16 : i32
        %mul3A_721 = arith.muli %scan3A_64, %mul3A_720 : i32
        %add3A_722 = arith.constant 8 : i32
        %add3A_723 = arith.addi %mul3A_721, %add3A_722 : i32
        %broadcast_in_dim3A_724 = arith.constant 8 : i32
        %broadcast_in_dim3A_725 = vector.broadcast %broadcast_in_dim3A_724 : i32 to vector<16x1xi32>
        %gather3A_726 = vector.shape_cast %broadcast_in_dim3A_725 : vector<16x1xi32> to vector<16xi32>
        %gather3A_727 = tpu.dynamic_gather %convert_element_type3A_82[%gather3A_726] in [0] : vector<16xf32>, vector<16xi32> -> vector<16xf32>
        %get3A_728 = arith.index_cast %add3A_723 : i32 to index
        %get3A_729 = arith.constant 0 : index
        %get3A_730 = tpu.vector_load %arg6[%get3A_728, %get3A_729] {strides = array<i32>} : memref<128x64xf32, #tpu.memory_space<vmem>>, vector<1x16xf32>,
        %get3A_731 = vector.shape_cast %get3A_730 : vector<1x16xf32> to vector<16xf32>
        %mul3A_732 = arith.mulf %get3A_731, %gather3A_727 : vector<16xf32>
        %sub3A_733 = arith.subf %get3A_731, %mul3A_732 : vector<16xf32>
        %swap3A_734 = arith.index_cast %and3A_33 : i32 to index
        %swap3A_735 = arith.index_cast %add3A_723 : i32 to index
        %swap3A_736 = arith.constant 0 : index
        %swap3A_737 = tpu.vector_load %arg7[%swap3A_734, %swap3A_735, %swap3A_736] {strides = array<i32>} : memref<2x128x128xf32, #tpu.memory_space<vmem>>, vector<1x1x16xf32>,
        %swap3A_738 = vector.shape_cast %swap3A_737 : vector<1x1x16xf32> to vector<16xf32>
        %swap3A_739 = vector.shape_cast %sub3A_733 : vector<16xf32> to vector<1x1x16xf32>
        tpu.vector_store %arg7[%swap3A_734, %swap3A_735, %swap3A_736], %swap3A_739 {strides = array<i32>} : memref<2x128x128xf32, #tpu.memory_space<vmem>>, vector<1x1x16xf32>,
        %swap3A_740 = arith.index_cast %and3A_33 : i32 to index
        %swap3A_741 = arith.index_cast %add3A_723 : i32 to index
        %swap3A_742 = arith.constant 64 : index
        %swap3A_743 = tpu.vector_load %arg7[%swap3A_740, %swap3A_741, %swap3A_742] {strides = array<i32>} : memref<2x128x128xf32, #tpu.memory_space<vmem>>, vector<1x1x16xf32>,
        %swap3A_744 = vector.shape_cast %swap3A_743 : vector<1x1x16xf32> to vector<16xf32>
        %swap3A_745 = vector.shape_cast %mul3A_732 : vector<16xf32> to vector<1x1x16xf32>
        tpu.vector_store %arg7[%swap3A_740, %swap3A_741, %swap3A_742], %swap3A_745 {strides = array<i32>} : memref<2x128x128xf32, #tpu.memory_space<vmem>>, vector<1x1x16xf32>,
        %get3A_746 = arith.index_cast %add3A_723 : i32 to index
        %get3A_747 = arith.constant 16 : index
        %get3A_748 = tpu.vector_load %arg6[%get3A_746, %get3A_747] {strides = array<i32>} : memref<128x64xf32, #tpu.memory_space<vmem>>, vector<1x16xf32>,
        %get3A_749 = vector.shape_cast %get3A_748 : vector<1x16xf32> to vector<16xf32>
        %mul3A_750 = arith.mulf %get3A_749, %gather3A_727 : vector<16xf32>
        %sub3A_751 = arith.subf %get3A_749, %mul3A_750 : vector<16xf32>
        %swap3A_752 = arith.index_cast %and3A_33 : i32 to index
        %swap3A_753 = arith.index_cast %add3A_723 : i32 to index
        %swap3A_754 = arith.constant 16 : index
        %swap3A_755 = tpu.vector_load %arg7[%swap3A_752, %swap3A_753, %swap3A_754] {strides = array<i32>} : memref<2x128x128xf32, #tpu.memory_space<vmem>>, vector<1x1x16xf32>,
        %swap3A_756 = vector.shape_cast %swap3A_755 : vector<1x1x16xf32> to vector<16xf32>
        %swap3A_757 = vector.shape_cast %sub3A_751 : vector<16xf32> to vector<1x1x16xf32>
        tpu.vector_store %arg7[%swap3A_752, %swap3A_753, %swap3A_754], %swap3A_757 {strides = array<i32>} : memref<2x128x128xf32, #tpu.memory_space<vmem>>, vector<1x1x16xf32>,
        %swap3A_758 = arith.index_cast %and3A_33 : i32 to index
        %swap3A_759 = arith.index_cast %add3A_723 : i32 to index
        %swap3A_760 = arith.constant 80 : index
        %swap3A_761 = tpu.vector_load %arg7[%swap3A_758, %swap3A_759, %swap3A_760] {strides = array<i32>} : memref<2x128x128xf32, #tpu.memory_space<vmem>>, vector<1x1x16xf32>,
        %swap3A_762 = vector.shape_cast %swap3A_761 : vector<1x1x16xf32> to vector<16xf32>
        %swap3A_763 = vector.shape_cast %mul3A_750 : vector<16xf32> to vector<1x1x16xf32>
        tpu.vector_store %arg7[%swap3A_758, %swap3A_759, %swap3A_760], %swap3A_763 {strides = array<i32>} : memref<2x128x128xf32, #tpu.memory_space<vmem>>, vector<1x1x16xf32>,
        %get3A_764 = arith.index_cast %add3A_723 : i32 to index
        %get3A_765 = arith.constant 32 : index
        %get3A_766 = tpu.vector_load %arg6[%get3A_764, %get3A_765] {strides = array<i32>} : memref<128x64xf32, #tpu.memory_space<vmem>>, vector<1x16xf32>,
        %get3A_767 = vector.shape_cast %get3A_766 : vector<1x16xf32> to vector<16xf32>
        %mul3A_768 = arith.mulf %get3A_767, %gather3A_727 : vector<16xf32>
        %sub3A_769 = arith.subf %get3A_767, %mul3A_768 : vector<16xf32>
        %swap3A_770 = arith.index_cast %and3A_33 : i32 to index
        %swap3A_771 = arith.index_cast %add3A_723 : i32 to index
        %swap3A_772 = arith.constant 32 : index
        %swap3A_773 = tpu.vector_load %arg7[%swap3A_770, %swap3A_771, %swap3A_772] {strides = array<i32>} : memref<2x128x128xf32, #tpu.memory_space<vmem>>, vector<1x1x16xf32>,
        %swap3A_774 = vector.shape_cast %swap3A_773 : vector<1x1x16xf32> to vector<16xf32>
        %swap3A_775 = vector.shape_cast %sub3A_769 : vector<16xf32> to vector<1x1x16xf32>
        tpu.vector_store %arg7[%swap3A_770, %swap3A_771, %swap3A_772], %swap3A_775 {strides = array<i32>} : memref<2x128x128xf32, #tpu.memory_space<vmem>>, vector<1x1x16xf32>,
        %swap3A_776 = arith.index_cast %and3A_33 : i32 to index
        %swap3A_777 = arith.index_cast %add3A_723 : i32 to index
        %swap3A_778 = arith.constant 96 : index
        %swap3A_779 = tpu.vector_load %arg7[%swap3A_776, %swap3A_777, %swap3A_778] {strides = array<i32>} : memref<2x128x128xf32, #tpu.memory_space<vmem>>, vector<1x1x16xf32>,
        %swap3A_780 = vector.shape_cast %swap3A_779 : vector<1x1x16xf32> to vector<16xf32>
        %swap3A_781 = vector.shape_cast %mul3A_768 : vector<16xf32> to vector<1x1x16xf32>
        tpu.vector_store %arg7[%swap3A_776, %swap3A_777, %swap3A_778], %swap3A_781 {strides = array<i32>} : memref<2x128x128xf32, #tpu.memory_space<vmem>>, vector<1x1x16xf32>,
        %get3A_782 = arith.index_cast %add3A_723 : i32 to index
        %get3A_783 = arith.constant 48 : index
        %get3A_784 = tpu.vector_load %arg6[%get3A_782, %get3A_783] {strides = array<i32>} : memref<128x64xf32, #tpu.memory_space<vmem>>, vector<1x16xf32>,
        %get3A_785 = vector.shape_cast %get3A_784 : vector<1x16xf32> to vector<16xf32>
        %mul3A_786 = arith.mulf %get3A_785, %gather3A_727 : vector<16xf32>
        %sub3A_787 = arith.subf %get3A_785, %mul3A_786 : vector<16xf32>
        %swap3A_788 = arith.index_cast %and3A_33 : i32 to index
        %swap3A_789 = arith.index_cast %add3A_723 : i32 to index
        %swap3A_790 = arith.constant 48 : index
        %swap3A_791 = tpu.vector_load %arg7[%swap3A_788, %swap3A_789, %swap3A_790] {strides = array<i32>} : memref<2x128x128xf32, #tpu.memory_space<vmem>>, vector<1x1x16xf32>,
        %swap3A_792 = vector.shape_cast %swap3A_791 : vector<1x1x16xf32> to vector<16xf32>
        %swap3A_793 = vector.shape_cast %sub3A_787 : vector<16xf32> to vector<1x1x16xf32>
        tpu.vector_store %arg7[%swap3A_788, %swap3A_789, %swap3A_790], %swap3A_793 {strides = array<i32>} : memref<2x128x128xf32, #tpu.memory_space<vmem>>, vector<1x1x16xf32>,
        %swap3A_794 = arith.index_cast %and3A_33 : i32 to index
        %swap3A_795 = arith.index_cast %add3A_723 : i32 to index
        %swap3A_796 = arith.constant 112 : index
        %swap3A_797 = tpu.vector_load %arg7[%swap3A_794, %swap3A_795, %swap3A_796] {strides = array<i32>} : memref<2x128x128xf32, #tpu.memory_space<vmem>>, vector<1x1x16xf32>,
        %swap3A_798 = vector.shape_cast %swap3A_797 : vector<1x1x16xf32> to vector<16xf32>
        %swap3A_799 = vector.shape_cast %mul3A_786 : vector<16xf32> to vector<1x1x16xf32>
        tpu.vector_store %arg7[%swap3A_794, %swap3A_795, %swap3A_796], %swap3A_799 {strides = array<i32>} : memref<2x128x128xf32, #tpu.memory_space<vmem>>, vector<1x1x16xf32>,
        %mul3A_800 = arith.constant 16 : i32
        %mul3A_801 = arith.muli %scan3A_64, %mul3A_800 : i32
        %add3A_802 = arith.constant 9 : i32
        %add3A_803 = arith.addi %mul3A_801, %add3A_802 : i32
        %broadcast_in_dim3A_804 = arith.constant 9 : i32
        %broadcast_in_dim3A_805 = vector.broadcast %broadcast_in_dim3A_804 : i32 to vector<16x1xi32>
        %gather3A_806 = vector.shape_cast %broadcast_in_dim3A_805 : vector<16x1xi32> to vector<16xi32>
        %gather3A_807 = tpu.dynamic_gather %convert_element_type3A_82[%gather3A_806] in [0] : vector<16xf32>, vector<16xi32> -> vector<16xf32>
        %get3A_808 = arith.index_cast %add3A_803 : i32 to index
        %get3A_809 = arith.constant 0 : index
        %get3A_810 = tpu.vector_load %arg6[%get3A_808, %get3A_809] {strides = array<i32>} : memref<128x64xf32, #tpu.memory_space<vmem>>, vector<1x16xf32>,
        %get3A_811 = vector.shape_cast %get3A_810 : vector<1x16xf32> to vector<16xf32>
        %mul3A_812 = arith.mulf %get3A_811, %gather3A_807 : vector<16xf32>
        %sub3A_813 = arith.subf %get3A_811, %mul3A_812 : vector<16xf32>
        %swap3A_814 = arith.index_cast %and3A_33 : i32 to index
        %swap3A_815 = arith.index_cast %add3A_803 : i32 to index
        %swap3A_816 = arith.constant 0 : index
        %swap3A_817 = tpu.vector_load %arg7[%swap3A_814, %swap3A_815, %swap3A_816] {strides = array<i32>} : memref<2x128x128xf32, #tpu.memory_space<vmem>>, vector<1x1x16xf32>,
        %swap3A_818 = vector.shape_cast %swap3A_817 : vector<1x1x16xf32> to vector<16xf32>
        %swap3A_819 = vector.shape_cast %sub3A_813 : vector<16xf32> to vector<1x1x16xf32>
        tpu.vector_store %arg7[%swap3A_814, %swap3A_815, %swap3A_816], %swap3A_819 {strides = array<i32>} : memref<2x128x128xf32, #tpu.memory_space<vmem>>, vector<1x1x16xf32>,
        %swap3A_820 = arith.index_cast %and3A_33 : i32 to index
        %swap3A_821 = arith.index_cast %add3A_803 : i32 to index
        %swap3A_822 = arith.constant 64 : index
        %swap3A_823 = tpu.vector_load %arg7[%swap3A_820, %swap3A_821, %swap3A_822] {strides = array<i32>} : memref<2x128x128xf32, #tpu.memory_space<vmem>>, vector<1x1x16xf32>,
        %swap3A_824 = vector.shape_cast %swap3A_823 : vector<1x1x16xf32> to vector<16xf32>
        %swap3A_825 = vector.shape_cast %mul3A_812 : vector<16xf32> to vector<1x1x16xf32>
        tpu.vector_store %arg7[%swap3A_820, %swap3A_821, %swap3A_822], %swap3A_825 {strides = array<i32>} : memref<2x128x128xf32, #tpu.memory_space<vmem>>, vector<1x1x16xf32>,
        %get3A_826 = arith.index_cast %add3A_803 : i32 to index
        %get3A_827 = arith.constant 16 : index
        %get3A_828 = tpu.vector_load %arg6[%get3A_826, %get3A_827] {strides = array<i32>} : memref<128x64xf32, #tpu.memory_space<vmem>>, vector<1x16xf32>,
        %get3A_829 = vector.shape_cast %get3A_828 : vector<1x16xf32> to vector<16xf32>
        %mul3A_830 = arith.mulf %get3A_829, %gather3A_807 : vector<16xf32>
        %sub3A_831 = arith.subf %get3A_829, %mul3A_830 : vector<16xf32>
        %swap3A_832 = arith.index_cast %and3A_33 : i32 to index
        %swap3A_833 = arith.index_cast %add3A_803 : i32 to index
        %swap3A_834 = arith.constant 16 : index
        %swap3A_835 = tpu.vector_load %arg7[%swap3A_832, %swap3A_833, %swap3A_834] {strides = array<i32>} : memref<2x128x128xf32, #tpu.memory_space<vmem>>, vector<1x1x16xf32>,
        %swap3A_836 = vector.shape_cast %swap3A_835 : vector<1x1x16xf32> to vector<16xf32>
        %swap3A_837 = vector.shape_cast %sub3A_831 : vector<16xf32> to vector<1x1x16xf32>
        tpu.vector_store %arg7[%swap3A_832, %swap3A_833, %swap3A_834], %swap3A_837 {strides = array<i32>} : memref<2x128x128xf32, #tpu.memory_space<vmem>>, vector<1x1x16xf32>,
        %swap3A_838 = arith.index_cast %and3A_33 : i32 to index
        %swap3A_839 = arith.index_cast %add3A_803 : i32 to index
        %swap3A_840 = arith.constant 80 : index
        %swap3A_841 = tpu.vector_load %arg7[%swap3A_838, %swap3A_839, %swap3A_840] {strides = array<i32>} : memref<2x128x128xf32, #tpu.memory_space<vmem>>, vector<1x1x16xf32>,
        %swap3A_842 = vector.shape_cast %swap3A_841 : vector<1x1x16xf32> to vector<16xf32>
        %swap3A_843 = vector.shape_cast %mul3A_830 : vector<16xf32> to vector<1x1x16xf32>
        tpu.vector_store %arg7[%swap3A_838, %swap3A_839, %swap3A_840], %swap3A_843 {strides = array<i32>} : memref<2x128x128xf32, #tpu.memory_space<vmem>>, vector<1x1x16xf32>,
        %get3A_844 = arith.index_cast %add3A_803 : i32 to index
        %get3A_845 = arith.constant 32 : index
        %get3A_846 = tpu.vector_load %arg6[%get3A_844, %get3A_845] {strides = array<i32>} : memref<128x64xf32, #tpu.memory_space<vmem>>, vector<1x16xf32>,
        %get3A_847 = vector.shape_cast %get3A_846 : vector<1x16xf32> to vector<16xf32>
        %mul3A_848 = arith.mulf %get3A_847, %gather3A_807 : vector<16xf32>
        %sub3A_849 = arith.subf %get3A_847, %mul3A_848 : vector<16xf32>
        %swap3A_850 = arith.index_cast %and3A_33 : i32 to index
        %swap3A_851 = arith.index_cast %add3A_803 : i32 to index
        %swap3A_852 = arith.constant 32 : index
        %swap3A_853 = tpu.vector_load %arg7[%swap3A_850, %swap3A_851, %swap3A_852] {strides = array<i32>} : memref<2x128x128xf32, #tpu.memory_space<vmem>>, vector<1x1x16xf32>,
        %swap3A_854 = vector.shape_cast %swap3A_853 : vector<1x1x16xf32> to vector<16xf32>
        %swap3A_855 = vector.shape_cast %sub3A_849 : vector<16xf32> to vector<1x1x16xf32>
        tpu.vector_store %arg7[%swap3A_850, %swap3A_851, %swap3A_852], %swap3A_855 {strides = array<i32>} : memref<2x128x128xf32, #tpu.memory_space<vmem>>, vector<1x1x16xf32>,
        %swap3A_856 = arith.index_cast %and3A_33 : i32 to index
        %swap3A_857 = arith.index_cast %add3A_803 : i32 to index
        %swap3A_858 = arith.constant 96 : index
        %swap3A_859 = tpu.vector_load %arg7[%swap3A_856, %swap3A_857, %swap3A_858] {strides = array<i32>} : memref<2x128x128xf32, #tpu.memory_space<vmem>>, vector<1x1x16xf32>,
        %swap3A_860 = vector.shape_cast %swap3A_859 : vector<1x1x16xf32> to vector<16xf32>
        %swap3A_861 = vector.shape_cast %mul3A_848 : vector<16xf32> to vector<1x1x16xf32>
        tpu.vector_store %arg7[%swap3A_856, %swap3A_857, %swap3A_858], %swap3A_861 {strides = array<i32>} : memref<2x128x128xf32, #tpu.memory_space<vmem>>, vector<1x1x16xf32>,
        %get3A_862 = arith.index_cast %add3A_803 : i32 to index
        %get3A_863 = arith.constant 48 : index
        %get3A_864 = tpu.vector_load %arg6[%get3A_862, %get3A_863] {strides = array<i32>} : memref<128x64xf32, #tpu.memory_space<vmem>>, vector<1x16xf32>,
        %get3A_865 = vector.shape_cast %get3A_864 : vector<1x16xf32> to vector<16xf32>
        %mul3A_866 = arith.mulf %get3A_865, %gather3A_807 : vector<16xf32>
        %sub3A_867 = arith.subf %get3A_865, %mul3A_866 : vector<16xf32>
        %swap3A_868 = arith.index_cast %and3A_33 : i32 to index
        %swap3A_869 = arith.index_cast %add3A_803 : i32 to index
        %swap3A_870 = arith.constant 48 : index
        %swap3A_871 = tpu.vector_load %arg7[%swap3A_868, %swap3A_869, %swap3A_870] {strides = array<i32>} : memref<2x128x128xf32, #tpu.memory_space<vmem>>, vector<1x1x16xf32>,
        %swap3A_872 = vector.shape_cast %swap3A_871 : vector<1x1x16xf32> to vector<16xf32>
        %swap3A_873 = vector.shape_cast %sub3A_867 : vector<16xf32> to vector<1x1x16xf32>
        tpu.vector_store %arg7[%swap3A_868, %swap3A_869, %swap3A_870], %swap3A_873 {strides = array<i32>} : memref<2x128x128xf32, #tpu.memory_space<vmem>>, vector<1x1x16xf32>,
        %swap3A_874 = arith.index_cast %and3A_33 : i32 to index
        %swap3A_875 = arith.index_cast %add3A_803 : i32 to index
        %swap3A_876 = arith.constant 112 : index
        %swap3A_877 = tpu.vector_load %arg7[%swap3A_874, %swap3A_875, %swap3A_876] {strides = array<i32>} : memref<2x128x128xf32, #tpu.memory_space<vmem>>, vector<1x1x16xf32>,
        %swap3A_878 = vector.shape_cast %swap3A_877 : vector<1x1x16xf32> to vector<16xf32>
        %swap3A_879 = vector.shape_cast %mul3A_866 : vector<16xf32> to vector<1x1x16xf32>
        tpu.vector_store %arg7[%swap3A_874, %swap3A_875, %swap3A_876], %swap3A_879 {strides = array<i32>} : memref<2x128x128xf32, #tpu.memory_space<vmem>>, vector<1x1x16xf32>,
        %mul3A_880 = arith.constant 16 : i32
        %mul3A_881 = arith.muli %scan3A_64, %mul3A_880 : i32
        %add3A_882 = arith.constant 10 : i32
        %add3A_883 = arith.addi %mul3A_881, %add3A_882 : i32
        %broadcast_in_dim3A_884 = arith.constant 10 : i32
        %broadcast_in_dim3A_885 = vector.broadcast %broadcast_in_dim3A_884 : i32 to vector<16x1xi32>
        %gather3A_886 = vector.shape_cast %broadcast_in_dim3A_885 : vector<16x1xi32> to vector<16xi32>
        %gather3A_887 = tpu.dynamic_gather %convert_element_type3A_82[%gather3A_886] in [0] : vector<16xf32>, vector<16xi32> -> vector<16xf32>
        %get3A_888 = arith.index_cast %add3A_883 : i32 to index
        %get3A_889 = arith.constant 0 : index
        %get3A_890 = tpu.vector_load %arg6[%get3A_888, %get3A_889] {strides = array<i32>} : memref<128x64xf32, #tpu.memory_space<vmem>>, vector<1x16xf32>,
        %get3A_891 = vector.shape_cast %get3A_890 : vector<1x16xf32> to vector<16xf32>
        %mul3A_892 = arith.mulf %get3A_891, %gather3A_887 : vector<16xf32>
        %sub3A_893 = arith.subf %get3A_891, %mul3A_892 : vector<16xf32>
        %swap3A_894 = arith.index_cast %and3A_33 : i32 to index
        %swap3A_895 = arith.index_cast %add3A_883 : i32 to index
        %swap3A_896 = arith.constant 0 : index
        %swap3A_897 = tpu.vector_load %arg7[%swap3A_894, %swap3A_895, %swap3A_896] {strides = array<i32>} : memref<2x128x128xf32, #tpu.memory_space<vmem>>, vector<1x1x16xf32>,
        %swap3A_898 = vector.shape_cast %swap3A_897 : vector<1x1x16xf32> to vector<16xf32>
        %swap3A_899 = vector.shape_cast %sub3A_893 : vector<16xf32> to vector<1x1x16xf32>
        tpu.vector_store %arg7[%swap3A_894, %swap3A_895, %swap3A_896], %swap3A_899 {strides = array<i32>} : memref<2x128x128xf32, #tpu.memory_space<vmem>>, vector<1x1x16xf32>,
        %swap3A_900 = arith.index_cast %and3A_33 : i32 to index
        %swap3A_901 = arith.index_cast %add3A_883 : i32 to index
        %swap3A_902 = arith.constant 64 : index
        %swap3A_903 = tpu.vector_load %arg7[%swap3A_900, %swap3A_901, %swap3A_902] {strides = array<i32>} : memref<2x128x128xf32, #tpu.memory_space<vmem>>, vector<1x1x16xf32>,
        %swap3A_904 = vector.shape_cast %swap3A_903 : vector<1x1x16xf32> to vector<16xf32>
        %swap3A_905 = vector.shape_cast %mul3A_892 : vector<16xf32> to vector<1x1x16xf32>
        tpu.vector_store %arg7[%swap3A_900, %swap3A_901, %swap3A_902], %swap3A_905 {strides = array<i32>} : memref<2x128x128xf32, #tpu.memory_space<vmem>>, vector<1x1x16xf32>,
        %get3A_906 = arith.index_cast %add3A_883 : i32 to index
        %get3A_907 = arith.constant 16 : index
        %get3A_908 = tpu.vector_load %arg6[%get3A_906, %get3A_907] {strides = array<i32>} : memref<128x64xf32, #tpu.memory_space<vmem>>, vector<1x16xf32>,
        %get3A_909 = vector.shape_cast %get3A_908 : vector<1x16xf32> to vector<16xf32>
        %mul3A_910 = arith.mulf %get3A_909, %gather3A_887 : vector<16xf32>
        %sub3A_911 = arith.subf %get3A_909, %mul3A_910 : vector<16xf32>
        %swap3A_912 = arith.index_cast %and3A_33 : i32 to index
        %swap3A_913 = arith.index_cast %add3A_883 : i32 to index
        %swap3A_914 = arith.constant 16 : index
        %swap3A_915 = tpu.vector_load %arg7[%swap3A_912, %swap3A_913, %swap3A_914] {strides = array<i32>} : memref<2x128x128xf32, #tpu.memory_space<vmem>>, vector<1x1x16xf32>,
        %swap3A_916 = vector.shape_cast %swap3A_915 : vector<1x1x16xf32> to vector<16xf32>
        %swap3A_917 = vector.shape_cast %sub3A_911 : vector<16xf32> to vector<1x1x16xf32>
        tpu.vector_store %arg7[%swap3A_912, %swap3A_913, %swap3A_914], %swap3A_917 {strides = array<i32>} : memref<2x128x128xf32, #tpu.memory_space<vmem>>, vector<1x1x16xf32>,
        %swap3A_918 = arith.index_cast %and3A_33 : i32 to index
        %swap3A_919 = arith.index_cast %add3A_883 : i32 to index
        %swap3A_920 = arith.constant 80 : index
        %swap3A_921 = tpu.vector_load %arg7[%swap3A_918, %swap3A_919, %swap3A_920] {strides = array<i32>} : memref<2x128x128xf32, #tpu.memory_space<vmem>>, vector<1x1x16xf32>,
        %swap3A_922 = vector.shape_cast %swap3A_921 : vector<1x1x16xf32> to vector<16xf32>
        %swap3A_923 = vector.shape_cast %mul3A_910 : vector<16xf32> to vector<1x1x16xf32>
        tpu.vector_store %arg7[%swap3A_918, %swap3A_919, %swap3A_920], %swap3A_923 {strides = array<i32>} : memref<2x128x128xf32, #tpu.memory_space<vmem>>, vector<1x1x16xf32>,
        %get3A_924 = arith.index_cast %add3A_883 : i32 to index
        %get3A_925 = arith.constant 32 : index
        %get3A_926 = tpu.vector_load %arg6[%get3A_924, %get3A_925] {strides = array<i32>} : memref<128x64xf32, #tpu.memory_space<vmem>>, vector<1x16xf32>,
        %get3A_927 = vector.shape_cast %get3A_926 : vector<1x16xf32> to vector<16xf32>
        %mul3A_928 = arith.mulf %get3A_927, %gather3A_887 : vector<16xf32>
        %sub3A_929 = arith.subf %get3A_927, %mul3A_928 : vector<16xf32>
        %swap3A_930 = arith.index_cast %and3A_33 : i32 to index
        %swap3A_931 = arith.index_cast %add3A_883 : i32 to index
        %swap3A_932 = arith.constant 32 : index
        %swap3A_933 = tpu.vector_load %arg7[%swap3A_930, %swap3A_931, %swap3A_932] {strides = array<i32>} : memref<2x128x128xf32, #tpu.memory_space<vmem>>, vector<1x1x16xf32>,
        %swap3A_934 = vector.shape_cast %swap3A_933 : vector<1x1x16xf32> to vector<16xf32>
        %swap3A_935 = vector.shape_cast %sub3A_929 : vector<16xf32> to vector<1x1x16xf32>
        tpu.vector_store %arg7[%swap3A_930, %swap3A_931, %swap3A_932], %swap3A_935 {strides = array<i32>} : memref<2x128x128xf32, #tpu.memory_space<vmem>>, vector<1x1x16xf32>,
        %swap3A_936 = arith.index_cast %and3A_33 : i32 to index
        %swap3A_937 = arith.index_cast %add3A_883 : i32 to index
        %swap3A_938 = arith.constant 96 : index
        %swap3A_939 = tpu.vector_load %arg7[%swap3A_936, %swap3A_937, %swap3A_938] {strides = array<i32>} : memref<2x128x128xf32, #tpu.memory_space<vmem>>, vector<1x1x16xf32>,
        %swap3A_940 = vector.shape_cast %swap3A_939 : vector<1x1x16xf32> to vector<16xf32>
        %swap3A_941 = vector.shape_cast %mul3A_928 : vector<16xf32> to vector<1x1x16xf32>
        tpu.vector_store %arg7[%swap3A_936, %swap3A_937, %swap3A_938], %swap3A_941 {strides = array<i32>} : memref<2x128x128xf32, #tpu.memory_space<vmem>>, vector<1x1x16xf32>,
        %get3A_942 = arith.index_cast %add3A_883 : i32 to index
        %get3A_943 = arith.constant 48 : index
        %get3A_944 = tpu.vector_load %arg6[%get3A_942, %get3A_943] {strides = array<i32>} : memref<128x64xf32, #tpu.memory_space<vmem>>, vector<1x16xf32>,
        %get3A_945 = vector.shape_cast %get3A_944 : vector<1x16xf32> to vector<16xf32>
        %mul3A_946 = arith.mulf %get3A_945, %gather3A_887 : vector<16xf32>
        %sub3A_947 = arith.subf %get3A_945, %mul3A_946 : vector<16xf32>
        %swap3A_948 = arith.index_cast %and3A_33 : i32 to index
        %swap3A_949 = arith.index_cast %add3A_883 : i32 to index
        %swap3A_950 = arith.constant 48 : index
        %swap3A_951 = tpu.vector_load %arg7[%swap3A_948, %swap3A_949, %swap3A_950] {strides = array<i32>} : memref<2x128x128xf32, #tpu.memory_space<vmem>>, vector<1x1x16xf32>,
        %swap3A_952 = vector.shape_cast %swap3A_951 : vector<1x1x16xf32> to vector<16xf32>
        %swap3A_953 = vector.shape_cast %sub3A_947 : vector<16xf32> to vector<1x1x16xf32>
        tpu.vector_store %arg7[%swap3A_948, %swap3A_949, %swap3A_950], %swap3A_953 {strides = array<i32>} : memref<2x128x128xf32, #tpu.memory_space<vmem>>, vector<1x1x16xf32>,
        %swap3A_954 = arith.index_cast %and3A_33 : i32 to index
        %swap3A_955 = arith.index_cast %add3A_883 : i32 to index
        %swap3A_956 = arith.constant 112 : index
        %swap3A_957 = tpu.vector_load %arg7[%swap3A_954, %swap3A_955, %swap3A_956] {strides = array<i32>} : memref<2x128x128xf32, #tpu.memory_space<vmem>>, vector<1x1x16xf32>,
        %swap3A_958 = vector.shape_cast %swap3A_957 : vector<1x1x16xf32> to vector<16xf32>
        %swap3A_959 = vector.shape_cast %mul3A_946 : vector<16xf32> to vector<1x1x16xf32>
        tpu.vector_store %arg7[%swap3A_954, %swap3A_955, %swap3A_956], %swap3A_959 {strides = array<i32>} : memref<2x128x128xf32, #tpu.memory_space<vmem>>, vector<1x1x16xf32>,
        %mul3A_960 = arith.constant 16 : i32
        %mul3A_961 = arith.muli %scan3A_64, %mul3A_960 : i32
        %add3A_962 = arith.constant 11 : i32
        %add3A_963 = arith.addi %mul3A_961, %add3A_962 : i32
        %broadcast_in_dim3A_964 = arith.constant 11 : i32
        %broadcast_in_dim3A_965 = vector.broadcast %broadcast_in_dim3A_964 : i32 to vector<16x1xi32>
        %gather3A_966 = vector.shape_cast %broadcast_in_dim3A_965 : vector<16x1xi32> to vector<16xi32>
        %gather3A_967 = tpu.dynamic_gather %convert_element_type3A_82[%gather3A_966] in [0] : vector<16xf32>, vector<16xi32> -> vector<16xf32>
        %get3A_968 = arith.index_cast %add3A_963 : i32 to index
        %get3A_969 = arith.constant 0 : index
        %get3A_970 = tpu.vector_load %arg6[%get3A_968, %get3A_969] {strides = array<i32>} : memref<128x64xf32, #tpu.memory_space<vmem>>, vector<1x16xf32>,
        %get3A_971 = vector.shape_cast %get3A_970 : vector<1x16xf32> to vector<16xf32>
        %mul3A_972 = arith.mulf %get3A_971, %gather3A_967 : vector<16xf32>
        %sub3A_973 = arith.subf %get3A_971, %mul3A_972 : vector<16xf32>
        %swap3A_974 = arith.index_cast %and3A_33 : i32 to index
        %swap3A_975 = arith.index_cast %add3A_963 : i32 to index
        %swap3A_976 = arith.constant 0 : index
        %swap3A_977 = tpu.vector_load %arg7[%swap3A_974, %swap3A_975, %swap3A_976] {strides = array<i32>} : memref<2x128x128xf32, #tpu.memory_space<vmem>>, vector<1x1x16xf32>,
        %swap3A_978 = vector.shape_cast %swap3A_977 : vector<1x1x16xf32> to vector<16xf32>
        %swap3A_979 = vector.shape_cast %sub3A_973 : vector<16xf32> to vector<1x1x16xf32>
        tpu.vector_store %arg7[%swap3A_974, %swap3A_975, %swap3A_976], %swap3A_979 {strides = array<i32>} : memref<2x128x128xf32, #tpu.memory_space<vmem>>, vector<1x1x16xf32>,
        %swap3A_980 = arith.index_cast %and3A_33 : i32 to index
        %swap3A_981 = arith.index_cast %add3A_963 : i32 to index
        %swap3A_982 = arith.constant 64 : index
        %swap3A_983 = tpu.vector_load %arg7[%swap3A_980, %swap3A_981, %swap3A_982] {strides = array<i32>} : memref<2x128x128xf32, #tpu.memory_space<vmem>>, vector<1x1x16xf32>,
        %swap3A_984 = vector.shape_cast %swap3A_983 : vector<1x1x16xf32> to vector<16xf32>
        %swap3A_985 = vector.shape_cast %mul3A_972 : vector<16xf32> to vector<1x1x16xf32>
        tpu.vector_store %arg7[%swap3A_980, %swap3A_981, %swap3A_982], %swap3A_985 {strides = array<i32>} : memref<2x128x128xf32, #tpu.memory_space<vmem>>, vector<1x1x16xf32>,
        %get3A_986 = arith.index_cast %add3A_963 : i32 to index
        %get3A_987 = arith.constant 16 : index
        %get3A_988 = tpu.vector_load %arg6[%get3A_986, %get3A_987] {strides = array<i32>} : memref<128x64xf32, #tpu.memory_space<vmem>>, vector<1x16xf32>,
        %get3A_989 = vector.shape_cast %get3A_988 : vector<1x16xf32> to vector<16xf32>
        %mul3A_990 = arith.mulf %get3A_989, %gather3A_967 : vector<16xf32>
        %sub3A_991 = arith.subf %get3A_989, %mul3A_990 : vector<16xf32>
        %swap3A_992 = arith.index_cast %and3A_33 : i32 to index
        %swap3A_993 = arith.index_cast %add3A_963 : i32 to index
        %swap3A_994 = arith.constant 16 : index
        %swap3A_995 = tpu.vector_load %arg7[%swap3A_992, %swap3A_993, %swap3A_994] {strides = array<i32>} : memref<2x128x128xf32, #tpu.memory_space<vmem>>, vector<1x1x16xf32>,
        %swap3A_996 = vector.shape_cast %swap3A_995 : vector<1x1x16xf32> to vector<16xf32>
        %swap3A_997 = vector.shape_cast %sub3A_991 : vector<16xf32> to vector<1x1x16xf32>
        tpu.vector_store %arg7[%swap3A_992, %swap3A_993, %swap3A_994], %swap3A_997 {strides = array<i32>} : memref<2x128x128xf32, #tpu.memory_space<vmem>>, vector<1x1x16xf32>,
        %swap3A_998 = arith.index_cast %and3A_33 : i32 to index
        %swap3A_999 = arith.index_cast %add3A_963 : i32 to index
        %swap3A_1000 = arith.constant 80 : index
        %swap3A_1001 = tpu.vector_load %arg7[%swap3A_998, %swap3A_999, %swap3A_1000] {strides = array<i32>} : memref<2x128x128xf32, #tpu.memory_space<vmem>>, vector<1x1x16xf32>,
        %swap3A_1002 = vector.shape_cast %swap3A_1001 : vector<1x1x16xf32> to vector<16xf32>
        %swap3A_1003 = vector.shape_cast %mul3A_990 : vector<16xf32> to vector<1x1x16xf32>
        tpu.vector_store %arg7[%swap3A_998, %swap3A_999, %swap3A_1000], %swap3A_1003 {strides = array<i32>} : memref<2x128x128xf32, #tpu.memory_space<vmem>>, vector<1x1x16xf32>,
        %get3A_1004 = arith.index_cast %add3A_963 : i32 to index
        %get3A_1005 = arith.constant 32 : index
        %get3A_1006 = tpu.vector_load %arg6[%get3A_1004, %get3A_1005] {strides = array<i32>} : memref<128x64xf32, #tpu.memory_space<vmem>>, vector<1x16xf32>,
        %get3A_1007 = vector.shape_cast %get3A_1006 : vector<1x16xf32> to vector<16xf32>
        %mul3A_1008 = arith.mulf %get3A_1007, %gather3A_967 : vector<16xf32>
        %sub3A_1009 = arith.subf %get3A_1007, %mul3A_1008 : vector<16xf32>
        %swap3A_1010 = arith.index_cast %and3A_33 : i32 to index
        %swap3A_1011 = arith.index_cast %add3A_963 : i32 to index
        %swap3A_1012 = arith.constant 32 : index
        %swap3A_1013 = tpu.vector_load %arg7[%swap3A_1010, %swap3A_1011, %swap3A_1012] {strides = array<i32>} : memref<2x128x128xf32, #tpu.memory_space<vmem>>, vector<1x1x16xf32>,
        %swap3A_1014 = vector.shape_cast %swap3A_1013 : vector<1x1x16xf32> to vector<16xf32>
        %swap3A_1015 = vector.shape_cast %sub3A_1009 : vector<16xf32> to vector<1x1x16xf32>
        tpu.vector_store %arg7[%swap3A_1010, %swap3A_1011, %swap3A_1012], %swap3A_1015 {strides = array<i32>} : memref<2x128x128xf32, #tpu.memory_space<vmem>>, vector<1x1x16xf32>,
        %swap3A_1016 = arith.index_cast %and3A_33 : i32 to index
        %swap3A_1017 = arith.index_cast %add3A_963 : i32 to index
        %swap3A_1018 = arith.constant 96 : index
        %swap3A_1019 = tpu.vector_load %arg7[%swap3A_1016, %swap3A_1017, %swap3A_1018] {strides = array<i32>} : memref<2x128x128xf32, #tpu.memory_space<vmem>>, vector<1x1x16xf32>,
        %swap3A_1020 = vector.shape_cast %swap3A_1019 : vector<1x1x16xf32> to vector<16xf32>
        %swap3A_1021 = vector.shape_cast %mul3A_1008 : vector<16xf32> to vector<1x1x16xf32>
        tpu.vector_store %arg7[%swap3A_1016, %swap3A_1017, %swap3A_1018], %swap3A_1021 {strides = array<i32>} : memref<2x128x128xf32, #tpu.memory_space<vmem>>, vector<1x1x16xf32>,
        %get3A_1022 = arith.index_cast %add3A_963 : i32 to index
        %get3A_1023 = arith.constant 48 : index
        %get3A_1024 = tpu.vector_load %arg6[%get3A_1022, %get3A_1023] {strides = array<i32>} : memref<128x64xf32, #tpu.memory_space<vmem>>, vector<1x16xf32>,
        %get3A_1025 = vector.shape_cast %get3A_1024 : vector<1x16xf32> to vector<16xf32>
        %mul3A_1026 = arith.mulf %get3A_1025, %gather3A_967 : vector<16xf32>
        %sub3A_1027 = arith.subf %get3A_1025, %mul3A_1026 : vector<16xf32>
        %swap3A_1028 = arith.index_cast %and3A_33 : i32 to index
        %swap3A_1029 = arith.index_cast %add3A_963 : i32 to index
        %swap3A_1030 = arith.constant 48 : index
        %swap3A_1031 = tpu.vector_load %arg7[%swap3A_1028, %swap3A_1029, %swap3A_1030] {strides = array<i32>} : memref<2x128x128xf32, #tpu.memory_space<vmem>>, vector<1x1x16xf32>,
        %swap3A_1032 = vector.shape_cast %swap3A_1031 : vector<1x1x16xf32> to vector<16xf32>
        %swap3A_1033 = vector.shape_cast %sub3A_1027 : vector<16xf32> to vector<1x1x16xf32>
        tpu.vector_store %arg7[%swap3A_1028, %swap3A_1029, %swap3A_1030], %swap3A_1033 {strides = array<i32>} : memref<2x128x128xf32, #tpu.memory_space<vmem>>, vector<1x1x16xf32>,
        %swap3A_1034 = arith.index_cast %and3A_33 : i32 to index
        %swap3A_1035 = arith.index_cast %add3A_963 : i32 to index
        %swap3A_1036 = arith.constant 112 : index
        %swap3A_1037 = tpu.vector_load %arg7[%swap3A_1034, %swap3A_1035, %swap3A_1036] {strides = array<i32>} : memref<2x128x128xf32, #tpu.memory_space<vmem>>, vector<1x1x16xf32>,
        %swap3A_1038 = vector.shape_cast %swap3A_1037 : vector<1x1x16xf32> to vector<16xf32>
        %swap3A_1039 = vector.shape_cast %mul3A_1026 : vector<16xf32> to vector<1x1x16xf32>
        tpu.vector_store %arg7[%swap3A_1034, %swap3A_1035, %swap3A_1036], %swap3A_1039 {strides = array<i32>} : memref<2x128x128xf32, #tpu.memory_space<vmem>>, vector<1x1x16xf32>,
        %mul3A_1040 = arith.constant 16 : i32
        %mul3A_1041 = arith.muli %scan3A_64, %mul3A_1040 : i32
        %add3A_1042 = arith.constant 12 : i32
        %add3A_1043 = arith.addi %mul3A_1041, %add3A_1042 : i32
        %broadcast_in_dim3A_1044 = arith.constant 12 : i32
        %broadcast_in_dim3A_1045 = vector.broadcast %broadcast_in_dim3A_1044 : i32 to vector<16x1xi32>
        %gather3A_1046 = vector.shape_cast %broadcast_in_dim3A_1045 : vector<16x1xi32> to vector<16xi32>
        %gather3A_1047 = tpu.dynamic_gather %convert_element_type3A_82[%gather3A_1046] in [0] : vector<16xf32>, vector<16xi32> -> vector<16xf32>
        %get3A_1048 = arith.index_cast %add3A_1043 : i32 to index
        %get3A_1049 = arith.constant 0 : index
        %get3A_1050 = tpu.vector_load %arg6[%get3A_1048, %get3A_1049] {strides = array<i32>} : memref<128x64xf32, #tpu.memory_space<vmem>>, vector<1x16xf32>,
        %get3A_1051 = vector.shape_cast %get3A_1050 : vector<1x16xf32> to vector<16xf32>
        %mul3A_1052 = arith.mulf %get3A_1051, %gather3A_1047 : vector<16xf32>
        %sub3A_1053 = arith.subf %get3A_1051, %mul3A_1052 : vector<16xf32>
        %swap3A_1054 = arith.index_cast %and3A_33 : i32 to index
        %swap3A_1055 = arith.index_cast %add3A_1043 : i32 to index
        %swap3A_1056 = arith.constant 0 : index
        %swap3A_1057 = tpu.vector_load %arg7[%swap3A_1054, %swap3A_1055, %swap3A_1056] {strides = array<i32>} : memref<2x128x128xf32, #tpu.memory_space<vmem>>, vector<1x1x16xf32>,
        %swap3A_1058 = vector.shape_cast %swap3A_1057 : vector<1x1x16xf32> to vector<16xf32>
        %swap3A_1059 = vector.shape_cast %sub3A_1053 : vector<16xf32> to vector<1x1x16xf32>
        tpu.vector_store %arg7[%swap3A_1054, %swap3A_1055, %swap3A_1056], %swap3A_1059 {strides = array<i32>} : memref<2x128x128xf32, #tpu.memory_space<vmem>>, vector<1x1x16xf32>,
        %swap3A_1060 = arith.index_cast %and3A_33 : i32 to index
        %swap3A_1061 = arith.index_cast %add3A_1043 : i32 to index
        %swap3A_1062 = arith.constant 64 : index
        %swap3A_1063 = tpu.vector_load %arg7[%swap3A_1060, %swap3A_1061, %swap3A_1062] {strides = array<i32>} : memref<2x128x128xf32, #tpu.memory_space<vmem>>, vector<1x1x16xf32>,
        %swap3A_1064 = vector.shape_cast %swap3A_1063 : vector<1x1x16xf32> to vector<16xf32>
        %swap3A_1065 = vector.shape_cast %mul3A_1052 : vector<16xf32> to vector<1x1x16xf32>
        tpu.vector_store %arg7[%swap3A_1060, %swap3A_1061, %swap3A_1062], %swap3A_1065 {strides = array<i32>} : memref<2x128x128xf32, #tpu.memory_space<vmem>>, vector<1x1x16xf32>,
        %get3A_1066 = arith.index_cast %add3A_1043 : i32 to index
        %get3A_1067 = arith.constant 16 : index
        %get3A_1068 = tpu.vector_load %arg6[%get3A_1066, %get3A_1067] {strides = array<i32>} : memref<128x64xf32, #tpu.memory_space<vmem>>, vector<1x16xf32>,
        %get3A_1069 = vector.shape_cast %get3A_1068 : vector<1x16xf32> to vector<16xf32>
        %mul3A_1070 = arith.mulf %get3A_1069, %gather3A_1047 : vector<16xf32>
        %sub3A_1071 = arith.subf %get3A_1069, %mul3A_1070 : vector<16xf32>
        %swap3A_1072 = arith.index_cast %and3A_33 : i32 to index
        %swap3A_1073 = arith.index_cast %add3A_1043 : i32 to index
        %swap3A_1074 = arith.constant 16 : index
        %swap3A_1075 = tpu.vector_load %arg7[%swap3A_1072, %swap3A_1073, %swap3A_1074] {strides = array<i32>} : memref<2x128x128xf32, #tpu.memory_space<vmem>>, vector<1x1x16xf32>,
        %swap3A_1076 = vector.shape_cast %swap3A_1075 : vector<1x1x16xf32> to vector<16xf32>
        %swap3A_1077 = vector.shape_cast %sub3A_1071 : vector<16xf32> to vector<1x1x16xf32>
        tpu.vector_store %arg7[%swap3A_1072, %swap3A_1073, %swap3A_1074], %swap3A_1077 {strides = array<i32>} : memref<2x128x128xf32, #tpu.memory_space<vmem>>, vector<1x1x16xf32>,
        %swap3A_1078 = arith.index_cast %and3A_33 : i32 to index
        %swap3A_1079 = arith.index_cast %add3A_1043 : i32 to index
        %swap3A_1080 = arith.constant 80 : index
        %swap3A_1081 = tpu.vector_load %arg7[%swap3A_1078, %swap3A_1079, %swap3A_1080] {strides = array<i32>} : memref<2x128x128xf32, #tpu.memory_space<vmem>>, vector<1x1x16xf32>,
        %swap3A_1082 = vector.shape_cast %swap3A_1081 : vector<1x1x16xf32> to vector<16xf32>
        %swap3A_1083 = vector.shape_cast %mul3A_1070 : vector<16xf32> to vector<1x1x16xf32>
        tpu.vector_store %arg7[%swap3A_1078, %swap3A_1079, %swap3A_1080], %swap3A_1083 {strides = array<i32>} : memref<2x128x128xf32, #tpu.memory_space<vmem>>, vector<1x1x16xf32>,
        %get3A_1084 = arith.index_cast %add3A_1043 : i32 to index
        %get3A_1085 = arith.constant 32 : index
        %get3A_1086 = tpu.vector_load %arg6[%get3A_1084, %get3A_1085] {strides = array<i32>} : memref<128x64xf32, #tpu.memory_space<vmem>>, vector<1x16xf32>,
        %get3A_1087 = vector.shape_cast %get3A_1086 : vector<1x16xf32> to vector<16xf32>
        %mul3A_1088 = arith.mulf %get3A_1087, %gather3A_1047 : vector<16xf32>
        %sub3A_1089 = arith.subf %get3A_1087, %mul3A_1088 : vector<16xf32>
        %swap3A_1090 = arith.index_cast %and3A_33 : i32 to index
        %swap3A_1091 = arith.index_cast %add3A_1043 : i32 to index
        %swap3A_1092 = arith.constant 32 : index
        %swap3A_1093 = tpu.vector_load %arg7[%swap3A_1090, %swap3A_1091, %swap3A_1092] {strides = array<i32>} : memref<2x128x128xf32, #tpu.memory_space<vmem>>, vector<1x1x16xf32>,
        %swap3A_1094 = vector.shape_cast %swap3A_1093 : vector<1x1x16xf32> to vector<16xf32>
        %swap3A_1095 = vector.shape_cast %sub3A_1089 : vector<16xf32> to vector<1x1x16xf32>
        tpu.vector_store %arg7[%swap3A_1090, %swap3A_1091, %swap3A_1092], %swap3A_1095 {strides = array<i32>} : memref<2x128x128xf32, #tpu.memory_space<vmem>>, vector<1x1x16xf32>,
        %swap3A_1096 = arith.index_cast %and3A_33 : i32 to index
        %swap3A_1097 = arith.index_cast %add3A_1043 : i32 to index
        %swap3A_1098 = arith.constant 96 : index
        %swap3A_1099 = tpu.vector_load %arg7[%swap3A_1096, %swap3A_1097, %swap3A_1098] {strides = array<i32>} : memref<2x128x128xf32, #tpu.memory_space<vmem>>, vector<1x1x16xf32>,
        %swap3A_1100 = vector.shape_cast %swap3A_1099 : vector<1x1x16xf32> to vector<16xf32>
        %swap3A_1101 = vector.shape_cast %mul3A_1088 : vector<16xf32> to vector<1x1x16xf32>
        tpu.vector_store %arg7[%swap3A_1096, %swap3A_1097, %swap3A_1098], %swap3A_1101 {strides = array<i32>} : memref<2x128x128xf32, #tpu.memory_space<vmem>>, vector<1x1x16xf32>,
        %get3A_1102 = arith.index_cast %add3A_1043 : i32 to index
        %get3A_1103 = arith.constant 48 : index
        %get3A_1104 = tpu.vector_load %arg6[%get3A_1102, %get3A_1103] {strides = array<i32>} : memref<128x64xf32, #tpu.memory_space<vmem>>, vector<1x16xf32>,
        %get3A_1105 = vector.shape_cast %get3A_1104 : vector<1x16xf32> to vector<16xf32>
        %mul3A_1106 = arith.mulf %get3A_1105, %gather3A_1047 : vector<16xf32>
        %sub3A_1107 = arith.subf %get3A_1105, %mul3A_1106 : vector<16xf32>
        %swap3A_1108 = arith.index_cast %and3A_33 : i32 to index
        %swap3A_1109 = arith.index_cast %add3A_1043 : i32 to index
        %swap3A_1110 = arith.constant 48 : index
        %swap3A_1111 = tpu.vector_load %arg7[%swap3A_1108, %swap3A_1109, %swap3A_1110] {strides = array<i32>} : memref<2x128x128xf32, #tpu.memory_space<vmem>>, vector<1x1x16xf32>,
        %swap3A_1112 = vector.shape_cast %swap3A_1111 : vector<1x1x16xf32> to vector<16xf32>
        %swap3A_1113 = vector.shape_cast %sub3A_1107 : vector<16xf32> to vector<1x1x16xf32>
        tpu.vector_store %arg7[%swap3A_1108, %swap3A_1109, %swap3A_1110], %swap3A_1113 {strides = array<i32>} : memref<2x128x128xf32, #tpu.memory_space<vmem>>, vector<1x1x16xf32>,
        %swap3A_1114 = arith.index_cast %and3A_33 : i32 to index
        %swap3A_1115 = arith.index_cast %add3A_1043 : i32 to index
        %swap3A_1116 = arith.constant 112 : index
        %swap3A_1117 = tpu.vector_load %arg7[%swap3A_1114, %swap3A_1115, %swap3A_1116] {strides = array<i32>} : memref<2x128x128xf32, #tpu.memory_space<vmem>>, vector<1x1x16xf32>,
        %swap3A_1118 = vector.shape_cast %swap3A_1117 : vector<1x1x16xf32> to vector<16xf32>
        %swap3A_1119 = vector.shape_cast %mul3A_1106 : vector<16xf32> to vector<1x1x16xf32>
        tpu.vector_store %arg7[%swap3A_1114, %swap3A_1115, %swap3A_1116], %swap3A_1119 {strides = array<i32>} : memref<2x128x128xf32, #tpu.memory_space<vmem>>, vector<1x1x16xf32>,
        %mul3A_1120 = arith.constant 16 : i32
        %mul3A_1121 = arith.muli %scan3A_64, %mul3A_1120 : i32
        %add3A_1122 = arith.constant 13 : i32
        %add3A_1123 = arith.addi %mul3A_1121, %add3A_1122 : i32
        %broadcast_in_dim3A_1124 = arith.constant 13 : i32
        %broadcast_in_dim3A_1125 = vector.broadcast %broadcast_in_dim3A_1124 : i32 to vector<16x1xi32>
        %gather3A_1126 = vector.shape_cast %broadcast_in_dim3A_1125 : vector<16x1xi32> to vector<16xi32>
        %gather3A_1127 = tpu.dynamic_gather %convert_element_type3A_82[%gather3A_1126] in [0] : vector<16xf32>, vector<16xi32> -> vector<16xf32>
        %get3A_1128 = arith.index_cast %add3A_1123 : i32 to index
        %get3A_1129 = arith.constant 0 : index
        %get3A_1130 = tpu.vector_load %arg6[%get3A_1128, %get3A_1129] {strides = array<i32>} : memref<128x64xf32, #tpu.memory_space<vmem>>, vector<1x16xf32>,
        %get3A_1131 = vector.shape_cast %get3A_1130 : vector<1x16xf32> to vector<16xf32>
        %mul3A_1132 = arith.mulf %get3A_1131, %gather3A_1127 : vector<16xf32>
        %sub3A_1133 = arith.subf %get3A_1131, %mul3A_1132 : vector<16xf32>
        %swap3A_1134 = arith.index_cast %and3A_33 : i32 to index
        %swap3A_1135 = arith.index_cast %add3A_1123 : i32 to index
        %swap3A_1136 = arith.constant 0 : index
        %swap3A_1137 = tpu.vector_load %arg7[%swap3A_1134, %swap3A_1135, %swap3A_1136] {strides = array<i32>} : memref<2x128x128xf32, #tpu.memory_space<vmem>>, vector<1x1x16xf32>,
        %swap3A_1138 = vector.shape_cast %swap3A_1137 : vector<1x1x16xf32> to vector<16xf32>
        %swap3A_1139 = vector.shape_cast %sub3A_1133 : vector<16xf32> to vector<1x1x16xf32>
        tpu.vector_store %arg7[%swap3A_1134, %swap3A_1135, %swap3A_1136], %swap3A_1139 {strides = array<i32>} : memref<2x128x128xf32, #tpu.memory_space<vmem>>, vector<1x1x16xf32>,
        %swap3A_1140 = arith.index_cast %and3A_33 : i32 to index
        %swap3A_1141 = arith.index_cast %add3A_1123 : i32 to index
        %swap3A_1142 = arith.constant 64 : index
        %swap3A_1143 = tpu.vector_load %arg7[%swap3A_1140, %swap3A_1141, %swap3A_1142] {strides = array<i32>} : memref<2x128x128xf32, #tpu.memory_space<vmem>>, vector<1x1x16xf32>,
        %swap3A_1144 = vector.shape_cast %swap3A_1143 : vector<1x1x16xf32> to vector<16xf32>
        %swap3A_1145 = vector.shape_cast %mul3A_1132 : vector<16xf32> to vector<1x1x16xf32>
        tpu.vector_store %arg7[%swap3A_1140, %swap3A_1141, %swap3A_1142], %swap3A_1145 {strides = array<i32>} : memref<2x128x128xf32, #tpu.memory_space<vmem>>, vector<1x1x16xf32>,
        %get3A_1146 = arith.index_cast %add3A_1123 : i32 to index
        %get3A_1147 = arith.constant 16 : index
        %get3A_1148 = tpu.vector_load %arg6[%get3A_1146, %get3A_1147] {strides = array<i32>} : memref<128x64xf32, #tpu.memory_space<vmem>>, vector<1x16xf32>,
        %get3A_1149 = vector.shape_cast %get3A_1148 : vector<1x16xf32> to vector<16xf32>
        %mul3A_1150 = arith.mulf %get3A_1149, %gather3A_1127 : vector<16xf32>
        %sub3A_1151 = arith.subf %get3A_1149, %mul3A_1150 : vector<16xf32>
        %swap3A_1152 = arith.index_cast %and3A_33 : i32 to index
        %swap3A_1153 = arith.index_cast %add3A_1123 : i32 to index
        %swap3A_1154 = arith.constant 16 : index
        %swap3A_1155 = tpu.vector_load %arg7[%swap3A_1152, %swap3A_1153, %swap3A_1154] {strides = array<i32>} : memref<2x128x128xf32, #tpu.memory_space<vmem>>, vector<1x1x16xf32>,
        %swap3A_1156 = vector.shape_cast %swap3A_1155 : vector<1x1x16xf32> to vector<16xf32>
        %swap3A_1157 = vector.shape_cast %sub3A_1151 : vector<16xf32> to vector<1x1x16xf32>
        tpu.vector_store %arg7[%swap3A_1152, %swap3A_1153, %swap3A_1154], %swap3A_1157 {strides = array<i32>} : memref<2x128x128xf32, #tpu.memory_space<vmem>>, vector<1x1x16xf32>,
        %swap3A_1158 = arith.index_cast %and3A_33 : i32 to index
        %swap3A_1159 = arith.index_cast %add3A_1123 : i32 to index
        %swap3A_1160 = arith.constant 80 : index
        %swap3A_1161 = tpu.vector_load %arg7[%swap3A_1158, %swap3A_1159, %swap3A_1160] {strides = array<i32>} : memref<2x128x128xf32, #tpu.memory_space<vmem>>, vector<1x1x16xf32>,
        %swap3A_1162 = vector.shape_cast %swap3A_1161 : vector<1x1x16xf32> to vector<16xf32>
        %swap3A_1163 = vector.shape_cast %mul3A_1150 : vector<16xf32> to vector<1x1x16xf32>
        tpu.vector_store %arg7[%swap3A_1158, %swap3A_1159, %swap3A_1160], %swap3A_1163 {strides = array<i32>} : memref<2x128x128xf32, #tpu.memory_space<vmem>>, vector<1x1x16xf32>,
        %get3A_1164 = arith.index_cast %add3A_1123 : i32 to index
        %get3A_1165 = arith.constant 32 : index
        %get3A_1166 = tpu.vector_load %arg6[%get3A_1164, %get3A_1165] {strides = array<i32>} : memref<128x64xf32, #tpu.memory_space<vmem>>, vector<1x16xf32>,
        %get3A_1167 = vector.shape_cast %get3A_1166 : vector<1x16xf32> to vector<16xf32>
        %mul3A_1168 = arith.mulf %get3A_1167, %gather3A_1127 : vector<16xf32>
        %sub3A_1169 = arith.subf %get3A_1167, %mul3A_1168 : vector<16xf32>
        %swap3A_1170 = arith.index_cast %and3A_33 : i32 to index
        %swap3A_1171 = arith.index_cast %add3A_1123 : i32 to index
        %swap3A_1172 = arith.constant 32 : index
        %swap3A_1173 = tpu.vector_load %arg7[%swap3A_1170, %swap3A_1171, %swap3A_1172] {strides = array<i32>} : memref<2x128x128xf32, #tpu.memory_space<vmem>>, vector<1x1x16xf32>,
        %swap3A_1174 = vector.shape_cast %swap3A_1173 : vector<1x1x16xf32> to vector<16xf32>
        %swap3A_1175 = vector.shape_cast %sub3A_1169 : vector<16xf32> to vector<1x1x16xf32>
        tpu.vector_store %arg7[%swap3A_1170, %swap3A_1171, %swap3A_1172], %swap3A_1175 {strides = array<i32>} : memref<2x128x128xf32, #tpu.memory_space<vmem>>, vector<1x1x16xf32>,
        %swap3A_1176 = arith.index_cast %and3A_33 : i32 to index
        %swap3A_1177 = arith.index_cast %add3A_1123 : i32 to index
        %swap3A_1178 = arith.constant 96 : index
        %swap3A_1179 = tpu.vector_load %arg7[%swap3A_1176, %swap3A_1177, %swap3A_1178] {strides = array<i32>} : memref<2x128x128xf32, #tpu.memory_space<vmem>>, vector<1x1x16xf32>,
        %swap3A_1180 = vector.shape_cast %swap3A_1179 : vector<1x1x16xf32> to vector<16xf32>
        %swap3A_1181 = vector.shape_cast %mul3A_1168 : vector<16xf32> to vector<1x1x16xf32>
        tpu.vector_store %arg7[%swap3A_1176, %swap3A_1177, %swap3A_1178], %swap3A_1181 {strides = array<i32>} : memref<2x128x128xf32, #tpu.memory_space<vmem>>, vector<1x1x16xf32>,
        %get3A_1182 = arith.index_cast %add3A_1123 : i32 to index
        %get3A_1183 = arith.constant 48 : index
        %get3A_1184 = tpu.vector_load %arg6[%get3A_1182, %get3A_1183] {strides = array<i32>} : memref<128x64xf32, #tpu.memory_space<vmem>>, vector<1x16xf32>,
        %get3A_1185 = vector.shape_cast %get3A_1184 : vector<1x16xf32> to vector<16xf32>
        %mul3A_1186 = arith.mulf %get3A_1185, %gather3A_1127 : vector<16xf32>
        %sub3A_1187 = arith.subf %get3A_1185, %mul3A_1186 : vector<16xf32>
        %swap3A_1188 = arith.index_cast %and3A_33 : i32 to index
        %swap3A_1189 = arith.index_cast %add3A_1123 : i32 to index
        %swap3A_1190 = arith.constant 48 : index
        %swap3A_1191 = tpu.vector_load %arg7[%swap3A_1188, %swap3A_1189, %swap3A_1190] {strides = array<i32>} : memref<2x128x128xf32, #tpu.memory_space<vmem>>, vector<1x1x16xf32>,
        %swap3A_1192 = vector.shape_cast %swap3A_1191 : vector<1x1x16xf32> to vector<16xf32>
        %swap3A_1193 = vector.shape_cast %sub3A_1187 : vector<16xf32> to vector<1x1x16xf32>
        tpu.vector_store %arg7[%swap3A_1188, %swap3A_1189, %swap3A_1190], %swap3A_1193 {strides = array<i32>} : memref<2x128x128xf32, #tpu.memory_space<vmem>>, vector<1x1x16xf32>,
        %swap3A_1194 = arith.index_cast %and3A_33 : i32 to index
        %swap3A_1195 = arith.index_cast %add3A_1123 : i32 to index
        %swap3A_1196 = arith.constant 112 : index
        %swap3A_1197 = tpu.vector_load %arg7[%swap3A_1194, %swap3A_1195, %swap3A_1196] {strides = array<i32>} : memref<2x128x128xf32, #tpu.memory_space<vmem>>, vector<1x1x16xf32>,
        %swap3A_1198 = vector.shape_cast %swap3A_1197 : vector<1x1x16xf32> to vector<16xf32>
        %swap3A_1199 = vector.shape_cast %mul3A_1186 : vector<16xf32> to vector<1x1x16xf32>
        tpu.vector_store %arg7[%swap3A_1194, %swap3A_1195, %swap3A_1196], %swap3A_1199 {strides = array<i32>} : memref<2x128x128xf32, #tpu.memory_space<vmem>>, vector<1x1x16xf32>,
        %mul3A_1200 = arith.constant 16 : i32
        %mul3A_1201 = arith.muli %scan3A_64, %mul3A_1200 : i32
        %add3A_1202 = arith.constant 14 : i32
        %add3A_1203 = arith.addi %mul3A_1201, %add3A_1202 : i32
        %broadcast_in_dim3A_1204 = arith.constant 14 : i32
        %broadcast_in_dim3A_1205 = vector.broadcast %broadcast_in_dim3A_1204 : i32 to vector<16x1xi32>
        %gather3A_1206 = vector.shape_cast %broadcast_in_dim3A_1205 : vector<16x1xi32> to vector<16xi32>
        %gather3A_1207 = tpu.dynamic_gather %convert_element_type3A_82[%gather3A_1206] in [0] : vector<16xf32>, vector<16xi32> -> vector<16xf32>
        %get3A_1208 = arith.index_cast %add3A_1203 : i32 to index
        %get3A_1209 = arith.constant 0 : index
        %get3A_1210 = tpu.vector_load %arg6[%get3A_1208, %get3A_1209] {strides = array<i32>} : memref<128x64xf32, #tpu.memory_space<vmem>>, vector<1x16xf32>,
        %get3A_1211 = vector.shape_cast %get3A_1210 : vector<1x16xf32> to vector<16xf32>
        %mul3A_1212 = arith.mulf %get3A_1211, %gather3A_1207 : vector<16xf32>
        %sub3A_1213 = arith.subf %get3A_1211, %mul3A_1212 : vector<16xf32>
        %swap3A_1214 = arith.index_cast %and3A_33 : i32 to index
        %swap3A_1215 = arith.index_cast %add3A_1203 : i32 to index
        %swap3A_1216 = arith.constant 0 : index
        %swap3A_1217 = tpu.vector_load %arg7[%swap3A_1214, %swap3A_1215, %swap3A_1216] {strides = array<i32>} : memref<2x128x128xf32, #tpu.memory_space<vmem>>, vector<1x1x16xf32>,
        %swap3A_1218 = vector.shape_cast %swap3A_1217 : vector<1x1x16xf32> to vector<16xf32>
        %swap3A_1219 = vector.shape_cast %sub3A_1213 : vector<16xf32> to vector<1x1x16xf32>
        tpu.vector_store %arg7[%swap3A_1214, %swap3A_1215, %swap3A_1216], %swap3A_1219 {strides = array<i32>} : memref<2x128x128xf32, #tpu.memory_space<vmem>>, vector<1x1x16xf32>,
        %swap3A_1220 = arith.index_cast %and3A_33 : i32 to index
        %swap3A_1221 = arith.index_cast %add3A_1203 : i32 to index
        %swap3A_1222 = arith.constant 64 : index
        %swap3A_1223 = tpu.vector_load %arg7[%swap3A_1220, %swap3A_1221, %swap3A_1222] {strides = array<i32>} : memref<2x128x128xf32, #tpu.memory_space<vmem>>, vector<1x1x16xf32>,
        %swap3A_1224 = vector.shape_cast %swap3A_1223 : vector<1x1x16xf32> to vector<16xf32>
        %swap3A_1225 = vector.shape_cast %mul3A_1212 : vector<16xf32> to vector<1x1x16xf32>
        tpu.vector_store %arg7[%swap3A_1220, %swap3A_1221, %swap3A_1222], %swap3A_1225 {strides = array<i32>} : memref<2x128x128xf32, #tpu.memory_space<vmem>>, vector<1x1x16xf32>,
        %get3A_1226 = arith.index_cast %add3A_1203 : i32 to index
        %get3A_1227 = arith.constant 16 : index
        %get3A_1228 = tpu.vector_load %arg6[%get3A_1226, %get3A_1227] {strides = array<i32>} : memref<128x64xf32, #tpu.memory_space<vmem>>, vector<1x16xf32>,
        %get3A_1229 = vector.shape_cast %get3A_1228 : vector<1x16xf32> to vector<16xf32>
        %mul3A_1230 = arith.mulf %get3A_1229, %gather3A_1207 : vector<16xf32>
        %sub3A_1231 = arith.subf %get3A_1229, %mul3A_1230 : vector<16xf32>
        %swap3A_1232 = arith.index_cast %and3A_33 : i32 to index
        %swap3A_1233 = arith.index_cast %add3A_1203 : i32 to index
        %swap3A_1234 = arith.constant 16 : index
        %swap3A_1235 = tpu.vector_load %arg7[%swap3A_1232, %swap3A_1233, %swap3A_1234] {strides = array<i32>} : memref<2x128x128xf32, #tpu.memory_space<vmem>>, vector<1x1x16xf32>,
        %swap3A_1236 = vector.shape_cast %swap3A_1235 : vector<1x1x16xf32> to vector<16xf32>
        %swap3A_1237 = vector.shape_cast %sub3A_1231 : vector<16xf32> to vector<1x1x16xf32>
        tpu.vector_store %arg7[%swap3A_1232, %swap3A_1233, %swap3A_1234], %swap3A_1237 {strides = array<i32>} : memref<2x128x128xf32, #tpu.memory_space<vmem>>, vector<1x1x16xf32>,
        %swap3A_1238 = arith.index_cast %and3A_33 : i32 to index
        %swap3A_1239 = arith.index_cast %add3A_1203 : i32 to index
        %swap3A_1240 = arith.constant 80 : index
        %swap3A_1241 = tpu.vector_load %arg7[%swap3A_1238, %swap3A_1239, %swap3A_1240] {strides = array<i32>} : memref<2x128x128xf32, #tpu.memory_space<vmem>>, vector<1x1x16xf32>,
        %swap3A_1242 = vector.shape_cast %swap3A_1241 : vector<1x1x16xf32> to vector<16xf32>
        %swap3A_1243 = vector.shape_cast %mul3A_1230 : vector<16xf32> to vector<1x1x16xf32>
        tpu.vector_store %arg7[%swap3A_1238, %swap3A_1239, %swap3A_1240], %swap3A_1243 {strides = array<i32>} : memref<2x128x128xf32, #tpu.memory_space<vmem>>, vector<1x1x16xf32>,
        %get3A_1244 = arith.index_cast %add3A_1203 : i32 to index
        %get3A_1245 = arith.constant 32 : index
        %get3A_1246 = tpu.vector_load %arg6[%get3A_1244, %get3A_1245] {strides = array<i32>} : memref<128x64xf32, #tpu.memory_space<vmem>>, vector<1x16xf32>,
        %get3A_1247 = vector.shape_cast %get3A_1246 : vector<1x16xf32> to vector<16xf32>
        %mul3A_1248 = arith.mulf %get3A_1247, %gather3A_1207 : vector<16xf32>
        %sub3A_1249 = arith.subf %get3A_1247, %mul3A_1248 : vector<16xf32>
        %swap3A_1250 = arith.index_cast %and3A_33 : i32 to index
        %swap3A_1251 = arith.index_cast %add3A_1203 : i32 to index
        %swap3A_1252 = arith.constant 32 : index
        %swap3A_1253 = tpu.vector_load %arg7[%swap3A_1250, %swap3A_1251, %swap3A_1252] {strides = array<i32>} : memref<2x128x128xf32, #tpu.memory_space<vmem>>, vector<1x1x16xf32>,
        %swap3A_1254 = vector.shape_cast %swap3A_1253 : vector<1x1x16xf32> to vector<16xf32>
        %swap3A_1255 = vector.shape_cast %sub3A_1249 : vector<16xf32> to vector<1x1x16xf32>
        tpu.vector_store %arg7[%swap3A_1250, %swap3A_1251, %swap3A_1252], %swap3A_1255 {strides = array<i32>} : memref<2x128x128xf32, #tpu.memory_space<vmem>>, vector<1x1x16xf32>,
        %swap3A_1256 = arith.index_cast %and3A_33 : i32 to index
        %swap3A_1257 = arith.index_cast %add3A_1203 : i32 to index
        %swap3A_1258 = arith.constant 96 : index
        %swap3A_1259 = tpu.vector_load %arg7[%swap3A_1256, %swap3A_1257, %swap3A_1258] {strides = array<i32>} : memref<2x128x128xf32, #tpu.memory_space<vmem>>, vector<1x1x16xf32>,
        %swap3A_1260 = vector.shape_cast %swap3A_1259 : vector<1x1x16xf32> to vector<16xf32>
        %swap3A_1261 = vector.shape_cast %mul3A_1248 : vector<16xf32> to vector<1x1x16xf32>
        tpu.vector_store %arg7[%swap3A_1256, %swap3A_1257, %swap3A_1258], %swap3A_1261 {strides = array<i32>} : memref<2x128x128xf32, #tpu.memory_space<vmem>>, vector<1x1x16xf32>,
        %get3A_1262 = arith.index_cast %add3A_1203 : i32 to index
        %get3A_1263 = arith.constant 48 : index
        %get3A_1264 = tpu.vector_load %arg6[%get3A_1262, %get3A_1263] {strides = array<i32>} : memref<128x64xf32, #tpu.memory_space<vmem>>, vector<1x16xf32>,
        %get3A_1265 = vector.shape_cast %get3A_1264 : vector<1x16xf32> to vector<16xf32>
        %mul3A_1266 = arith.mulf %get3A_1265, %gather3A_1207 : vector<16xf32>
        %sub3A_1267 = arith.subf %get3A_1265, %mul3A_1266 : vector<16xf32>
        %swap3A_1268 = arith.index_cast %and3A_33 : i32 to index
        %swap3A_1269 = arith.index_cast %add3A_1203 : i32 to index
        %swap3A_1270 = arith.constant 48 : index
        %swap3A_1271 = tpu.vector_load %arg7[%swap3A_1268, %swap3A_1269, %swap3A_1270] {strides = array<i32>} : memref<2x128x128xf32, #tpu.memory_space<vmem>>, vector<1x1x16xf32>,
        %swap3A_1272 = vector.shape_cast %swap3A_1271 : vector<1x1x16xf32> to vector<16xf32>
        %swap3A_1273 = vector.shape_cast %sub3A_1267 : vector<16xf32> to vector<1x1x16xf32>
        tpu.vector_store %arg7[%swap3A_1268, %swap3A_1269, %swap3A_1270], %swap3A_1273 {strides = array<i32>} : memref<2x128x128xf32, #tpu.memory_space<vmem>>, vector<1x1x16xf32>,
        %swap3A_1274 = arith.index_cast %and3A_33 : i32 to index
        %swap3A_1275 = arith.index_cast %add3A_1203 : i32 to index
        %swap3A_1276 = arith.constant 112 : index
        %swap3A_1277 = tpu.vector_load %arg7[%swap3A_1274, %swap3A_1275, %swap3A_1276] {strides = array<i32>} : memref<2x128x128xf32, #tpu.memory_space<vmem>>, vector<1x1x16xf32>,
        %swap3A_1278 = vector.shape_cast %swap3A_1277 : vector<1x1x16xf32> to vector<16xf32>
        %swap3A_1279 = vector.shape_cast %mul3A_1266 : vector<16xf32> to vector<1x1x16xf32>
        tpu.vector_store %arg7[%swap3A_1274, %swap3A_1275, %swap3A_1276], %swap3A_1279 {strides = array<i32>} : memref<2x128x128xf32, #tpu.memory_space<vmem>>, vector<1x1x16xf32>,
        %mul3A_1280 = arith.constant 16 : i32
        %mul3A_1281 = arith.muli %scan3A_64, %mul3A_1280 : i32
        %add3A_1282 = arith.constant 15 : i32
        %add3A_1283 = arith.addi %mul3A_1281, %add3A_1282 : i32
        %broadcast_in_dim3A_1284 = arith.constant 15 : i32
        %broadcast_in_dim3A_1285 = vector.broadcast %broadcast_in_dim3A_1284 : i32 to vector<16x1xi32>
        %gather3A_1286 = vector.shape_cast %broadcast_in_dim3A_1285 : vector<16x1xi32> to vector<16xi32>
        %gather3A_1287 = tpu.dynamic_gather %convert_element_type3A_82[%gather3A_1286] in [0] : vector<16xf32>, vector<16xi32> -> vector<16xf32>
        %get3A_1288 = arith.index_cast %add3A_1283 : i32 to index
        %get3A_1289 = arith.constant 0 : index
        %get3A_1290 = tpu.vector_load %arg6[%get3A_1288, %get3A_1289] {strides = array<i32>} : memref<128x64xf32, #tpu.memory_space<vmem>>, vector<1x16xf32>,
        %get3A_1291 = vector.shape_cast %get3A_1290 : vector<1x16xf32> to vector<16xf32>
        %mul3A_1292 = arith.mulf %get3A_1291, %gather3A_1287 : vector<16xf32>
        %sub3A_1293 = arith.subf %get3A_1291, %mul3A_1292 : vector<16xf32>
        %swap3A_1294 = arith.index_cast %and3A_33 : i32 to index
        %swap3A_1295 = arith.index_cast %add3A_1283 : i32 to index
        %swap3A_1296 = arith.constant 0 : index
        %swap3A_1297 = tpu.vector_load %arg7[%swap3A_1294, %swap3A_1295, %swap3A_1296] {strides = array<i32>} : memref<2x128x128xf32, #tpu.memory_space<vmem>>, vector<1x1x16xf32>,
        %swap3A_1298 = vector.shape_cast %swap3A_1297 : vector<1x1x16xf32> to vector<16xf32>
        %swap3A_1299 = vector.shape_cast %sub3A_1293 : vector<16xf32> to vector<1x1x16xf32>
        tpu.vector_store %arg7[%swap3A_1294, %swap3A_1295, %swap3A_1296], %swap3A_1299 {strides = array<i32>} : memref<2x128x128xf32, #tpu.memory_space<vmem>>, vector<1x1x16xf32>,
        %swap3A_1300 = arith.index_cast %and3A_33 : i32 to index
        %swap3A_1301 = arith.index_cast %add3A_1283 : i32 to index
        %swap3A_1302 = arith.constant 64 : index
        %swap3A_1303 = tpu.vector_load %arg7[%swap3A_1300, %swap3A_1301, %swap3A_1302] {strides = array<i32>} : memref<2x128x128xf32, #tpu.memory_space<vmem>>, vector<1x1x16xf32>,
        %swap3A_1304 = vector.shape_cast %swap3A_1303 : vector<1x1x16xf32> to vector<16xf32>
        %swap3A_1305 = vector.shape_cast %mul3A_1292 : vector<16xf32> to vector<1x1x16xf32>
        tpu.vector_store %arg7[%swap3A_1300, %swap3A_1301, %swap3A_1302], %swap3A_1305 {strides = array<i32>} : memref<2x128x128xf32, #tpu.memory_space<vmem>>, vector<1x1x16xf32>,
        %get3A_1306 = arith.index_cast %add3A_1283 : i32 to index
        %get3A_1307 = arith.constant 16 : index
        %get3A_1308 = tpu.vector_load %arg6[%get3A_1306, %get3A_1307] {strides = array<i32>} : memref<128x64xf32, #tpu.memory_space<vmem>>, vector<1x16xf32>,
        %get3A_1309 = vector.shape_cast %get3A_1308 : vector<1x16xf32> to vector<16xf32>
        %mul3A_1310 = arith.mulf %get3A_1309, %gather3A_1287 : vector<16xf32>
        %sub3A_1311 = arith.subf %get3A_1309, %mul3A_1310 : vector<16xf32>
        %swap3A_1312 = arith.index_cast %and3A_33 : i32 to index
        %swap3A_1313 = arith.index_cast %add3A_1283 : i32 to index
        %swap3A_1314 = arith.constant 16 : index
        %swap3A_1315 = tpu.vector_load %arg7[%swap3A_1312, %swap3A_1313, %swap3A_1314] {strides = array<i32>} : memref<2x128x128xf32, #tpu.memory_space<vmem>>, vector<1x1x16xf32>,
        %swap3A_1316 = vector.shape_cast %swap3A_1315 : vector<1x1x16xf32> to vector<16xf32>
        %swap3A_1317 = vector.shape_cast %sub3A_1311 : vector<16xf32> to vector<1x1x16xf32>
        tpu.vector_store %arg7[%swap3A_1312, %swap3A_1313, %swap3A_1314], %swap3A_1317 {strides = array<i32>} : memref<2x128x128xf32, #tpu.memory_space<vmem>>, vector<1x1x16xf32>,
        %swap3A_1318 = arith.index_cast %and3A_33 : i32 to index
        %swap3A_1319 = arith.index_cast %add3A_1283 : i32 to index
        %swap3A_1320 = arith.constant 80 : index
        %swap3A_1321 = tpu.vector_load %arg7[%swap3A_1318, %swap3A_1319, %swap3A_1320] {strides = array<i32>} : memref<2x128x128xf32, #tpu.memory_space<vmem>>, vector<1x1x16xf32>,
        %swap3A_1322 = vector.shape_cast %swap3A_1321 : vector<1x1x16xf32> to vector<16xf32>
        %swap3A_1323 = vector.shape_cast %mul3A_1310 : vector<16xf32> to vector<1x1x16xf32>
        tpu.vector_store %arg7[%swap3A_1318, %swap3A_1319, %swap3A_1320], %swap3A_1323 {strides = array<i32>} : memref<2x128x128xf32, #tpu.memory_space<vmem>>, vector<1x1x16xf32>,
        %get3A_1324 = arith.index_cast %add3A_1283 : i32 to index
        %get3A_1325 = arith.constant 32 : index
        %get3A_1326 = tpu.vector_load %arg6[%get3A_1324, %get3A_1325] {strides = array<i32>} : memref<128x64xf32, #tpu.memory_space<vmem>>, vector<1x16xf32>,
        %get3A_1327 = vector.shape_cast %get3A_1326 : vector<1x16xf32> to vector<16xf32>
        %mul3A_1328 = arith.mulf %get3A_1327, %gather3A_1287 : vector<16xf32>
        %sub3A_1329 = arith.subf %get3A_1327, %mul3A_1328 : vector<16xf32>
        %swap3A_1330 = arith.index_cast %and3A_33 : i32 to index
        %swap3A_1331 = arith.index_cast %add3A_1283 : i32 to index
        %swap3A_1332 = arith.constant 32 : index
        %swap3A_1333 = tpu.vector_load %arg7[%swap3A_1330, %swap3A_1331, %swap3A_1332] {strides = array<i32>} : memref<2x128x128xf32, #tpu.memory_space<vmem>>, vector<1x1x16xf32>,
        %swap3A_1334 = vector.shape_cast %swap3A_1333 : vector<1x1x16xf32> to vector<16xf32>
        %swap3A_1335 = vector.shape_cast %sub3A_1329 : vector<16xf32> to vector<1x1x16xf32>
        tpu.vector_store %arg7[%swap3A_1330, %swap3A_1331, %swap3A_1332], %swap3A_1335 {strides = array<i32>} : memref<2x128x128xf32, #tpu.memory_space<vmem>>, vector<1x1x16xf32>,
        %swap3A_1336 = arith.index_cast %and3A_33 : i32 to index
        %swap3A_1337 = arith.index_cast %add3A_1283 : i32 to index
        %swap3A_1338 = arith.constant 96 : index
        %swap3A_1339 = tpu.vector_load %arg7[%swap3A_1336, %swap3A_1337, %swap3A_1338] {strides = array<i32>} : memref<2x128x128xf32, #tpu.memory_space<vmem>>, vector<1x1x16xf32>,
        %swap3A_1340 = vector.shape_cast %swap3A_1339 : vector<1x1x16xf32> to vector<16xf32>
        %swap3A_1341 = vector.shape_cast %mul3A_1328 : vector<16xf32> to vector<1x1x16xf32>
        tpu.vector_store %arg7[%swap3A_1336, %swap3A_1337, %swap3A_1338], %swap3A_1341 {strides = array<i32>} : memref<2x128x128xf32, #tpu.memory_space<vmem>>, vector<1x1x16xf32>,
        %get3A_1342 = arith.index_cast %add3A_1283 : i32 to index
        %get3A_1343 = arith.constant 48 : index
        %get3A_1344 = tpu.vector_load %arg6[%get3A_1342, %get3A_1343] {strides = array<i32>} : memref<128x64xf32, #tpu.memory_space<vmem>>, vector<1x16xf32>,
        %get3A_1345 = vector.shape_cast %get3A_1344 : vector<1x16xf32> to vector<16xf32>
        %mul3A_1346 = arith.mulf %get3A_1345, %gather3A_1287 : vector<16xf32>
        %sub3A_1347 = arith.subf %get3A_1345, %mul3A_1346 : vector<16xf32>
        %swap3A_1348 = arith.index_cast %and3A_33 : i32 to index
        %swap3A_1349 = arith.index_cast %add3A_1283 : i32 to index
        %swap3A_1350 = arith.constant 48 : index
        %swap3A_1351 = tpu.vector_load %arg7[%swap3A_1348, %swap3A_1349, %swap3A_1350] {strides = array<i32>} : memref<2x128x128xf32, #tpu.memory_space<vmem>>, vector<1x1x16xf32>,
        %swap3A_1352 = vector.shape_cast %swap3A_1351 : vector<1x1x16xf32> to vector<16xf32>
        %swap3A_1353 = vector.shape_cast %sub3A_1347 : vector<16xf32> to vector<1x1x16xf32>
        tpu.vector_store %arg7[%swap3A_1348, %swap3A_1349, %swap3A_1350], %swap3A_1353 {strides = array<i32>} : memref<2x128x128xf32, #tpu.memory_space<vmem>>, vector<1x1x16xf32>,
        %swap3A_1354 = arith.index_cast %and3A_33 : i32 to index
        %swap3A_1355 = arith.index_cast %add3A_1283 : i32 to index
        %swap3A_1356 = arith.constant 112 : index
        %swap3A_1357 = tpu.vector_load %arg7[%swap3A_1354, %swap3A_1355, %swap3A_1356] {strides = array<i32>} : memref<2x128x128xf32, #tpu.memory_space<vmem>>, vector<1x1x16xf32>,
        %swap3A_1358 = vector.shape_cast %swap3A_1357 : vector<1x1x16xf32> to vector<16xf32>
        %swap3A_1359 = vector.shape_cast %mul3A_1346 : vector<16xf32> to vector<1x1x16xf32>
        tpu.vector_store %arg7[%swap3A_1354, %swap3A_1355, %swap3A_1356], %swap3A_1359 {strides = array<i32>} : memref<2x128x128xf32, #tpu.memory_space<vmem>>, vector<1x1x16xf32>,
        %scan3A_1360 = arith.constant 0 : i32
        scf.yield %scan3A_1360 : i32
      }
      %scan3A_53 = arith.constant 8 : i32
      %dma_start3A = arith.constant 0 : i32
      %dma_start3A_54 = arith.constant 0 : i32
      %dma_start3A_55 = tpu.memref_slice %arg7[%and3A_33, %dma_start3A, %dma_start3A_54] : memref<2x128x128xf32, #tpu.memory_space<vmem>> -> memref<1x128x128xf32, #tpu.memory_space<vmem>>
      %dma_start3A_56 = tpu.memref_squeeze %dma_start3A_55 : memref<1x128x128xf32, #tpu.memory_space<vmem>> -> memref<128x128xf32, #tpu.memory_space<vmem>>
      %dma_start3A_57 = arith.constant 0 : i32
      %dma_start3A_58 = tpu.memref_slice %arg9[%and3A_33, %dma_start3A_57] : memref<2x128xi32, #tpu.memory_space<vmem>> -> memref<1x128xi32, #tpu.memory_space<vmem>>
      %dma_start3A_59 = tpu.memref_squeeze %dma_start3A_58 : memref<1x128xi32, #tpu.memory_space<vmem>> -> memref<128xi32, #tpu.memory_space<vmem>>
      %dma_start3A_60 = arith.constant 0 : i32
      %dma_start3A_61 = arith.constant 0 : i32
      %dma_start3A_62 = tpu.memref_slice %arg10[%dma_start3A_60, %dma_start3A_61] : memref<8192x128xf32, #tpu.memory_space<vmem_shared>> -> memref<8192x128xf32, #tpu.memory_space<vmem_shared>>
      tpu.enqueue_indirect_dma source(%dma_start3A_56 : memref<128x128xf32, #tpu.memory_space<vmem>>) target(%dma_start3A_62 : memref<8192x128xf32, #tpu.memory_space<vmem_shared>>) offsets(%dma_start3A_59 : memref<128xi32, #tpu.memory_space<vmem>>) semaphore(%arg11 : memref<!tpu.dma_semaphore, #tpu.memory_space<semaphore_mem>>) {add = true}
      %scan3A_63 = arith.constant 0 : i32
      scf.yield %scan3A_63 : i32
    }
    %scan3A_6 = arith.constant 128 : i32
    %dma_wait3A = arith.constant 0 : i32
    %dma_wait3A_7 = arith.constant 0 : i32
    %dma_wait3A_8 = arith.constant 0 : i32
    %dma_wait3A_9 = arith.constant 0 : i32
    %dma_wait3A_10 = tpu.memref_slice %arg7[%dma_wait3A, %dma_wait3A_8, %dma_wait3A_9] : memref<2x128x128xf32, #tpu.memory_space<vmem>> -> memref<1x128x128xf32, #tpu.memory_space<vmem>>
    %dma_wait3A_11 = tpu.memref_squeeze %dma_wait3A_10 : memref<1x128x128xf32, #tpu.memory_space<vmem>> -> memref<128x128xf32, #tpu.memory_space<vmem>>
    %dma_wait3A_12 = arith.constant 0 : i32
    %dma_wait3A_13 = tpu.memref_slice %arg9[%dma_wait3A_7, %dma_wait3A_12] : memref<2x128xi32, #tpu.memory_space<vmem>> -> memref<1x128xi32, #tpu.memory_space<vmem>>
    %dma_wait3A_14 = tpu.memref_squeeze %dma_wait3A_13 : memref<1x128xi32, #tpu.memory_space<vmem>> -> memref<128xi32, #tpu.memory_space<vmem>>
    %dma_wait3A_15 = arith.constant 0 : i32
    %dma_wait3A_16 = arith.constant 0 : i32
    %dma_wait3A_17 = tpu.memref_slice %arg10[%dma_wait3A_15, %dma_wait3A_16] : memref<8192x128xf32, #tpu.memory_space<vmem_shared>> -> memref<8192x128xf32, #tpu.memory_space<vmem_shared>>
    tpu.wait_indirect_dma semaphore(%arg11 : memref<!tpu.dma_semaphore, #tpu.memory_space<semaphore_mem>>) src(%dma_wait3A_11 : memref<128x128xf32, #tpu.memory_space<vmem>>) dst(%dma_wait3A_17 : memref<8192x128xf32, #tpu.memory_space<vmem_shared>>)
    %dma_wait3A_18 = arith.constant 1 : i32
    %dma_wait3A_19 = arith.constant 1 : i32
    %dma_wait3A_20 = arith.constant 0 : i32
    %dma_wait3A_21 = arith.constant 0 : i32
    %dma_wait3A_22 = tpu.memref_slice %arg7[%dma_wait3A_18, %dma_wait3A_20, %dma_wait3A_21] : memref<2x128x128xf32, #tpu.memory_space<vmem>> -> memref<1x128x128xf32, #tpu.memory_space<vmem>>
    %dma_wait3A_23 = tpu.memref_squeeze %dma_wait3A_22 : memref<1x128x128xf32, #tpu.memory_space<vmem>> -> memref<128x128xf32, #tpu.memory_space<vmem>>
    %dma_wait3A_24 = arith.constant 0 : i32
    %dma_wait3A_25 = tpu.memref_slice %arg9[%dma_wait3A_19, %dma_wait3A_24] : memref<2x128xi32, #tpu.memory_space<vmem>> -> memref<1x128xi32, #tpu.memory_space<vmem>>
    %dma_wait3A_26 = tpu.memref_squeeze %dma_wait3A_25 : memref<1x128xi32, #tpu.memory_space<vmem>> -> memref<128xi32, #tpu.memory_space<vmem>>
    %dma_wait3A_27 = arith.constant 0 : i32
    %dma_wait3A_28 = arith.constant 0 : i32
    %dma_wait3A_29 = tpu.memref_slice %arg10[%dma_wait3A_27, %dma_wait3A_28] : memref<8192x128xf32, #tpu.memory_space<vmem_shared>> -> memref<8192x128xf32, #tpu.memory_space<vmem_shared>>
    tpu.wait_indirect_dma semaphore(%arg11 : memref<!tpu.dma_semaphore, #tpu.memory_space<semaphore_mem>>) src(%dma_wait3A_23 : memref<128x128xf32, #tpu.memory_space<vmem>>) dst(%dma_wait3A_29 : memref<8192x128xf32, #tpu.memory_space<vmem_shared>>)
    %barrier3A_30 = arith.constant 0 : index
    tpu.barrier barrier_id(%barrier3A_30)
    "tpu.region"() ({
      %run_scoped3A = tpu.sem_alloc : memref<!tpu.dma_semaphore, #tpu.memory_space<semaphore_mem>>
      %dma_start3A = arith.constant 0 : i32
      %dma_start3A_31 = arith.constant 0 : i32
      %dma_start3A_32 = tpu.memref_slice %arg5[%arg0, %dma_start3A, %dma_start3A_31] : memref<2x8192x128xf32, #tpu.memory_space<hbm>> -> memref<1x8192x128xf32, #tpu.memory_space<hbm>>
      %dma_start3A_33 = tpu.memref_squeeze %dma_start3A_32 : memref<1x8192x128xf32, #tpu.memory_space<hbm>> -> memref<8192x128xf32, #tpu.memory_space<hbm>>
      %dma_start3A_34 = arith.constant 0 : i32
      %dma_start3A_35 = tpu.memref_slice %dma_start3A_33[%multiple_of3A, %dma_start3A_34] : memref<8192x128xf32, #tpu.memory_space<hbm>> -> memref<512x128xf32, #tpu.memory_space<hbm>>
      %dma_start3A_36 = arith.constant 0 : i32
      %dma_start3A_37 = tpu.memref_slice %arg10[%multiple_of3A, %dma_start3A_36] : memref<8192x128xf32, #tpu.memory_space<vmem_shared>> -> memref<512x128xf32, #tpu.memory_space<vmem_shared>>
      tpu.enqueue_dma source(%dma_start3A_37 : memref<512x128xf32, #tpu.memory_space<vmem_shared>>) target(%dma_start3A_35 : memref<512x128xf32, #tpu.memory_space<hbm>>) target_semaphore(%run_scoped3A : memref<!tpu.dma_semaphore, #tpu.memory_space<semaphore_mem>>)
      %dma_wait3A_38 = arith.constant 0 : i32
      %dma_wait3A_39 = arith.constant 0 : i32
      %dma_wait3A_40 = tpu.memref_slice %arg5[%arg0, %dma_wait3A_38, %dma_wait3A_39] : memref<2x8192x128xf32, #tpu.memory_space<hbm>> -> memref<1x8192x128xf32, #tpu.memory_space<hbm>>
      %dma_wait3A_41 = tpu.memref_squeeze %dma_wait3A_40 : memref<1x8192x128xf32, #tpu.memory_space<hbm>> -> memref<8192x128xf32, #tpu.memory_space<hbm>>
      %dma_wait3A_42 = arith.constant 0 : i32
      %dma_wait3A_43 = tpu.memref_slice %dma_wait3A_41[%multiple_of3A, %dma_wait3A_42] : memref<8192x128xf32, #tpu.memory_space<hbm>> -> memref<512x128xf32, #tpu.memory_space<hbm>>
      %dma_wait3A_44 = arith.constant 0 : i32
      %dma_wait3A_45 = tpu.memref_slice %arg10[%multiple_of3A, %dma_wait3A_44] : memref<8192x128xf32, #tpu.memory_space<vmem_shared>> -> memref<512x128xf32, #tpu.memory_space<vmem_shared>>
      tpu.wait_dma2 semaphore(%run_scoped3A : memref<!tpu.dma_semaphore, #tpu.memory_space<semaphore_mem>>) src(%dma_wait3A_45 : memref<512x128xf32, #tpu.memory_space<vmem_shared>>) dst(%dma_wait3A_43 : memref<512x128xf32, #tpu.memory_space<hbm>>)
      tpu.yield
    }) : () -> ()
    return
  }
}

module attributes {stable_mosaic.version = 14 : i64} {
  func.func @_tc1_body(%arg0: i32, %arg1: memref<4096x64xf32, #tpu.memory_space<vmem>>, %arg2: memref<64x64xf32, #tpu.memory_space<vmem>>, %arg3: memref<4096x64xf32, #tpu.memory_space<vmem>>, %arg4: memref<1x64xf32, #tpu.memory_space<vmem>>) attributes {dimension_semantics = [#tpu.dimension_semantics<arbitrary>], iteration_bounds = array<i64: 64>, scalar_prefetch = 0 : i64, scratch_operands = 0 : i64, tpu.core_type = #tpu.core_type<tc>, window_params = [{transform_indices = @transform_0, window_bounds = array<i64: 4096, 64>}, {pipeline_mode = #tpu.pipeline_mode<synchronous>, transform_indices = @transform_1, window_bounds = array<i64: 64, 64>}, {transform_indices = @transform_2, window_bounds = array<i64: 4096, 64>}, {pipeline_mode = #tpu.pipeline_mode<synchronous>, transform_indices = @transform_3, window_bounds = array<i64: 1, 64>}]} {
    %get3A = arith.constant 0 : index
    %get3A_0 = arith.constant 0 : index
    %get3A_1 = vector.load %arg1[%get3A, %get3A_0] : memref<4096x64xf32, #tpu.memory_space<vmem>>, vector<4096x64xf32>
    %get3A_2 = arith.constant 0 : index
    %get3A_3 = arith.constant 0 : index
    %get3A_4 = vector.load %arg2[%get3A_2, %get3A_3] : memref<64x64xf32, #tpu.memory_space<vmem>>, vector<64x64xf32>
    %dot_general3A = arith.constant dense<0.000000e+00> : vector<4096x64xf32>
    %dot_general3A_5 = tpu.matmul %get3A_1, %get3A_4, %dot_general3A {dimension_numbers = #tpu.dot_dimension_numbers<[1], [0], [0], [1], [0, 0, 1, 1], [], []>, transpose_lhs_hint = false} : vector<4096x64xf32>, vector<64x64xf32>, vector<4096x64xf32> -> vector<4096x64xf32>
    %swap3A = arith.constant 0 : index
    %swap3A_6 = arith.constant 0 : index
    %swap3A_7 = vector.load %arg3[%swap3A, %swap3A_6] : memref<4096x64xf32, #tpu.memory_space<vmem>>, vector<4096x64xf32>
    tpu.vector_store %arg3[%swap3A, %swap3A_6], %dot_general3A_5 {strides = array<i32>} : memref<4096x64xf32, #tpu.memory_space<vmem>>, vector<4096x64xf32>,
    %reduce_sum3A = arith.constant dense<0.000000e+00> : vector<64xf32>
    %reduce_sum3A_8 = vector.multi_reduction <add>, %get3A_1, %reduce_sum3A [0] : vector<4096x64xf32> to vector<64xf32>
    %broadcast_in_dim3A = vector.shape_cast %reduce_sum3A_8 : vector<64xf32> to vector<1x64xf32>
    %eq3A = arith.constant 0 : i32
    %eq3A_9 = arith.cmpi eq, %arg0, %eq3A : i32
    %convert_element_type3A = arith.extui %eq3A_9 : i1 to i32
    %cond3A = arith.constant 0 : i32
    %cond3A_10 = arith.cmpi ne, %convert_element_type3A, %cond3A : i32
    scf.if %cond3A_10 {
      %swap3A_15 = arith.constant 0 : index
      %swap3A_16 = arith.constant 0 : index
      %swap3A_17 = vector.load %arg4[%swap3A_15, %swap3A_16] : memref<1x64xf32, #tpu.memory_space<vmem>>, vector<1x64xf32>
      tpu.vector_store %arg4[%swap3A_15, %swap3A_16], %broadcast_in_dim3A {strides = array<i32>} : memref<1x64xf32, #tpu.memory_space<vmem>>, vector<1x64xf32>,
    } else {
    }
    %gt3A = arith.constant 0 : i32
    %gt3A_11 = arith.cmpi sgt, %arg0, %gt3A : i32
    %convert_element_type3A_12 = arith.extui %gt3A_11 : i1 to i32
    %cond3A_13 = arith.constant 0 : i32
    %cond3A_14 = arith.cmpi ne, %convert_element_type3A_12, %cond3A_13 : i32
    scf.if %cond3A_14 {
      %get3A_15 = arith.constant 0 : index
      %get3A_16 = arith.constant 0 : index
      %get3A_17 = vector.load %arg4[%get3A_15, %get3A_16] : memref<1x64xf32, #tpu.memory_space<vmem>>, vector<1x64xf32>
      %add3A = arith.addf %get3A_17, %broadcast_in_dim3A : vector<1x64xf32>
      %swap3A_18 = arith.constant 0 : index
      %swap3A_19 = arith.constant 0 : index
      %swap3A_20 = vector.load %arg4[%swap3A_18, %swap3A_19] : memref<1x64xf32, #tpu.memory_space<vmem>>, vector<1x64xf32>
      tpu.vector_store %arg4[%swap3A_18, %swap3A_19], %add3A {strides = array<i32>} : memref<1x64xf32, #tpu.memory_space<vmem>>, vector<1x64xf32>,
    } else {
    }
    return
  }
  func.func @transform_0(%arg0: i32) -> (i32, i32) {
    %c0_i32 = arith.constant 0 : i32
    %c0_i32_0 = arith.constant 0 : i32
    return %arg0, %c0_i32 : i32, i32
  }
  func.func @transform_1(%arg0: i32) -> (i32, i32) {
    %c0_i32 = arith.constant 0 : i32
    %c0_i32_0 = arith.constant 0 : i32
    %c0_i32_1 = arith.constant 0 : i32
    return %c0_i32, %c0_i32_0 : i32, i32
  }
  func.func @transform_2(%arg0: i32) -> (i32, i32) {
    %c0_i32 = arith.constant 0 : i32
    %c0_i32_0 = arith.constant 0 : i32
    return %arg0, %c0_i32 : i32, i32
  }
  func.func @transform_3(%arg0: i32) -> (i32, i32) {
    %c0_i32 = arith.constant 0 : i32
    %c0_i32_0 = arith.constant 0 : i32
    %c0_i32_1 = arith.constant 0 : i32
    return %c0_i32, %c0_i32_0 : i32, i32
  }
}

module attributes {stable_mosaic.version = 14 : i64} {
  func.func @_tc2_body(%arg0: i32, %arg1: memref<2048x64xf32, #tpu.memory_space<vmem>>, %arg2: memref<2048x64xf32, #tpu.memory_space<vmem>>, %arg3: memref<1x64xf32, #tpu.memory_space<vmem>>, %arg4: memref<64x64xf32, #tpu.memory_space<vmem>>, %arg5: memref<64x64xf32, #tpu.memory_space<vmem>>, %arg6: memref<64x64xf32, #tpu.memory_space<vmem>>, %arg7: memref<1x64xf32, #tpu.memory_space<vmem>>, %arg8: memref<2048x128xf32, #tpu.memory_space<vmem>>) attributes {dimension_semantics = [#tpu.dimension_semantics<arbitrary>], iteration_bounds = array<i64: 8>, scalar_prefetch = 0 : i64, scratch_operands = 0 : i64, tpu.core_type = #tpu.core_type<tc>, window_params = [{transform_indices = @transform_0, window_bounds = array<i64: 2048, 64>}, {transform_indices = @transform_1, window_bounds = array<i64: 2048, 64>}, {pipeline_mode = #tpu.pipeline_mode<synchronous>, transform_indices = @transform_2, window_bounds = array<i64: 1, 64>}, {pipeline_mode = #tpu.pipeline_mode<synchronous>, transform_indices = @transform_3, window_bounds = array<i64: 64, 64>}, {pipeline_mode = #tpu.pipeline_mode<synchronous>, transform_indices = @transform_4, window_bounds = array<i64: 64, 64>}, {pipeline_mode = #tpu.pipeline_mode<synchronous>, transform_indices = @transform_5, window_bounds = array<i64: 64, 64>}, {pipeline_mode = #tpu.pipeline_mode<synchronous>, transform_indices = @transform_6, window_bounds = array<i64: 1, 64>}, {transform_indices = @transform_7, window_bounds = array<i64: 2048, 128>}]} {
    %get3A = arith.constant 0 : index
    %get3A_0 = arith.constant 0 : index
    %get3A_1 = vector.load %arg3[%get3A, %get3A_0] : memref<1x64xf32, #tpu.memory_space<vmem>>, vector<1x64xf32>
    %mul3A = arith.constant 3.81469727E-6 : f32
    %mul3A_2 = vector.broadcast %mul3A : f32 to vector<1x64xf32>
    %mul3A_3 = arith.mulf %get3A_1, %mul3A_2 : vector<1x64xf32>
    %get3A_4 = arith.constant 0 : index
    %get3A_5 = arith.constant 0 : index
    %get3A_6 = vector.load %arg6[%get3A_4, %get3A_5] : memref<64x64xf32, #tpu.memory_space<vmem>>, vector<64x64xf32>
    %dot_general3A = arith.constant dense<0.000000e+00> : vector<1x64xf32>
    %dot_general3A_7 = tpu.matmul %mul3A_3, %get3A_6, %dot_general3A {dimension_numbers = #tpu.dot_dimension_numbers<[1], [0], [0], [1], [0, 0, 1, 1], [], []>, transpose_lhs_hint = false} : vector<1x64xf32>, vector<64x64xf32>, vector<1x64xf32> -> vector<1x64xf32>
    %get3A_8 = arith.constant 0 : index
    %get3A_9 = arith.constant 0 : index
    %get3A_10 = vector.load %arg7[%get3A_8, %get3A_9] : memref<1x64xf32, #tpu.memory_space<vmem>>, vector<1x64xf32>
    %add3A = arith.addf %dot_general3A_7, %get3A_10 : vector<1x64xf32>
    %get3A_11 = arith.constant 0 : index
    %get3A_12 = arith.constant 0 : index
    %get3A_13 = vector.load %arg1[%get3A_11, %get3A_12] : memref<2048x64xf32, #tpu.memory_space<vmem>>, vector<2048x64xf32>
    %get3A_14 = arith.constant 0 : index
    %get3A_15 = arith.constant 0 : index
    %get3A_16 = vector.load %arg4[%get3A_14, %get3A_15] : memref<64x64xf32, #tpu.memory_space<vmem>>, vector<64x64xf32>
    %dot_general3A_17 = arith.constant dense<0.000000e+00> : vector<2048x64xf32>
    %dot_general3A_18 = tpu.matmul %get3A_13, %get3A_16, %dot_general3A_17 {dimension_numbers = #tpu.dot_dimension_numbers<[1], [0], [0], [1], [0, 0, 1, 1], [], []>, transpose_lhs_hint = false} : vector<2048x64xf32>, vector<64x64xf32>, vector<2048x64xf32> -> vector<2048x64xf32>
    %add3A_19 = vector.broadcast %add3A : vector<1x64xf32> to vector<2048x64xf32>
    %add3A_20 = arith.addf %dot_general3A_18, %add3A_19 : vector<2048x64xf32>
    %get3A_21 = arith.constant 0 : index
    %get3A_22 = arith.constant 0 : index
    %get3A_23 = vector.load %arg2[%get3A_21, %get3A_22] : memref<2048x64xf32, #tpu.memory_space<vmem>>, vector<2048x64xf32>
    %get3A_24 = arith.constant 0 : index
    %get3A_25 = arith.constant 0 : index
    %get3A_26 = vector.load %arg5[%get3A_24, %get3A_25] : memref<64x64xf32, #tpu.memory_space<vmem>>, vector<64x64xf32>
    %dot_general3A_27 = arith.constant dense<0.000000e+00> : vector<2048x64xf32>
    %dot_general3A_28 = tpu.matmul %get3A_23, %get3A_26, %dot_general3A_27 {dimension_numbers = #tpu.dot_dimension_numbers<[1], [0], [0], [1], [0, 0, 1, 1], [], []>, transpose_lhs_hint = false} : vector<2048x64xf32>, vector<64x64xf32>, vector<2048x64xf32> -> vector<2048x64xf32>
    %concatenate3A = tpu.concatenate %add3A_20, %dot_general3A_28 in 1 : vector<2048x64xf32>, vector<2048x64xf32> -> vector<2048x128xf32>
    %swap3A = arith.constant 0 : index
    %swap3A_29 = arith.constant 0 : index
    %swap3A_30 = vector.load %arg8[%swap3A, %swap3A_29] : memref<2048x128xf32, #tpu.memory_space<vmem>>, vector<2048x128xf32>
    tpu.vector_store %arg8[%swap3A, %swap3A_29], %concatenate3A {strides = array<i32>} : memref<2048x128xf32, #tpu.memory_space<vmem>>, vector<2048x128xf32>,
    return
  }
  func.func @transform_0(%arg0: i32) -> (i32, i32) {
    %c0_i32 = arith.constant 0 : i32
    %c0_i32_0 = arith.constant 0 : i32
    return %arg0, %c0_i32 : i32, i32
  }
  func.func @transform_1(%arg0: i32) -> (i32, i32) {
    %c0_i32 = arith.constant 0 : i32
    %c0_i32_0 = arith.constant 0 : i32
    return %arg0, %c0_i32 : i32, i32
  }
  func.func @transform_2(%arg0: i32) -> (i32, i32) {
    %c0_i32 = arith.constant 0 : i32
    %c0_i32_0 = arith.constant 0 : i32
    %c0_i32_1 = arith.constant 0 : i32
    return %c0_i32, %c0_i32_0 : i32, i32
  }
  func.func @transform_3(%arg0: i32) -> (i32, i32) {
    %c0_i32 = arith.constant 0 : i32
    %c0_i32_0 = arith.constant 0 : i32
    %c0_i32_1 = arith.constant 0 : i32
    return %c0_i32, %c0_i32_0 : i32, i32
  }
  func.func @transform_4(%arg0: i32) -> (i32, i32) {
    %c0_i32 = arith.constant 0 : i32
    %c0_i32_0 = arith.constant 0 : i32
    %c0_i32_1 = arith.constant 0 : i32
    return %c0_i32, %c0_i32_0 : i32, i32
  }
  func.func @transform_5(%arg0: i32) -> (i32, i32) {
    %c0_i32 = arith.constant 0 : i32
    %c0_i32_0 = arith.constant 0 : i32
    %c0_i32_1 = arith.constant 0 : i32
    return %c0_i32, %c0_i32_0 : i32, i32
  }
  func.func @transform_6(%arg0: i32) -> (i32, i32) {
    %c0_i32 = arith.constant 0 : i32
    %c0_i32_0 = arith.constant 0 : i32
    %c0_i32_1 = arith.constant 0 : i32
    return %c0_i32, %c0_i32_0 : i32, i32
  }
  func.func @transform_7(%arg0: i32) -> (i32, i32) {
    %c0_i32 = arith.constant 0 : i32
    %c0_i32_0 = arith.constant 0 : i32
    return %arg0, %c0_i32 : i32, i32
  }
}

</mosaic_0001>

<sc_bundles>
// kernel: kernel.6.cloned.1.call-start
scs
__scs_entry_jumppad:
0x0: {  	(pc) =	sbr.rel $0x88, $3  }
0x1: {  	(tag) =	ssettag $0x0;
	lr =	simm.s32 $0x1  }
0x2: {  	[smem:$0x3F9D] =	sst lr;
	_ =	strace $0xD0000000  }
0x3: {  	_ = 	snop  }
0x4: {  	_ = 	snop  }
0x5: {  	_ = 	snop  }
0x6: {  	_ = 	snop  }
0x7: {  	_ = 	snop  }
__scs_overlays_trampoline_lowered:
0x8: {  	[smem:$0x3FAC] =	sst s0  }
0x9: {  	[smem:$0x3FAD] =	sst s1  }
0xa: {  	[smem:$0x3FAE] =	sst s2  }
0xb: {  	[smem:$0x3FAF] =	sst s3  }
0xc: {  	[smem:$0x3FB0] =	sst s4  }
0xd: {  	[smem:$0x3FB1] =	sst s5  }
0xe: {  	[smem:$0x3FB2] =	sst s6  }
0xf: {  	[smem:$0x3FB3] =	sst s7  }
0x10: {  	[smem:$0x3FB4] =	sst s8  }
0x11: {  	[smem:$0x3FB5] =	sst s9;
	s0 =	simm.s32 @!p0 $0x0  }
0x12: {  	s1 =	sld [smem:$0x3F9B];
	s0 =	simm.s32 @p0 $0x1  }
0x13: {  	[smem:$0x3FB6] =	sst s0;
	s0 =	simm.s32 @!p1 $0x0  }
0x14: {  	s2 =	sld [smem:$0x3F9A];
	s0 =	simm.s32 @p1 $0x1  }
0x15: {  	[smem:$0x3FB7] =	sst s0;
	s0 =	simm.s32 @!p2 $0x0  }
0x16: {  	s3 =	sld [smem:$0x3FDB];
	s0 =	simm.s32 @p2 $0x1  }
0x17: {  	s4 =	simm.s32 $0x1BF5;
	[smem:$0x3FB9] =	sst s0  }
0x18: {  	s0 =	sld [smem:$0x3F9C];
	_ =	swait.ge [sflag:s4], $0x0  }
0x19: {  	s7 =	sld [smem:$0x3F9D]  }
0x1a: {  	s8 =	sadd.s32 $0xFFFFE003, lr  }
0x1b: {  	s9 =	sadd.s32 $0xFFFFFEF7, lr;
	s5 =	simm.s32 $0xFFFFFFFF;
	p2 =	slt.u32 s8, $0xFFFFF086  }
0x1c: {  	p1 =	slt.u32 s9, $0xF7A;
	s5 =	simm.s32 @!p2 $0x0  }
0x1d: {  	s5 =	simm.s32 @p1 $0x1;
	p0 =	seq.s32 s7, s2  }
0x1e: {  	s7 =	smul.u32 @!p0 $0xF7A, s2;
	p2 =	seq.s32 @!p0 s5, $0x0  }
0x1f: {  	s9 =	smul.u32 $0xF7A, s1;
	s8 =	simm.s32 @!p0 $0x1BF5;
	p2 =	por !p2, p0  }
0x20: {  	[sflag:s8] =	ssyncset.s32 @!p0 $0xFFFFF086;
	s6 =	sadd.s32 @!p0 s3, s7;
	s7 =	simm.s32 @!p0 $0x108  }
0x21: {  	s3 =	sadd.s32 s3, s9;
	s6 =	sadd.s32 @!p0 $0x88, s6;
	s7 =	simm.s32 @p2 $0x1082  }
0x22: {  	[simem:s7], [sflag:s8] =	dma.local @!p0 [hbm:s6], $0xF7A  }
0x23: {  	s9 =	sor.u32 $0xD0000000, s2;
	s6 =	simm.s32 $0x108;
	_ =	swait.ge @!p0 [sflag:s8], $0x0  }
0x24: {  	s3 =	sadd.s32 $0x88, s3;
	s6 =	simm.s32 @!p1 $0x1082;
	[sflag:s4] =	ssyncset.s32 $0xFFFFF086  }
0x25: {  	[simem:s6], [sflag:s4] =	dma.local [hbm:s3], $0xF7A  }
0x26: {  	[smem:$0x3F9D] =	sst s1;
	(tag) =	ssettag s2;
	_ =	strace s9  }
0x27: {  	s1 =	sld [smem:$0x3FAD]  }
0x28: {  	s2 =	sld [smem:$0x3FAE]  }
0x29: {  	s4 =	sld [smem:$0x3FB0]  }
0x2a: {  	p0 =	seq.s32 s5, $0x0;
	s5 =	sld [smem:$0x3FB1]  }
0x2b: {  	s6 =	sld [smem:$0x3FB2]  }
0x2c: {  	s7 =	sld [smem:$0x3FB3]  }
0x2d: {  	s3 =	simm.s32 $0x108;
	s8 =	sld [smem:$0x3FB4]  }
0x2e: {  	s3 =	simm.s32 @!p0 $0x1082;
	s9 =	sld [smem:$0x3FB5]  }
0x2f: {  	lr =	sadd.s32 s0, s3;
	s0 =	sld [smem:$0x3FAC]  }
0x30: {  	s3 =	sld [smem:$0x3FAF]  }
0x31: {  	[smem:$0x3FB8] =	sst s10  }
0x32: {  	s10 =	sld [smem:$0x3FB6];
	_ =	sdelay $0x3  }
0x33: {  	p0 =	seq.s32 s10, $0x1;
	s10 =	sld [smem:$0x3FB8];
	_ =	sdelay $0x3  }
0x34: {  	[smem:$0x3FB8] =	sst s10  }
0x35: {  	s10 =	sld [smem:$0x3FB7];
	_ =	sdelay $0x3  }
0x36: {  	p1 =	seq.s32 s10, $0x1;
	s10 =	sld [smem:$0x3FB8];
	_ =	sdelay $0x3  }
0x37: {  	[smem:$0x3FB8] =	sst s10  }
0x38: {  	s10 =	sld [smem:$0x3FB9]  }
0x39: {  	_ = 	snop;
	(pc) =	sbr.ind lr, $3  }
0x3a: {  	_ = 	snop  }
0x3b: {  	_ = 	snop  }
0x3c: {  	p2 =	seq.s32 s10, $0x1;
	s10 =	sld [smem:$0x3FB8]  }
0x3d: {  	_ =	shalt  }
0x3e: {  	_ =	shalt  }
0x3f: {  	_ =	shalt  }
0x40: {  	_ =	shalt  }
0x41: {  	_ =	shalt  }
0x42: {  	_ =	shalt  }
0x43: {  	_ =	shalt  }
0x44: {  	_ =	shalt  }
0x45: {  	_ =	shalt  }
0x46: {  	_ =	shalt  }
0x47: {  	_ =	shalt  }
0x48: {  	_ =	shalt  }
0x49: {  	_ =	shalt  }
0x4a: {  	_ =	shalt  }
0x4b: {  	_ =	shalt  }
0x4c: {  	_ =	shalt  }
0x4d: {  	_ =	shalt  }
0x4e: {  	_ =	shalt  }
0x4f: {  	_ =	shalt  }
0x50: {  	_ =	shalt  }
0x51: {  	_ =	shalt  }
0x52: {  	_ =	shalt  }
0x53: {  	_ =	shalt  }
0x54: {  	_ =	shalt  }
0x55: {  	_ =	shalt  }
0x56: {  	_ =	shalt  }
0x57: {  	_ =	shalt  }
0x58: {  	_ =	shalt  }
0x59: {  	_ =	shalt  }
0x5a: {  	_ =	shalt  }
0x5b: {  	_ =	shalt  }
0x5c: {  	_ =	shalt  }
0x5d: {  	_ =	shalt  }
0x5e: {  	_ =	shalt  }
0x5f: {  	_ =	shalt  }
0x60: {  	_ =	shalt  }
0x61: {  	_ =	shalt  }
0x62: {  	_ =	shalt  }
0x63: {  	_ =	shalt  }
0x64: {  	_ =	shalt  }
0x65: {  	_ =	shalt  }
0x66: {  	_ =	shalt  }
0x67: {  	_ =	shalt  }
0x68: {  	_ =	shalt  }
0x69: {  	_ =	shalt  }
0x6a: {  	_ =	shalt  }
0x6b: {  	_ =	shalt  }
0x6c: {  	_ =	shalt  }
0x6d: {  	_ =	shalt  }
0x6e: {  	_ =	shalt  }
0x6f: {  	_ =	shalt  }
0x70: {  	_ =	shalt  }
0x71: {  	_ =	shalt  }
0x72: {  	_ =	shalt  }
0x73: {  	_ =	shalt  }
0x74: {  	_ =	shalt  }
0x75: {  	_ =	shalt  }
0x76: {  	_ =	shalt  }
0x77: {  	_ =	shalt  }
0x78: {  	_ =	shalt  }
0x79: {  	_ =	shalt  }
0x7a: {  	_ =	shalt  }
0x7b: {  	_ =	shalt  }
0x7c: {  	_ =	shalt  }
0x7d: {  	_ =	shalt  }
0x7e: {  	_ =	shalt  }
0x7f: {  	_ =	shalt  }
0x80: {  	_ =	shalt  }
0x81: {  	_ =	shalt  }
0x82: {  	_ =	shalt  }
0x83: {  	_ =	shalt  }
0x84: {  	_ =	shalt  }
0x85: {  	_ =	shalt  }
0x86: {  	_ =	shalt  }
0x87: {  	_ =	shalt  }
.Lfunc_end0:
.L_simem_size_0:
called_computation_lowered:
.L_overlay_start_0:
0x88: {  	s2 =	sld [smem:$0x3FD9]  }
0x89: {  	s3 =	sld [smem:$0x3FFE];
	_ =	sdelay $0x1  }
0x8a: {  	s1 =	srdreg.scid  }
0x8b: {  	s0 =	sand.u32 $0x1, s1  }
0x8c: {  	s17 =	sshll.u32 s0, $0xA;
	s2 =	sadd.s32 s3, s2  }
0x8d: {  	s2 =	sadd.s32 s2, s17  }
0x8e: {  	[smem:$0x3FC4] =	sst s2  }
0x8f: {  	_ = 	snop  }
0x90: {  	s2 =	sld [smem:$0x3FD0];
	(tm) =	ssettm $0x1  }
0x91: {  	s18 =	sld [smem:$0x3FFB];
	_ =	sdelay $0x3  }
0x92: {  	_ =	strace s18  }
0x93: {  	s3 =	sld [smem:$0x3FFC];
	_ =	sdelay $0x3  }
0x94: {  	_ =	strace s3  }
0x95: {  	s3 =	sld [smem:$0x3FFD];
	_ =	sdelay $0x3  }
0x96: {  	_ =	strace s3  }
0x97: {  	_ =	strace $0x8FFFFFFF  }
0x98: {  	s19 =	sld [smem:$0x3FDB];
	_ =	sdelay $0x1  }
0x99: {  	s4 =	simm.s32 $_scs_section_size  }
0x9a: {  	s5 =	simm.s32 $_size__tile_overlayer_lowered;
	s6 =	simm.s32 $_tile_overlayer_lowered  }
0x9b: {  	s22 =	simm.s32 $0x1BFF;
	s21 =	sshll.u32 s6, $0x1;
	s3 =	sadd.s32 s4, s19  }
0x9c: {  	s7 =	simm.s32 $0x0;
	s20 =	sshll.u32 s5, $0x1;
	s5 =	sadd.s32 s21, s3  }
0x9d: {  	[timem:s7], [sflag:s22] =	dma.local [hbm:s5], s20  }
0x9e: {  	_ =	swait.ge [sflag:s22], s20  }
0x9f: {  	s4 =	ssub.s32 $0x0, s20;
	[sflag:s22] =	ssyncset.done $0x0  }
0xa0: {  	[sflag:s22] =	ssyncadd.s32 s4;
	_ =	sdelay $0x1  }
0xa1: {  	s23 =	simm.s32 $0x1B8B  }
0xa2: {  	_ =	swait.ge [sflag:s23], $0x1  }
0xa3: {  	[sflag:s23] =	ssyncset.done $0x0  }
0xa4: {  	s25 =	simm.s32 $0x1B8E;
	s24 =	sld [smem:$0x3FFE];
	[sflag:s23] =	ssyncadd.s32 $0xFFFFFFFF  }
0xa5: {  	s26 =	simm.s32 $execute0_lowered;
	[smem:$0x3FD2] =	sst s25  }
0xa6: {  	s5 =	sshll.u32 s26, $0x1;
	_ =	strace $0x80000046;
	[dreg:$0x1] =	wrdreg $0xFFFFFFFF  }
0xa7: {  	s28 =	simm.s32 $_size_execute0_lowered;
	s3 =	sadd.s32 s3, s5;
	[dreg:$0x0] =	wrdreg $0x0  }
0xa8: {  	s5 =	sshll.u32 s28, $0x1;
	[dreg:$0x2] =	wrdreg s3  }
0xa9: {  	[dreg:$0x3] =	wrdreg s5  }
0xaa: {  	[dreg:$0x4] =	wrdreg $0xC0  }
0xab: {  	_ =	task [dreg:s7], $0x5FFFF  }
0xac: {  	[dreg:$0x1] =	wrdreg $0xFFFFFFFF  }
0xad: {  	[dreg:$0x0] =	wrdreg $0x60  }
0xae: {  	[dreg:$0x2] =	wrdreg s24  }
0xaf: {  	[dreg:$0x3] =	wrdreg s2  }
0xb0: {  	[dreg:$0x4] =	wrdreg $0xC5000  }
0xb1: {  	[dreg:$0x5] =	wrdreg $0x9  }
0xb2: {  	_ =	task.clear_ibuf [dreg:s7], $0x6FFFF;
	_ =	strace $0x90000046  }
0xb3: {  	s29 =	simm.s32 $0x9;
	_ =	strace $0x80000048  }
0xb4: {  	_ =	swait.ge [sflag:s29], $0x1  }
0xb5: {  	[sflag:s29] =	ssyncadd.s32 $0xFFFFFFFF  }
0xb6: {  	_ =	strace $0x90000048  }
0xb7: {  	_ =	sfence  }
0xb8: {  	s30 =	sld [smem:$0x0];
	_ =	sdelay $0x2  }
0xb9: {  	s31 =	sshll.u32 s1, $0xD;
	s1 =	sshrl.u32 s1, $0x2  }
0xba: {  	s3 =	sand.u32 $0x4000, s31;
	s1 =	sadd.s32 s1, s30  }
0xbb: {  	s0 =	sor.u32 s3, s0;
	s1 =	sshll.u32 s1, $0x11  }
0xbc: {  	s0 =	sor.u32 s1, s0  }
0xbd: {  	s0 =	sadd.s32 $0x8F2B, s0  }
0xbe: {  	[sflag:s0] =	ssyncadd.remote.s32 $0x1  }
0xbf: {  	_ =	sfence.sel $0xFFFF  }
0xc0: {  	[dreg:$0x0] =	wrdreg $0xFFFFFFFF;
	(pc) =	sbr.abs _section_cstart, $3  }
0xc1: {  	[dreg:$0x1] =	wrdreg $0xFFFFFFFF  }
0xc2: {  	_ =	task.clear_ibuf [dreg:s7], $0x2FFFF;
	_ =	strace $0x9FFFFFFF  }
0xc3: {  	(tm) =	ssettm $0x7FFFFFFF  }
tec
execute0_lowered:
.L_overlay_start_1:
0x0: {  	(tag) =	ssettag $0x1  }
0x1: {  	s5 =	rddreg [dreg:$0x0]  }
0x2: {  	s9 =	rddreg [dreg:$0x1]  }
0x3: {  	s1 =	rddreg [dreg:$0x2]  }
0x4: {  	s0 =	rddreg [dreg:$0x3];
	s2 =	simm.s32 $0x0  }
0x5: {  	s3 =	srdreg.scid;
	[smem:$0x7FF] =	sst s2  }
0x6: {  	s4 =	sadd.s32 $0x2600, s5;
	s8 =	sand.u32 $0x1, s3;
	s3 =	stileid.u32  }
0x7: {  	_ =	strace $0x80000047;
	s6 =	sshll.u32 s8, $0xF;
	s7 =	ssub.s32 $0x2, s8  }
0x8: {  	s14 =	sshll.u32 s3, $0xD;
	s30 =	sshll.u32 s3, $0x10;
	s31 =	sshll.u32 s3, $0x6  }
0x9: {  	v0 =	vimm.s32 $0x1;
	s13 =	sshll.u32 s8, $0x11;
	s10 =	sadd.s32 s6, s5;
	s29 =	sshrl.u32 s7, $0x1  }
0xa: {  	v1 =	vimm.s32 $0x0;
	v2 =	vimm.s32 $0x2;
	v3 =	vimm.s32 $0x3;
	s5 =	sadd.s32 s14, s5;
	s12 =	sadd.s32 s30, s1;
	s6 =	sor.u32 $0x1C02, s31  }
0xb: {  	v4 =	vimm.s32 $0x4;
	v5 =	vimm.s32 $0x5;
	v6 =	vimm.s32 $0x6;
	s15 =	sadd.s32 s9, s13;
	s13 =	simm.s32 $0x80;
	s5 =	sadd.s32 $0x422600, s5  }
0xc: {  	v7 =	vimm.s32 $0x7;
	v8 =	vimm.s32 $0x8;
	v9 =	vimm.s32 $0x9;
	s11 =	ssub.s32 s7, s29;
	s7 =	sshll.u32 s3, $0xE;
	s8 =	sadd.s32 $0x412600, s10  }
0xd: {  	v10 =	vimm.s32 $0xA;
	v11 =	vimm.s32 $0xB;
	v12 =	vimm.s32 $0xC;
	s10 =	sshrl.u32 s12, $0x3;
	s12 =	simm.s32 $0x1;
	s14 =	sadd.s32 s14, s15  }
0xe: {  	v13 =	vimm.s32 $0xD;
	v14 =	vimm.s32 $0xE;
	v15 =	vimm.s32 $0xF;
	s15 =	simm.s32 $0x0;
	s9 =	smax.u32 s11, $0x1;
	s11 =	simm.s32 $0x2  }
.LBB2_1:
0xf: {  	[spmem:s10], [sflag:s6] =	dma.local [hbm:s5], $0x2000  }
0x10: {  	_ =	swait.ge [sflag:s11], $0x2000  }
0x11: {  	[sflag:s11] =	ssyncset.done $0x0  }
0x12: {  	p0 =	por $0x0, $0x0;
	[sflag:s11] =	ssyncadd.s32 $0xFFFFE000  }
0x13: {  	s16 =	simm.s32 $0x0;
	s17 =	simm.s32 $0x0;
	[bflag:$0x0] =	sbarrier.arrive $0xFFFF  }
.LBB2_2:
0x14: {  	s18 =	sand.u32 $0x7, s17;
	s19 =	sshll.u32 s17, $0x7  }
0x15: {  	s19 =	sadd.s32 s7, s19;
	p1 =	sne.s32 s18, $0x0  }
0x16: {  	s18 =	sshrl.u32 @!p1 s19, $0x3  }
0x17: {  	s20 =	simm.s32 @!p1 $0x0;
	s21 =	simm.s32 @!p1 $0xC000;
	s18 =	sadd.s32 @!p1 s18, s8  }
0x18: {  	[tilespmem:s21], [sflag:$0x2] =	stream.linear.gather @!p1 [hbm4b:s18+s20], $0x400, $0x38;
	[tilespmem:$0x1C500] =	vst v63  }
0x19: {  	s28 =	sand.u32 $0x7, s16;
	s30 =	sand.u32 $0x1, s17;
	s18 =	simm.s32 @!p1 $0x2  }
0x1a: {  	s22 =	simm.s32 $0x400;
	s19 =	sshll.u32 s19, $0x4;
	_ =	swait.ge @!p1 [sflag:s18], $0x400  }
0x1b: {  	s31 =	sshll.u32 s30, $0x7;
	s26 =	sadd.s32 s4, s19;
	[sflag:s18] =	ssyncset.done @!p1 $0x0  }
0x1c: {  	s20 =	simm.s32 $0x1;
	s21 =	simm.s32 $0x0;
	[sflag:s18] =	ssyncadd.s32 @!p1 $0xFFFFFC00  }
0x1d: {  	[tilespmem:s2], [sflag:$0x2] =	stream.linear.gather [hbm4b:s26+s2], $0x4000, $0x38;
	[tilespmem:$0x1C500] =	vst v63  }
0x1e: {  	s20 =	simm.s32 @!p0 $0x0;
	s18 =	sshll.u32 s28, $0x7;
	_ =	swait.ge [sflag:s11], $0x4000  }
0x1f: {  	p1 =	slt.u32 s17, $0x2;
	s24 =	sor.u32 $0xC000, s18;
	[sflag:s11] =	ssyncset.done $0x0  }
0x20: {  	s25 =	sshll.u32 s20, $0x7;
	s19 =	simm.s32 @!p1 $0x1;
	v16 =	vmov s24;
	[sflag:s11] =	ssyncadd.s32 $0xFFFFC000  }
0x21: {  	s29 =	sshll.u32 s20, $0xE;
	s20 =	sshll.u32 s30, $0xE;
	_ =	swait.ge @!p1 [sflag:s19], $0x4000  }
0x22: {  	s23 =	sor.u32 $0xC400, s25;
	s20 =	sadd.s32 $0x4000, s20;
	[sflag:s19] =	ssyncset.done @!p1 $0x0  }
0x23: {  	s18 =	sadd.s32 $0x4400, s29;
	v17 =	vmov s23;
	[sflag:s19] =	ssyncadd.s32 @!p1 $0xFFFFC000;
	s19 =	sor.u32 $0xC400, s31  }
.LBB2_3:
0x24: {  	s23 =	sshra.s32 s21, $0x2  }
0x25: {  	v18 =	vld.idx.msk [tilespmem:v16+s23+$0x0 ss:$0x1], $0xffff;
	_ =	sdelay $0x4  }
0x26: {  	v19 =	vshrl.u32 v18, $0x1  }
0x27: {  	[tilespmem:v17+s23+$0x0 ss:$0x1] =	vst.idx.msk $0xffff, v19  }
0x28: {  	v18 =	vand.u32 $0x1, v18;
	v19 =	vld [tilespmem:s22+$0xFFFFFC00]  }
0x29: {  	v18 =	vcvt.s32.f32 v18;
	_ =	sdelay $0x1  }
0x2a: {  	v20 =	vperm.xlane v18, v1;
	_ =	sdelay $0x1  }
0x2b: {  	v21 =	vmul.f32 v19, v20;
	_ =	sdelay $0x1  }
0x2c: {  	v19 =	vsub.f32 v19, v21  }
0x2d: {  	[tilespmem:s18+$0xFFFFFC40] =	vst v21  }
0x2e: {  	[tilespmem:s18+$0xFFFFFC00] =	vst v19  }
0x2f: {  	v19 =	vld [tilespmem:s22+$0xFFFFFC10];
	_ =	sdelay $0x4  }
0x30: {  	v43 =	vmul.f32 v19, v20;
	_ =	sdelay $0x1  }
0x31: {  	v19 =	vsub.f32 v19, v43  }
0x32: {  	[tilespmem:s18+$0xFFFFFC50] =	vst v43  }
0x33: {  	[tilespmem:s18+$0xFFFFFC10] =	vst v19  }
0x34: {  	v19 =	vld [tilespmem:s22+$0xFFFFFC20];
	_ =	sdelay $0x4  }
0x35: {  	v44 =	vmul.f32 v19, v20;
	_ =	sdelay $0x1  }
0x36: {  	v19 =	vsub.f32 v19, v44  }
0x37: {  	[tilespmem:s18+$0xFFFFFC60] =	vst v44  }
0x38: {  	[tilespmem:s18+$0xFFFFFC20] =	vst v19  }
0x39: {  	v19 =	vld [tilespmem:s22+$0xFFFFFC30];
	_ =	sdelay $0x4  }
0x3a: {  	v20 =	vmul.f32 v19, v20;
	_ =	sdelay $0x1  }
0x3b: {  	v19 =	vsub.f32 v19, v20  }
0x3c: {  	[tilespmem:s18+$0xFFFFFC70] =	vst v20  }
0x3d: {  	[tilespmem:s18+$0xFFFFFC30] =	vst v19  }
0x3e: {  	v19 =	vld [tilespmem:s22+$0xFFFFFC80];
	_ =	sdelay $0x2  }
0x3f: {  	v45 =	vperm.xlane v18, v0;
	_ =	sdelay $0x1  }
0x40: {  	v46 =	vmul.f32 v19, v45;
	_ =	sdelay $0x1  }
0x41: {  	v19 =	vsub.f32 v19, v46  }
0x42: {  	[tilespmem:s18+$0xFFFFFCC0] =	vst v46  }
0x43: {  	[tilespmem:s18+$0xFFFFFC80] =	vst v19  }
0x44: {  	v19 =	vld [tilespmem:s22+$0xFFFFFC90];
	_ =	sdelay $0x4  }
0x45: {  	v47 =	vmul.f32 v19, v45;
	_ =	sdelay $0x1  }
0x46: {  	v19 =	vsub.f32 v19, v47  }
0x47: {  	[tilespmem:s18+$0xFFFFFCD0] =	vst v47  }
0x48: {  	[tilespmem:s18+$0xFFFFFC90] =	vst v19  }
0x49: {  	v19 =	vld [tilespmem:s22+$0xFFFFFCA0];
	_ =	sdelay $0x4  }
0x4a: {  	v48 =	vmul.f32 v19, v45;
	_ =	sdelay $0x1  }
0x4b: {  	v19 =	vsub.f32 v19, v48  }
0x4c: {  	[tilespmem:s18+$0xFFFFFCE0] =	vst v48  }
0x4d: {  	[tilespmem:s18+$0xFFFFFCA0] =	vst v19  }
0x4e: {  	v19 =	vld [tilespmem:s22+$0xFFFFFCB0];
	_ =	sdelay $0x4  }
0x4f: {  	v20 =	vmul.f32 v19, v45;
	_ =	sdelay $0x1  }
0x50: {  	v19 =	vsub.f32 v19, v20  }
0x51: {  	[tilespmem:s18+$0xFFFFFCF0] =	vst v20  }
0x52: {  	[tilespmem:s18+$0xFFFFFCB0] =	vst v19  }
0x53: {  	v19 =	vld [tilespmem:s22+$0xFFFFFD00];
	_ =	sdelay $0x2  }
0x54: {  	v49 =	vperm.xlane v18, v2;
	_ =	sdelay $0x1  }
0x55: {  	v50 =	vmul.f32 v19, v49;
	_ =	sdelay $0x1  }
0x56: {  	v19 =	vsub.f32 v19, v50  }
0x57: {  	[tilespmem:s18+$0xFFFFFD40] =	vst v50  }
0x58: {  	[tilespmem:s18+$0xFFFFFD00] =	vst v19  }
0x59: {  	v19 =	vld [tilespmem:s22+$0xFFFFFD10];
	_ =	sdelay $0x4  }
0x5a: {  	v51 =	vmul.f32 v19, v49;
	_ =	sdelay $0x1  }
0x5b: {  	v19 =	vsub.f32 v19, v51  }
0x5c: {  	[tilespmem:s18+$0xFFFFFD50] =	vst v51  }
0x5d: {  	[tilespmem:s18+$0xFFFFFD10] =	vst v19  }
0x5e: {  	v19 =	vld [tilespmem:s22+$0xFFFFFD20];
	_ =	sdelay $0x4  }
0x5f: {  	v52 =	vmul.f32 v19, v49;
	_ =	sdelay $0x1  }
0x60: {  	v19 =	vsub.f32 v19, v52  }
0x61: {  	[tilespmem:s18+$0xFFFFFD60] =	vst v52  }
0x62: {  	[tilespmem:s18+$0xFFFFFD20] =	vst v19  }
0x63: {  	v19 =	vld [tilespmem:s22+$0xFFFFFD30];
	_ =	sdelay $0x4  }
0x64: {  	v20 =	vmul.f32 v19, v49;
	_ =	sdelay $0x1  }
0x65: {  	v19 =	vsub.f32 v19, v20  }
0x66: {  	[tilespmem:s18+$0xFFFFFD70] =	vst v20  }
0x67: {  	[tilespmem:s18+$0xFFFFFD30] =	vst v19  }
0x68: {  	v19 =	vld [tilespmem:s22+$0xFFFFFD80];
	_ =	sdelay $0x2  }
0x69: {  	v53 =	vperm.xlane v18, v3;
	_ =	sdelay $0x1  }
0x6a: {  	v54 =	vmul.f32 v19, v53;
	_ =	sdelay $0x1  }
0x6b: {  	v19 =	vsub.f32 v19, v54  }
0x6c: {  	[tilespmem:s18+$0xFFFFFDC0] =	vst v54  }
0x6d: {  	[tilespmem:s18+$0xFFFFFD80] =	vst v19  }
0x6e: {  	v19 =	vld [tilespmem:s22+$0xFFFFFD90];
	_ =	sdelay $0x4  }
0x6f: {  	v55 =	vmul.f32 v19, v53;
	_ =	sdelay $0x1  }
0x70: {  	v19 =	vsub.f32 v19, v55  }
0x71: {  	[tilespmem:s18+$0xFFFFFDD0] =	vst v55  }
0x72: {  	[tilespmem:s18+$0xFFFFFD90] =	vst v19  }
0x73: {  	v19 =	vld [tilespmem:s22+$0xFFFFFDA0];
	_ =	sdelay $0x4  }
0x74: {  	v56 =	vmul.f32 v19, v53;
	_ =	sdelay $0x1  }
0x75: {  	v19 =	vsub.f32 v19, v56  }
0x76: {  	[tilespmem:s18+$0xFFFFFDE0] =	vst v56  }
0x77: {  	[tilespmem:s18+$0xFFFFFDA0] =	vst v19  }
0x78: {  	v19 =	vld [tilespmem:s22+$0xFFFFFDB0];
	_ =	sdelay $0x4  }
0x79: {  	v20 =	vmul.f32 v19, v53;
	_ =	sdelay $0x1  }
0x7a: {  	v19 =	vsub.f32 v19, v20  }
0x7b: {  	[tilespmem:s18+$0xFFFFFDF0] =	vst v20  }
0x7c: {  	[tilespmem:s18+$0xFFFFFDB0] =	vst v19  }
0x7d: {  	v19 =	vld [tilespmem:s22+$0xFFFFFE00];
	_ =	sdelay $0x2  }
0x7e: {  	v57 =	vperm.xlane v18, v4;
	_ =	sdelay $0x1  }
0x7f: {  	v58 =	vmul.f32 v19, v57;
	_ =	sdelay $0x1  }
0x80: {  	v19 =	vsub.f32 v19, v58  }
0x81: {  	[tilespmem:s18+$0xFFFFFE40] =	vst v58  }
0x82: {  	[tilespmem:s18+$0xFFFFFE00] =	vst v19  }
0x83: {  	v19 =	vld [tilespmem:s22+$0xFFFFFE10];
	_ =	sdelay $0x4  }
0x84: {  	v59 =	vmul.f32 v19, v57;
	_ =	sdelay $0x1  }
0x85: {  	v19 =	vsub.f32 v19, v59  }
0x86: {  	[tilespmem:s18+$0xFFFFFE50] =	vst v59  }
0x87: {  	[tilespmem:s18+$0xFFFFFE10] =	vst v19  }
0x88: {  	v19 =	vld [tilespmem:s22+$0xFFFFFE20];
	_ =	sdelay $0x4  }
0x89: {  	v60 =	vmul.f32 v19, v57;
	_ =	sdelay $0x1  }
0x8a: {  	v19 =	vsub.f32 v19, v60  }
0x8b: {  	[tilespmem:s18+$0xFFFFFE60] =	vst v60  }
0x8c: {  	[tilespmem:s18+$0xFFFFFE20] =	vst v19  }
0x8d: {  	v19 =	vld [tilespmem:s22+$0xFFFFFE30];
	_ =	sdelay $0x4  }
0x8e: {  	v20 =	vmul.f32 v19, v57;
	_ =	sdelay $0x1  }
0x8f: {  	v19 =	vsub.f32 v19, v20  }
0x90: {  	[tilespmem:s18+$0xFFFFFE70] =	vst v20  }
0x91: {  	[tilespmem:s18+$0xFFFFFE30] =	vst v19  }
0x92: {  	v19 =	vld [tilespmem:s22+$0xFFFFFE80];
	_ =	sdelay $0x2  }
0x93: {  	v61 =	vperm.xlane v18, v5;
	_ =	sdelay $0x1  }
0x94: {  	v62 =	vmul.f32 v19, v61;
	_ =	sdelay $0x1  }
0x95: {  	v19 =	vsub.f32 v19, v62  }
0x96: {  	[tilespmem:s18+$0xFFFFFEC0] =	vst v62  }
0x97: {  	[tilespmem:s18+$0xFFFFFE80] =	vst v19  }
0x98: {  	v19 =	vld [tilespmem:s22+$0xFFFFFE90];
	_ =	sdelay $0x4  }
0x99: {  	v63 =	vmul.f32 v19, v61;
	_ =	sdelay $0x1  }
0x9a: {  	v19 =	vsub.f32 v19, v63  }
0x9b: {  	[tilespmem:s18+$0xFFFFFED0] =	vst v63  }
0x9c: {  	[tilespmem:s18+$0xFFFFFE90] =	vst v19  }
0x9d: {  	v19 =	vld [tilespmem:s22+$0xFFFFFEA0];
	_ =	sdelay $0x4  }
0x9e: {  	v24 =	vmul.f32 v19, v61;
	_ =	sdelay $0x1  }
0x9f: {  	v19 =	vsub.f32 v19, v24  }
0xa0: {  	[tilespmem:s18+$0xFFFFFEE0] =	vst v24  }
0xa1: {  	[tilespmem:s18+$0xFFFFFEA0] =	vst v19  }
0xa2: {  	v19 =	vld [tilespmem:s22+$0xFFFFFEB0];
	_ =	sdelay $0x4  }
0xa3: {  	v20 =	vmul.f32 v19, v61;
	_ =	sdelay $0x1  }
0xa4: {  	v19 =	vsub.f32 v19, v20  }
0xa5: {  	[tilespmem:s18+$0xFFFFFEF0] =	vst v20  }
0xa6: {  	[tilespmem:s18+$0xFFFFFEB0] =	vst v19  }
0xa7: {  	v19 =	vld [tilespmem:s22+$0xFFFFFF00];
	_ =	sdelay $0x2  }
0xa8: {  	v25 =	vperm.xlane v18, v6;
	_ =	sdelay $0x1  }
0xa9: {  	v26 =	vmul.f32 v19, v25;
	_ =	sdelay $0x1  }
0xaa: {  	v19 =	vsub.f32 v19, v26  }
0xab: {  	[tilespmem:s18+$0xFFFFFF40] =	vst v26  }
0xac: {  	[tilespmem:s18+$0xFFFFFF00] =	vst v19  }
0xad: {  	v19 =	vld [tilespmem:s22+$0xFFFFFF10];
	_ =	sdelay $0x4  }
0xae: {  	v27 =	vmul.f32 v19, v25;
	_ =	sdelay $0x1  }
0xaf: {  	v19 =	vsub.f32 v19, v27  }
0xb0: {  	[tilespmem:s18+$0xFFFFFF50] =	vst v27  }
0xb1: {  	[tilespmem:s18+$0xFFFFFF10] =	vst v19  }
0xb2: {  	v19 =	vld [tilespmem:s22+$0xFFFFFF20];
	_ =	sdelay $0x4  }
0xb3: {  	v28 =	vmul.f32 v19, v25;
	_ =	sdelay $0x1  }
0xb4: {  	v19 =	vsub.f32 v19, v28  }
0xb5: {  	[tilespmem:s18+$0xFFFFFF60] =	vst v28  }
0xb6: {  	[tilespmem:s18+$0xFFFFFF20] =	vst v19  }
0xb7: {  	v19 =	vld [tilespmem:s22+$0xFFFFFF30];
	_ =	sdelay $0x4  }
0xb8: {  	v20 =	vmul.f32 v19, v25;
	_ =	sdelay $0x1  }
0xb9: {  	v19 =	vsub.f32 v19, v20  }
0xba: {  	[tilespmem:s18+$0xFFFFFF70] =	vst v20  }
0xbb: {  	[tilespmem:s18+$0xFFFFFF30] =	vst v19  }
0xbc: {  	v19 =	vld [tilespmem:s22+$0xFFFFFF80];
	_ =	sdelay $0x2  }
0xbd: {  	v29 =	vperm.xlane v18, v7;
	_ =	sdelay $0x1  }
0xbe: {  	v30 =	vmul.f32 v19, v29;
	_ =	sdelay $0x1  }
0xbf: {  	v19 =	vsub.f32 v19, v30  }
0xc0: {  	[tilespmem:s18+$0xFFFFFFC0] =	vst v30  }
0xc1: {  	[tilespmem:s18+$0xFFFFFF80] =	vst v19  }
0xc2: {  	v19 =	vld [tilespmem:s22+$0xFFFFFF90];
	_ =	sdelay $0x4  }
0xc3: {  	v31 =	vmul.f32 v19, v29;
	_ =	sdelay $0x1  }
0xc4: {  	v19 =	vsub.f32 v19, v31  }
0xc5: {  	[tilespmem:s18+$0xFFFFFFD0] =	vst v31  }
0xc6: {  	[tilespmem:s18+$0xFFFFFF90] =	vst v19  }
0xc7: {  	v19 =	vld [tilespmem:s22+$0xFFFFFFA0];
	_ =	sdelay $0x4  }
0xc8: {  	v32 =	vmul.f32 v19, v29;
	_ =	sdelay $0x1  }
0xc9: {  	v19 =	vsub.f32 v19, v32  }
0xca: {  	[tilespmem:s18+$0xFFFFFFE0] =	vst v32  }
0xcb: {  	[tilespmem:s18+$0xFFFFFFA0] =	vst v19  }
0xcc: {  	v19 =	vld [tilespmem:s22+$0xFFFFFFB0];
	_ =	sdelay $0x4  }
0xcd: {  	v20 =	vmul.f32 v19, v29;
	_ =	sdelay $0x1  }
0xce: {  	v19 =	vsub.f32 v19, v20  }
0xcf: {  	[tilespmem:s18+$0xFFFFFFF0] =	vst v20  }
0xd0: {  	[tilespmem:s18+$0xFFFFFFB0] =	vst v19  }
0xd1: {  	v19 =	vld [tilespmem:s22+$0x0];
	_ =	sdelay $0x2  }
0xd2: {  	v33 =	vperm.xlane v18, v8;
	_ =	sdelay $0x1  }
0xd3: {  	v34 =	vmul.f32 v19, v33;
	_ =	sdelay $0x1  }
0xd4: {  	v19 =	vsub.f32 v19, v34  }
0xd5: {  	[tilespmem:s18+$0x40] =	vst v34  }
0xd6: {  	[tilespmem:s18+$0x0] =	vst v19  }
0xd7: {  	v19 =	vld [tilespmem:s22+$0x10];
	_ =	sdelay $0x4  }
0xd8: {  	v35 =	vmul.f32 v19, v33;
	_ =	sdelay $0x1  }
0xd9: {  	v19 =	vsub.f32 v19, v35  }
0xda: {  	[tilespmem:s18+$0x50] =	vst v35  }
0xdb: {  	[tilespmem:s18+$0x10] =	vst v19  }
0xdc: {  	v19 =	vld [tilespmem:s22+$0x20];
	_ =	sdelay $0x4  }
0xdd: {  	v36 =	vmul.f32 v19, v33;
	_ =	sdelay $0x1  }
0xde: {  	v19 =	vsub.f32 v19, v36  }
0xdf: {  	[tilespmem:s18+$0x60] =	vst v36  }
0xe0: {  	[tilespmem:s18+$0x20] =	vst v19  }
0xe1: {  	v19 =	vld [tilespmem:s22+$0x30];
	_ =	sdelay $0x4  }
0xe2: {  	v20 =	vmul.f32 v19, v33;
	_ =	sdelay $0x1  }
0xe3: {  	v19 =	vsub.f32 v19, v20  }
0xe4: {  	[tilespmem:s18+$0x70] =	vst v20  }
0xe5: {  	[tilespmem:s18+$0x30] =	vst v19  }
0xe6: {  	v19 =	vld [tilespmem:s22+$0x80];
	_ =	sdelay $0x2  }
0xe7: {  	v37 =	vperm.xlane v18, v9;
	_ =	sdelay $0x1  }
0xe8: {  	v38 =	vmul.f32 v19, v37;
	_ =	sdelay $0x1  }
0xe9: {  	v19 =	vsub.f32 v19, v38  }
0xea: {  	[tilespmem:s18+$0xC0] =	vst v38  }
0xeb: {  	[tilespmem:s18+$0x80] =	vst v19  }
0xec: {  	v19 =	vld [tilespmem:s22+$0x90];
	_ =	sdelay $0x4  }
0xed: {  	v39 =	vmul.f32 v19, v37;
	_ =	sdelay $0x1  }
0xee: {  	v19 =	vsub.f32 v19, v39  }
0xef: {  	[tilespmem:s18+$0xD0] =	vst v39  }
0xf0: {  	[tilespmem:s18+$0x90] =	vst v19  }
0xf1: {  	v19 =	vld [tilespmem:s22+$0xA0];
	_ =	sdelay $0x4  }
0xf2: {  	v40 =	vmul.f32 v19, v37;
	_ =	sdelay $0x1  }
0xf3: {  	v19 =	vsub.f32 v19, v40  }
0xf4: {  	[tilespmem:s18+$0xE0] =	vst v40  }
0xf5: {  	[tilespmem:s18+$0xA0] =	vst v19  }
0xf6: {  	v19 =	vld [tilespmem:s22+$0xB0];
	_ =	sdelay $0x4  }
0xf7: {  	v20 =	vmul.f32 v19, v37;
	_ =	sdelay $0x1  }
0xf8: {  	v19 =	vsub.f32 v19, v20  }
0xf9: {  	[tilespmem:s18+$0xF0] =	vst v20  }
0xfa: {  	[tilespmem:s18+$0xB0] =	vst v19  }
0xfb: {  	v19 =	vld [tilespmem:s22+$0x100];
	_ =	sdelay $0x2  }
0xfc: {  	v41 =	vperm.xlane v18, v10;
	_ =	sdelay $0x1  }
0xfd: {  	v42 =	vmul.f32 v19, v41;
	_ =	sdelay $0x1  }
0xfe: {  	v19 =	vsub.f32 v19, v42  }
0xff: {  	[tilespmem:s18+$0x140] =	vst v42  }
0x100: {  	[tilespmem:s18+$0x100] =	vst v19  }
0x101: {  	v19 =	vld [tilespmem:s22+$0x110];
	_ =	sdelay $0x4  }
0x102: {  	v43 =	vmul.f32 v19, v41;
	_ =	sdelay $0x1  }
0x103: {  	v19 =	vsub.f32 v19, v43  }
0x104: {  	[tilespmem:s18+$0x150] =	vst v43  }
0x105: {  	[tilespmem:s18+$0x110] =	vst v19  }
0x106: {  	v19 =	vld [tilespmem:s22+$0x120];
	_ =	sdelay $0x4  }
0x107: {  	v44 =	vmul.f32 v19, v41;
	_ =	sdelay $0x1  }
0x108: {  	v19 =	vsub.f32 v19, v44  }
0x109: {  	[tilespmem:s18+$0x160] =	vst v44  }
0x10a: {  	[tilespmem:s18+$0x120] =	vst v19  }
0x10b: {  	v19 =	vld [tilespmem:s22+$0x130];
	_ =	sdelay $0x4  }
0x10c: {  	v20 =	vmul.f32 v19, v41;
	_ =	sdelay $0x1  }
0x10d: {  	v19 =	vsub.f32 v19, v20  }
0x10e: {  	[tilespmem:s18+$0x170] =	vst v20  }
0x10f: {  	[tilespmem:s18+$0x130] =	vst v19  }
0x110: {  	v19 =	vld [tilespmem:s22+$0x180];
	_ =	sdelay $0x2  }
0x111: {  	v45 =	vperm.xlane v18, v11;
	_ =	sdelay $0x1  }
0x112: {  	v46 =	vmul.f32 v19, v45;
	_ =	sdelay $0x1  }
0x113: {  	v19 =	vsub.f32 v19, v46  }
0x114: {  	[tilespmem:s18+$0x1C0] =	vst v46  }
0x115: {  	[tilespmem:s18+$0x180] =	vst v19  }
0x116: {  	v19 =	vld [tilespmem:s22+$0x190];
	_ =	sdelay $0x4  }
0x117: {  	v47 =	vmul.f32 v19, v45;
	_ =	sdelay $0x1  }
0x118: {  	v19 =	vsub.f32 v19, v47  }
0x119: {  	[tilespmem:s18+$0x1D0] =	vst v47  }
0x11a: {  	[tilespmem:s18+$0x190] =	vst v19  }
0x11b: {  	v19 =	vld [tilespmem:s22+$0x1A0];
	_ =	sdelay $0x4  }
0x11c: {  	v48 =	vmul.f32 v19, v45;
	_ =	sdelay $0x1  }
0x11d: {  	v19 =	vsub.f32 v19, v48  }
0x11e: {  	[tilespmem:s18+$0x1E0] =	vst v48  }
0x11f: {  	[tilespmem:s18+$0x1A0] =	vst v19  }
0x120: {  	v19 =	vld [tilespmem:s22+$0x1B0];
	_ =	sdelay $0x4  }
0x121: {  	v20 =	vmul.f32 v19, v45;
	_ =	sdelay $0x1  }
0x122: {  	v19 =	vsub.f32 v19, v20  }
0x123: {  	[tilespmem:s18+$0x1F0] =	vst v20  }
0x124: {  	[tilespmem:s18+$0x1B0] =	vst v19  }
0x125: {  	v19 =	vld [tilespmem:s22+$0x200];
	_ =	sdelay $0x2  }
0x126: {  	v49 =	vperm.xlane v18, v12;
	_ =	sdelay $0x1  }
0x127: {  	v50 =	vmul.f32 v19, v49;
	_ =	sdelay $0x1  }
0x128: {  	v19 =	vsub.f32 v19, v50  }
0x129: {  	[tilespmem:s18+$0x240] =	vst v50  }
0x12a: {  	[tilespmem:s18+$0x200] =	vst v19  }
0x12b: {  	v19 =	vld [tilespmem:s22+$0x210];
	_ =	sdelay $0x4  }
0x12c: {  	v51 =	vmul.f32 v19, v49;
	_ =	sdelay $0x1  }
0x12d: {  	v19 =	vsub.f32 v19, v51  }
0x12e: {  	[tilespmem:s18+$0x250] =	vst v51  }
0x12f: {  	[tilespmem:s18+$0x210] =	vst v19  }
0x130: {  	v19 =	vld [tilespmem:s22+$0x220];
	_ =	sdelay $0x4  }
0x131: {  	v52 =	vmul.f32 v19, v49;
	_ =	sdelay $0x1  }
0x132: {  	v19 =	vsub.f32 v19, v52  }
0x133: {  	[tilespmem:s18+$0x260] =	vst v52  }
0x134: {  	[tilespmem:s18+$0x220] =	vst v19  }
0x135: {  	v19 =	vld [tilespmem:s22+$0x230];
	_ =	sdelay $0x4  }
0x136: {  	v20 =	vmul.f32 v19, v49;
	_ =	sdelay $0x1  }
0x137: {  	v19 =	vsub.f32 v19, v20  }
0x138: {  	[tilespmem:s18+$0x270] =	vst v20  }
0x139: {  	[tilespmem:s18+$0x230] =	vst v19  }
0x13a: {  	v19 =	vld [tilespmem:s22+$0x280];
	_ =	sdelay $0x2  }
0x13b: {  	v53 =	vperm.xlane v18, v13;
	_ =	sdelay $0x1  }
0x13c: {  	v54 =	vmul.f32 v19, v53;
	_ =	sdelay $0x1  }
0x13d: {  	v19 =	vsub.f32 v19, v54  }
0x13e: {  	[tilespmem:s18+$0x2C0] =	vst v54  }
0x13f: {  	[tilespmem:s18+$0x280] =	vst v19  }
0x140: {  	v19 =	vld [tilespmem:s22+$0x290];
	_ =	sdelay $0x4  }
0x141: {  	v55 =	vmul.f32 v19, v53;
	_ =	sdelay $0x1  }
0x142: {  	v19 =	vsub.f32 v19, v55  }
0x143: {  	[tilespmem:s18+$0x2D0] =	vst v55  }
0x144: {  	[tilespmem:s18+$0x290] =	vst v19  }
0x145: {  	v19 =	vld [tilespmem:s22+$0x2A0];
	_ =	sdelay $0x4  }
0x146: {  	v56 =	vmul.f32 v19, v53;
	_ =	sdelay $0x1  }
0x147: {  	v19 =	vsub.f32 v19, v56  }
0x148: {  	[tilespmem:s18+$0x2E0] =	vst v56  }
0x149: {  	[tilespmem:s18+$0x2A0] =	vst v19  }
0x14a: {  	v19 =	vld [tilespmem:s22+$0x2B0];
	_ =	sdelay $0x4  }
0x14b: {  	v20 =	vmul.f32 v19, v53;
	_ =	sdelay $0x1  }
0x14c: {  	v19 =	vsub.f32 v19, v20  }
0x14d: {  	[tilespmem:s18+$0x2F0] =	vst v20  }
0x14e: {  	[tilespmem:s18+$0x2B0] =	vst v19  }
0x14f: {  	v19 =	vld [tilespmem:s22+$0x300];
	_ =	sdelay $0x2  }
0x150: {  	v57 =	vperm.xlane v18, v14;
	_ =	sdelay $0x1  }
0x151: {  	v58 =	vmul.f32 v19, v57;
	_ =	sdelay $0x1  }
0x152: {  	v19 =	vsub.f32 v19, v58  }
0x153: {  	[tilespmem:s18+$0x340] =	vst v58  }
0x154: {  	[tilespmem:s18+$0x300] =	vst v19  }
0x155: {  	v19 =	vld [tilespmem:s22+$0x310];
	_ =	sdelay $0x4  }
0x156: {  	v59 =	vmul.f32 v19, v57;
	_ =	sdelay $0x1  }
0x157: {  	v19 =	vsub.f32 v19, v59  }
0x158: {  	[tilespmem:s18+$0x350] =	vst v59  }
0x159: {  	[tilespmem:s18+$0x310] =	vst v19  }
0x15a: {  	v19 =	vld [tilespmem:s22+$0x320];
	_ =	sdelay $0x4  }
0x15b: {  	v60 =	vmul.f32 v19, v57;
	_ =	sdelay $0x1  }
0x15c: {  	v19 =	vsub.f32 v19, v60  }
0x15d: {  	[tilespmem:s18+$0x360] =	vst v60  }
0x15e: {  	[tilespmem:s18+$0x320] =	vst v19  }
0x15f: {  	v19 =	vld [tilespmem:s22+$0x330];
	_ =	sdelay $0x4  }
0x160: {  	v20 =	vmul.f32 v19, v57;
	_ =	sdelay $0x1  }
0x161: {  	v19 =	vsub.f32 v19, v20  }
0x162: {  	[tilespmem:s18+$0x370] =	vst v20  }
0x163: {  	[tilespmem:s18+$0x330] =	vst v19  }
0x164: {  	v19 =	vld [tilespmem:s22+$0x380];
	_ =	sdelay $0x2  }
0x165: {  	v18 =	vperm.xlane v18, v15;
	_ =	sdelay $0x1  }
0x166: {  	v61 =	vmul.f32 v19, v18;
	_ =	sdelay $0x1  }
0x167: {  	v19 =	vsub.f32 v19, v61  }
0x168: {  	[tilespmem:s18+$0x3C0] =	vst v61  }
0x169: {  	[tilespmem:s18+$0x380] =	vst v19  }
0x16a: {  	v19 =	vld [tilespmem:s22+$0x390];
	_ =	sdelay $0x4  }
0x16b: {  	v62 =	vmul.f32 v19, v18;
	_ =	sdelay $0x1  }
0x16c: {  	v19 =	vsub.f32 v19, v62  }
0x16d: {  	[tilespmem:s18+$0x3D0] =	vst v62  }
0x16e: {  	[tilespmem:s18+$0x390] =	vst v19  }
0x16f: {  	v19 =	vld [tilespmem:s22+$0x3A0];
	_ =	sdelay $0x4  }
0x170: {  	v63 =	vmul.f32 v19, v18;
	_ =	sdelay $0x1  }
0x171: {  	v19 =	vsub.f32 v19, v63  }
0x172: {  	[tilespmem:s18+$0x3E0] =	vst v63  }
0x173: {  	[tilespmem:s18+$0x3A0] =	vst v19  }
0x174: {  	v19 =	vld [tilespmem:s22+$0x3B0];
	_ =	sdelay $0x3  }
0x175: {  	p1 =	sne.s32 s21, $0x1C0  }
.Ltmp0:
0x176: {  	v18 =	vmul.f32 v19, v18;
	(pc) =	sbr.rel @p1 .LBB2_3-.Ltmp0, $4  }
0x177: {  	_ = 	snop  }
0x178: {  	v19 =	vsub.f32 v19, v18  }
0x179: {  	[tilespmem:s18+$0x3F0] =	vst v18  }
0x17a: {  	s21 =	sadd.s32 $0x40, s21;
	s22 =	sadd.s32 $0x800, s22;
	[tilespmem:s18+$0x3B0] =	vst v19;
	s18 =	sadd.s32 $0x800, s18  }
0x17b: {  	s17 =	sadd.s32 $0x1, s17  }
0x17c: {  	p1 =	sne.s32 s17, $0x80  }
.Ltmp1:
0x17d: {  	_ = 	snop;
	(pc) =	sbr.rel @p1 .LBB2_2-.Ltmp1, $3  }
0x17e: {  	_ =	sdelay $0x1  }
0x17f: {  	[spmem:s1] =	stream.indirect.scatter.add.f32 [tilespmem:s20], [sflag:$0x1], $0x80, s19, s13, $0xb8;
	[tilespmem:$0x1C500] =	vst v63  }
0x180: {  	p0 =	por !p0, !p0;
	s16 =	sadd.s32 $0x1, s16  }
0x181: {  	_ =	swait.ge [sflag:s12], $0x4000  }
0x182: {  	[sflag:s12] =	ssyncset.done $0x0  }
0x183: {  	[sflag:s12] =	ssyncadd.s32 $0xFFFFC000  }
0x184: {  	_ =	swait.ge [sflag:s12], $0x4000  }
0x185: {  	s15 =	sadd.s32 $0x1, s15;
	[sflag:s12] =	ssyncset.done $0x0  }
0x186: {  	p0 =	sne.s32 s15, s9;
	[sflag:s12] =	ssyncadd.s32 $0xFFFFC000  }
.Ltmp2:
0x187: {  	[bflag:$0x0] =	sbarrier.arrive $0xFFFF;
	(pc) =	sbr.rel @p0 .LBB2_1-.Ltmp2, $4  }
0x188: {  	[hbm:s14], [sflag:s6] =	dma.local [spmem:s10], $0x2000  }
0x189: {  	_ =	swait.ge [sflag:s11], $0x2000  }
0x18a: {  	[sflag:s11] =	ssyncset.done $0x0  }
0x18b: {  	[sflag:s11] =	ssyncadd.s32 $0xFFFFE000  }
0x18c: {  	_ =	sfence.sel $0x180000  }
0x18d: {  	[bflag:$0x0] =	sbarrier.arrive $0xFFFF  }
0x18e: {  	p0 =	sne.s32 s3, $0x0;
	_ =	strace $0x90000047  }
0x18f: {  	s0 =	sadd.s32 @!p0 $0x100000, s0;
	[bflag:$0x2] =	sbarrier.arrive $0xFFFF  }
0x190: {  	[sflag:s0] =	ssyncadd.tile.s32 @!p0 $0x1;
	_ =	shalt  }
.Lfunc_end2:
_tile_overlayer_lowered:
.L_overlay_start_2:
0x191: {  	(tag) =	ssettag $0x2  }
0x192: {  	s0 =	rddreg [dreg:$0x0];
	s2 =	stileid.u32  }
0x193: {  	s1 =	rddreg [dreg:$0x1];
	p0 =	sne.s32 s2, $0x0  }
0x194: {  	s3 =	rddreg [dreg:$0x2];
	[bflag:$0x3] =	sbarrier.arrive $0xFFFF;
	s2 =	simm.s32 @!p0 $0x1C02  }
0x195: {  	[timem:s3], [sflag:s2] =	dma.local @!p0 [hbm:s0], s1  }
0x196: {  	s0 =	simm.s32 @!p0 $0x2  }
0x197: {  	_ =	swait.ge @!p0 [sflag:s0], s1  }
0x198: {  	s1 =	ssub.s32 @!p0 $0x0, s1;
	[sflag:s0] =	ssyncset.done @!p0 $0x0  }
0x199: {  	[sflag:s0] =	ssyncadd.s32 @!p0 s1  }
0x19a: {  	[bflag:$0x3] =	sbarrier.arrive $0xFFFF  }
0x19b: {  	_ =	shalt  }

// kernel: kernel.9.cloned.1.call-start
scs
__scs_entry_jumppad:
0x0: {  	(pc) =	sbr.rel $0x88, $3  }
0x1: {  	(tag) =	ssettag $0x0;
	lr =	simm.s32 $0x1  }
0x2: {  	[smem:$0x3F9D] =	sst lr;
	_ =	strace $0xD0000000  }
0x3: {  	_ = 	snop  }
0x4: {  	_ = 	snop  }
0x5: {  	_ = 	snop  }
0x6: {  	_ = 	snop  }
0x7: {  	_ = 	snop  }
__scs_overlays_trampoline_lowered:
0x8: {  	[smem:$0x3FAC] =	sst s0  }
0x9: {  	[smem:$0x3FAD] =	sst s1  }
0xa: {  	[smem:$0x3FAE] =	sst s2  }
0xb: {  	[smem:$0x3FAF] =	sst s3  }
0xc: {  	[smem:$0x3FB0] =	sst s4  }
0xd: {  	[smem:$0x3FB1] =	sst s5  }
0xe: {  	[smem:$0x3FB2] =	sst s6  }
0xf: {  	[smem:$0x3FB3] =	sst s7  }
0x10: {  	[smem:$0x3FB4] =	sst s8  }
0x11: {  	[smem:$0x3FB5] =	sst s9;
	s0 =	simm.s32 @!p0 $0x0  }
0x12: {  	s1 =	sld [smem:$0x3F9B];
	s0 =	simm.s32 @p0 $0x1  }
0x13: {  	[smem:$0x3FB6] =	sst s0;
	s0 =	simm.s32 @!p1 $0x0  }
0x14: {  	s2 =	sld [smem:$0x3F9A];
	s0 =	simm.s32 @p1 $0x1  }
0x15: {  	[smem:$0x3FB7] =	sst s0;
	s0 =	simm.s32 @!p2 $0x0  }
0x16: {  	s3 =	sld [smem:$0x3FDB];
	s0 =	simm.s32 @p2 $0x1  }
0x17: {  	s4 =	simm.s32 $0x1BF5;
	[smem:$0x3FB9] =	sst s0  }
0x18: {  	s0 =	sld [smem:$0x3F9C];
	_ =	swait.ge [sflag:s4], $0x0  }
0x19: {  	s7 =	sld [smem:$0x3F9D]  }
0x1a: {  	s8 =	sadd.s32 $0xFFFFE003, lr  }
0x1b: {  	s9 =	sadd.s32 $0xFFFFFEF7, lr;
	s5 =	simm.s32 $0xFFFFFFFF;
	p2 =	slt.u32 s8, $0xFFFFF086  }
0x1c: {  	p1 =	slt.u32 s9, $0xF7A;
	s5 =	simm.s32 @!p2 $0x0  }
0x1d: {  	s5 =	simm.s32 @p1 $0x1;
	p0 =	seq.s32 s7, s2  }
0x1e: {  	s7 =	smul.u32 @!p0 $0xF7A, s2;
	p2 =	seq.s32 @!p0 s5, $0x0  }
0x1f: {  	s9 =	smul.u32 $0xF7A, s1;
	s8 =	simm.s32 @!p0 $0x1BF5;
	p2 =	por !p2, p0  }
0x20: {  	[sflag:s8] =	ssyncset.s32 @!p0 $0xFFFFF086;
	s6 =	sadd.s32 @!p0 s3, s7;
	s7 =	simm.s32 @!p0 $0x108  }
0x21: {  	s3 =	sadd.s32 s3, s9;
	s6 =	sadd.s32 @!p0 $0x88, s6;
	s7 =	simm.s32 @p2 $0x1082  }
0x22: {  	[simem:s7], [sflag:s8] =	dma.local @!p0 [hbm:s6], $0xF7A  }
0x23: {  	s9 =	sor.u32 $0xD0000000, s2;
	s6 =	simm.s32 $0x108;
	_ =	swait.ge @!p0 [sflag:s8], $0x0  }
0x24: {  	s3 =	sadd.s32 $0x88, s3;
	s6 =	simm.s32 @!p1 $0x1082;
	[sflag:s4] =	ssyncset.s32 $0xFFFFF086  }
0x25: {  	[simem:s6], [sflag:s4] =	dma.local [hbm:s3], $0xF7A  }
0x26: {  	[smem:$0x3F9D] =	sst s1;
	(tag) =	ssettag s2;
	_ =	strace s9  }
0x27: {  	s1 =	sld [smem:$0x3FAD]  }
0x28: {  	s2 =	sld [smem:$0x3FAE]  }
0x29: {  	s4 =	sld [smem:$0x3FB0]  }
0x2a: {  	p0 =	seq.s32 s5, $0x0;
	s5 =	sld [smem:$0x3FB1]  }
0x2b: {  	s6 =	sld [smem:$0x3FB2]  }
0x2c: {  	s7 =	sld [smem:$0x3FB3]  }
0x2d: {  	s3 =	simm.s32 $0x108;
	s8 =	sld [smem:$0x3FB4]  }
0x2e: {  	s3 =	simm.s32 @!p0 $0x1082;
	s9 =	sld [smem:$0x3FB5]  }
0x2f: {  	lr =	sadd.s32 s0, s3;
	s0 =	sld [smem:$0x3FAC]  }
0x30: {  	s3 =	sld [smem:$0x3FAF]  }
0x31: {  	[smem:$0x3FB8] =	sst s10  }
0x32: {  	s10 =	sld [smem:$0x3FB6];
	_ =	sdelay $0x3  }
0x33: {  	p0 =	seq.s32 s10, $0x1;
	s10 =	sld [smem:$0x3FB8];
	_ =	sdelay $0x3  }
0x34: {  	[smem:$0x3FB8] =	sst s10  }
0x35: {  	s10 =	sld [smem:$0x3FB7];
	_ =	sdelay $0x3  }
0x36: {  	p1 =	seq.s32 s10, $0x1;
	s10 =	sld [smem:$0x3FB8];
	_ =	sdelay $0x3  }
0x37: {  	[smem:$0x3FB8] =	sst s10  }
0x38: {  	s10 =	sld [smem:$0x3FB9]  }
0x39: {  	_ = 	snop;
	(pc) =	sbr.ind lr, $3  }
0x3a: {  	_ = 	snop  }
0x3b: {  	_ = 	snop  }
0x3c: {  	p2 =	seq.s32 s10, $0x1;
	s10 =	sld [smem:$0x3FB8]  }
0x3d: {  	_ =	shalt  }
0x3e: {  	_ =	shalt  }
0x3f: {  	_ =	shalt  }
0x40: {  	_ =	shalt  }
0x41: {  	_ =	shalt  }
0x42: {  	_ =	shalt  }
0x43: {  	_ =	shalt  }
0x44: {  	_ =	shalt  }
0x45: {  	_ =	shalt  }
0x46: {  	_ =	shalt  }
0x47: {  	_ =	shalt  }
0x48: {  	_ =	shalt  }
0x49: {  	_ =	shalt  }
0x4a: {  	_ =	shalt  }
0x4b: {  	_ =	shalt  }
0x4c: {  	_ =	shalt  }
0x4d: {  	_ =	shalt  }
0x4e: {  	_ =	shalt  }
0x4f: {  	_ =	shalt  }
0x50: {  	_ =	shalt  }
0x51: {  	_ =	shalt  }
0x52: {  	_ =	shalt  }
0x53: {  	_ =	shalt  }
0x54: {  	_ =	shalt  }
0x55: {  	_ =	shalt  }
0x56: {  	_ =	shalt  }
0x57: {  	_ =	shalt  }
0x58: {  	_ =	shalt  }
0x59: {  	_ =	shalt  }
0x5a: {  	_ =	shalt  }
0x5b: {  	_ =	shalt  }
0x5c: {  	_ =	shalt  }
0x5d: {  	_ =	shalt  }
0x5e: {  	_ =	shalt  }
0x5f: {  	_ =	shalt  }
0x60: {  	_ =	shalt  }
0x61: {  	_ =	shalt  }
0x62: {  	_ =	shalt  }
0x63: {  	_ =	shalt  }
0x64: {  	_ =	shalt  }
0x65: {  	_ =	shalt  }
0x66: {  	_ =	shalt  }
0x67: {  	_ =	shalt  }
0x68: {  	_ =	shalt  }
0x69: {  	_ =	shalt  }
0x6a: {  	_ =	shalt  }
0x6b: {  	_ =	shalt  }
0x6c: {  	_ =	shalt  }
0x6d: {  	_ =	shalt  }
0x6e: {  	_ =	shalt  }
0x6f: {  	_ =	shalt  }
0x70: {  	_ =	shalt  }
0x71: {  	_ =	shalt  }
0x72: {  	_ =	shalt  }
0x73: {  	_ =	shalt  }
0x74: {  	_ =	shalt  }
0x75: {  	_ =	shalt  }
0x76: {  	_ =	shalt  }
0x77: {  	_ =	shalt  }
0x78: {  	_ =	shalt  }
0x79: {  	_ =	shalt  }
0x7a: {  	_ =	shalt  }
0x7b: {  	_ =	shalt  }
0x7c: {  	_ =	shalt  }
0x7d: {  	_ =	shalt  }
0x7e: {  	_ =	shalt  }
0x7f: {  	_ =	shalt  }
0x80: {  	_ =	shalt  }
0x81: {  	_ =	shalt  }
0x82: {  	_ =	shalt  }
0x83: {  	_ =	shalt  }
0x84: {  	_ =	shalt  }
0x85: {  	_ =	shalt  }
0x86: {  	_ =	shalt  }
0x87: {  	_ =	shalt  }
.Lfunc_end0:
.L_simem_size_0:
called_computation.1_lowered:
.L_overlay_start_0:
0x88: {  	s2 =	sld [smem:$0x3FD9]  }
0x89: {  	s3 =	sld [smem:$0x3FFE];
	_ =	sdelay $0x1  }
0x8a: {  	s1 =	srdreg.scid  }
0x8b: {  	s0 =	sand.u32 $0x1, s1  }
0x8c: {  	s17 =	sshll.u32 s0, $0xA;
	s2 =	sadd.s32 s3, s2  }
0x8d: {  	s2 =	sadd.s32 s2, s17  }
0x8e: {  	[smem:$0x3FC4] =	sst s2  }
0x8f: {  	_ = 	snop  }
0x90: {  	s2 =	sld [smem:$0x3FD0];
	(tm) =	ssettm $0x1  }
0x91: {  	s18 =	sld [smem:$0x3FFB];
	_ =	sdelay $0x3  }
0x92: {  	_ =	strace s18  }
0x93: {  	s3 =	sld [smem:$0x3FFC];
	_ =	sdelay $0x3  }
0x94: {  	_ =	strace s3  }
0x95: {  	s3 =	sld [smem:$0x3FFD];
	_ =	sdelay $0x3  }
0x96: {  	_ =	strace s3  }
0x97: {  	_ =	strace $0x8FFFFFFF  }
0x98: {  	s19 =	sld [smem:$0x3FDB];
	_ =	sdelay $0x1  }
0x99: {  	s4 =	simm.s32 $_scs_section_size  }
0x9a: {  	s5 =	simm.s32 $_size__tile_overlayer_lowered;
	s6 =	simm.s32 $_tile_overlayer_lowered  }
0x9b: {  	s22 =	simm.s32 $0x1BFF;
	s21 =	sshll.u32 s6, $0x1;
	s3 =	sadd.s32 s4, s19  }
0x9c: {  	s7 =	simm.s32 $0x0;
	s20 =	sshll.u32 s5, $0x1;
	s5 =	sadd.s32 s21, s3  }
0x9d: {  	[timem:s7], [sflag:s22] =	dma.local [hbm:s5], s20  }
0x9e: {  	_ =	swait.ge [sflag:s22], s20  }
0x9f: {  	s4 =	ssub.s32 $0x0, s20;
	[sflag:s22] =	ssyncset.done $0x0  }
0xa0: {  	[sflag:s22] =	ssyncadd.s32 s4;
	_ =	sdelay $0x1  }
0xa1: {  	s23 =	simm.s32 $0x1B8B  }
0xa2: {  	_ =	swait.ge [sflag:s23], $0x1  }
0xa3: {  	[sflag:s23] =	ssyncset.done $0x0  }
0xa4: {  	s25 =	simm.s32 $0x1B8E;
	s24 =	sld [smem:$0x3FFE];
	[sflag:s23] =	ssyncadd.s32 $0xFFFFFFFF  }
0xa5: {  	s26 =	simm.s32 $execute0_lowered;
	[smem:$0x3FD2] =	sst s25  }
0xa6: {  	s5 =	sshll.u32 s26, $0x1;
	_ =	strace $0x80000049;
	[dreg:$0x1] =	wrdreg $0xFFFFFFFF  }
0xa7: {  	s28 =	simm.s32 $_size_execute0_lowered;
	s3 =	sadd.s32 s3, s5;
	[dreg:$0x0] =	wrdreg $0x0  }
0xa8: {  	s5 =	sshll.u32 s28, $0x1;
	[dreg:$0x2] =	wrdreg s3  }
0xa9: {  	[dreg:$0x3] =	wrdreg s5  }
0xaa: {  	[dreg:$0x4] =	wrdreg $0xC0  }
0xab: {  	_ =	task [dreg:s7], $0x5FFFF  }
0xac: {  	[dreg:$0x1] =	wrdreg $0xFFFFFFFF  }
0xad: {  	[dreg:$0x0] =	wrdreg $0x60  }
0xae: {  	[dreg:$0x2] =	wrdreg s24  }
0xaf: {  	[dreg:$0x3] =	wrdreg s2  }
0xb0: {  	[dreg:$0x4] =	wrdreg $0x9  }
0xb1: {  	_ =	task.clear_ibuf [dreg:s7], $0x5FFFF;
	_ =	strace $0x90000049  }
0xb2: {  	s29 =	simm.s32 $0x9;
	_ =	strace $0x8000004B  }
0xb3: {  	_ =	swait.ge [sflag:s29], $0x1  }
0xb4: {  	[sflag:s29] =	ssyncadd.s32 $0xFFFFFFFF  }
0xb5: {  	_ =	strace $0x9000004B  }
0xb6: {  	_ =	sfence  }
0xb7: {  	s30 =	sld [smem:$0x0];
	_ =	sdelay $0x2  }
0xb8: {  	s31 =	sshll.u32 s1, $0xD;
	s1 =	sshrl.u32 s1, $0x2  }
0xb9: {  	s3 =	sand.u32 $0x4000, s31;
	s1 =	sadd.s32 s1, s30  }
0xba: {  	s0 =	sor.u32 s3, s0;
	s1 =	sshll.u32 s1, $0x11  }
0xbb: {  	s0 =	sor.u32 s1, s0  }
0xbc: {  	s0 =	sadd.s32 $0x8F2B, s0  }
0xbd: {  	[sflag:s0] =	ssyncadd.remote.s32 $0x1  }
0xbe: {  	_ =	sfence.sel $0xFFFF  }
0xbf: {  	[dreg:$0x0] =	wrdreg $0xFFFFFFFF;
	(pc) =	sbr.abs _section_cstart, $3  }
0xc0: {  	[dreg:$0x1] =	wrdreg $0xFFFFFFFF  }
0xc1: {  	_ =	task.clear_ibuf [dreg:s7], $0x2FFFF;
	_ =	strace $0x9FFFFFFF  }
0xc2: {  	(tm) =	ssettm $0x7FFFFFFF  }
0xc3: {  	_ =	shalt  }
tec
execute0_lowered:
.L_overlay_start_1:
0x0: {  	(tag) =	ssettag $0x1  }
0x1: {  	s4 =	rddreg [dreg:$0x0]  }
0x2: {  	s1 =	rddreg [dreg:$0x1]  }
0x3: {  	s0 =	rddreg [dreg:$0x2]  }
0x4: {  	s2 =	simm.s32 $0x0;
	s5 =	srdreg.scid;
	s11 =	simm.s32 $0x8000  }
0x5: {  	s12 =	simm.s32 $0x10000;
	s13 =	simm.s32 $0xC000;
	s14 =	simm.s32 $0x14000  }
0x6: {  	s15 =	simm.s32 $0x3;
	s16 =	simm.s32 $0x1;
	s17 =	simm.s32 $0x2  }
0x7: {  	s18 =	simm.s32 $0x4;
	s19 =	simm.s32 $0x0;
	[smem:$0x7FF] =	sst s2  }
0x8: {  	s3 =	sadd.s32 $0x442600, s4;
	s8 =	sand.u32 $0x1, s5;
	s5 =	sadd.s32 $0x402600, s4  }
0x9: {  	s6 =	sadd.s32 $0x40A600, s4;
	s7 =	sadd.s32 $0x2600, s4;
	s9 =	ssub.s32 $0x2, s8  }
0xa: {  	s4 =	stileid.u32;
	_ =	strace $0x8000004A;
	s10 =	sshrl.u32 s9, $0x1  }
0xb: {  	s31 =	sshll.u32 s4, $0xE;
	s8 =	sshll.u32 s8, $0xD;
	s9 =	ssub.s32 s9, s10  }
0xc: {  	s8 =	sor.u32 s8, s31;
	s10 =	simm.s32 $0x80;
	s9 =	smax.u32 s9, $0x1  }
.LBB2_1:
0xd: {  	s20 =	simm.s32 $0x0  }
.LBB2_2:
0xe: {  	s21 =	sshll.u32 s20, $0x8;
	s22 =	sand.u32 $0x3, s20  }
0xf: {  	s21 =	sadd.s32 s8, s21;
	p0 =	sne.s32 s22, $0x0  }
0x10: {  	s23 =	sshrl.u32 @!p0 s21, $0x3  }
0x11: {  	s25 =	simm.s32 @!p0 $0x0;
	s26 =	simm.s32 @!p0 $0x18000;
	s24 =	sadd.s32 @!p0 s5, s23  }
0x12: {  	[tilespmem:s26], [sflag:$0x4] =	stream.linear.gather @!p0 [hbm4b:s24+s25], $0x400, $0x38;
	[tilespmem:$0x18800] =	vst v63  }
0x13: {  	s24 =	simm.s32 @!p0 $0x4  }
0x14: {  	_ =	swait.ge @!p0 [sflag:s24], $0x400  }
0x15: {  	[sflag:s24] =	ssyncset.done @!p0 $0x0  }
0x16: {  	s23 =	sadd.s32 @!p0 s6, s23;
	s26 =	simm.s32 @!p0 $0x18400;
	[sflag:s24] =	ssyncadd.s32 @!p0 $0xFFFFFC00  }
0x17: {  	[tilespmem:s26], [sflag:$0x4] =	stream.linear.gather @!p0 [hbm4b:s23+s25], $0x400, $0x38;
	[tilespmem:$0x18800] =	vst v63  }
0x18: {  	_ =	swait.ge @!p0 [sflag:s24], $0x400  }
0x19: {  	s28 =	simm.s32 $0x0;
	s21 =	sshll.u32 s21, $0x4;
	[sflag:s24] =	ssyncset.done @!p0 $0x0  }
0x1a: {  	s22 =	sshll.u32 s22, $0x8;
	s26 =	sadd.s32 s3, s21;
	[sflag:s24] =	ssyncadd.s32 @!p0 $0xFFFFFC00  }
0x1b: {  	[tilespmem:s28], [sflag:$0x3] =	stream.linear.gather [hbm4b:s26+s28], $0x8000, $0x38;
	[tilespmem:$0x18800] =	vst v63  }
0x1c: {  	s29 =	sor.u32 $0x18000, s22  }
0x1d: {  	[tilespmem:s11], [sflag:$0x1] =	stream.indirect.gather [hbm4b:s1+s10], $0x80, s29, s10, $0xb8;
	[tilespmem:$0x18800] =	vst v63  }
0x1e: {  	s30 =	sor.u32 $0x18400, s22  }
0x1f: {  	[tilespmem:s12], [sflag:$0x2] =	stream.indirect.gather [hbm4b:s1+s10], $0x80, s30, s10, $0xb8;
	[tilespmem:$0x18800] =	vst v63  }
0x20: {  	s31 =	sor.u32 $0x18080, s22  }
0x21: {  	[tilespmem:s13], [sflag:$0x1] =	stream.indirect.gather [hbm4b:s1+s10], $0x80, s31, s10, $0xb8;
	[tilespmem:$0x18800] =	vst v63  }
0x22: {  	s22 =	sor.u32 $0x18480, s22  }
0x23: {  	[tilespmem:s14], [sflag:$0x2] =	stream.indirect.gather [hbm4b:s1+s10], $0x80, s22, s10, $0xb8;
	[tilespmem:$0x18800] =	vst v63  }
0x24: {  	_ =	swait.ge [sflag:s15], $0x8000  }
0x25: {  	[sflag:s15] =	ssyncset.done $0x0  }
0x26: {  	[sflag:s15] =	ssyncadd.s32 $0xFFFF8000  }
0x27: {  	_ =	swait.ge [sflag:s16], $0x4000  }
0x28: {  	[sflag:s16] =	ssyncset.done $0x0  }
0x29: {  	[sflag:s16] =	ssyncadd.s32 $0xFFFFC000  }
0x2a: {  	_ =	swait.ge [sflag:s17], $0x4000  }
0x2b: {  	[sflag:s17] =	ssyncset.done $0x0  }
0x2c: {  	s22 =	simm.s32 $0x0;
	[sflag:s17] =	ssyncadd.s32 $0xFFFFC000  }
0x2d: {  	v1 =	vld [tilespmem:s22+$0x10040]  }
0x2e: {  	v0 =	vld [tilespmem:s22+$0x10050]  }
0x2f: {  	v5 =	vld [tilespmem:s22+$0x8000]  }
0x30: {  	v4 =	vld [tilespmem:s22+$0x8010]  }
0x31: {  	v3 =	vld [tilespmem:s22+$0x8020]  }
0x32: {  	v2 =	vld [tilespmem:s22+$0x8030]  }
0x33: {  	v8 =	vld [tilespmem:s22+$0x0]  }
0x34: {  	v7 =	vld [tilespmem:s22+$0x10]  }
0x35: {  	s23 =	simm.s32 $0x200;
	v6 =	vld [tilespmem:s22+$0x20]  }
.LBB2_3:
0x36: {  	p0 =	sne.s32 s23, $0xFE00;
	v9 =	vld [tilespmem:s22+$0x30]  }
0x37: {  	v10 =	vld [tilespmem:s22+$0x10060]  }
0x38: {  	v5 =	vadd.f32 v5, v8;
	v8 =	vld [tilespmem:s22+$0x10070]  }
0x39: {  	s24 =	sshra.s32 s23, $0x2;
	v4 =	vadd.f32 v4, v7  }
0x3a: {  	v7 =	vadd.f32 v1, v5;
	v1 =	vld [tilespmem:s24+$0x10040];
	v3 =	vadd.f32 v3, v6  }
0x3b: {  	v6 =	vadd.f32 v0, v4;
	v0 =	vld [tilespmem:s24+$0x10050];
	v2 =	vadd.f32 v2, v9  }
0x3c: {  	v5 =	vld [tilespmem:s24+$0x8000];
	v9 =	vmul.f32 $9.999999770e-03, v7;
	v10 =	vadd.f32 v10, v3  }
0x3d: {  	v4 =	vld [tilespmem:s24+$0x8010];
	v11 =	vmul.f32 $9.999999770e-03, v6;
	v12 =	vadd.f32 v8, v2  }
.Ltmp0:
0x3e: {  	v3 =	vld [tilespmem:s24+$0x8020];
	v7 =	vmax.f32 v7, v9;
	v9 =	vmul.f32 $9.999999770e-03, v10;
	(pc) =	sbr.rel @p0 .LBB2_3-.Ltmp0, $4  }
0x3f: {  	v2 =	vld [tilespmem:s24+$0x8030];
	[tilespmem:s22+$0x0] =	vst v7;
	v6 =	vmax.f32 v6, v11;
	v11 =	vmul.f32 $9.999999770e-03, v12  }
0x40: {  	v8 =	vld [tilespmem:s24+$0x0];
	[tilespmem:s22+$0x10] =	vst v6;
	v6 =	vmax.f32 v10, v9  }
0x41: {  	v7 =	vld [tilespmem:s24+$0x10];
	[tilespmem:s22+$0x20] =	vst v6;
	v9 =	vmax.f32 v12, v11  }
0x42: {  	s23 =	sadd.s32 $0x200, s23;
	v6 =	vld [tilespmem:s24+$0x20];
	[tilespmem:s22+$0x30] =	vst v9;
	s22 =	smov.u32 s24  }
0x43: {  	v9 =	vld [tilespmem:s22+$0x30]  }
0x44: {  	v10 =	vld [tilespmem:s22+$0x10060]  }
0x45: {  	v5 =	vadd.f32 v5, v8;
	v8 =	vld [tilespmem:s22+$0x10070]  }
0x46: {  	v4 =	vadd.f32 v4, v7  }
0x47: {  	v1 =	vadd.f32 v1, v5;
	v3 =	vadd.f32 v3, v6  }
0x48: {  	v0 =	vadd.f32 v0, v4;
	v2 =	vadd.f32 v2, v9  }
0x49: {  	v4 =	vmul.f32 $9.999999770e-03, v1;
	v3 =	vadd.f32 v10, v3  }
0x4a: {  	v5 =	vmul.f32 $9.999999770e-03, v0;
	v2 =	vadd.f32 v8, v2  }
0x4b: {  	v1 =	vmax.f32 v1, v4;
	v4 =	vmul.f32 $9.999999770e-03, v3  }
0x4c: {  	[tilespmem:s22+$0x0] =	vst v1;
	v0 =	vmax.f32 v0, v5;
	v1 =	vmul.f32 $9.999999770e-03, v2  }
0x4d: {  	[tilespmem:s22+$0x10] =	vst v0;
	v0 =	vmax.f32 v3, v4  }
0x4e: {  	[tilespmem:s22+$0x20] =	vst v0;
	v0 =	vmax.f32 v2, v1  }
0x4f: {  	[tilespmem:s22+$0x30] =	vst v0  }
0x50: {  	_ =	swait.ge [sflag:s16], $0x4000  }
0x51: {  	[sflag:s16] =	ssyncset.done $0x0  }
0x52: {  	[sflag:s16] =	ssyncadd.s32 $0xFFFFC000  }
0x53: {  	_ =	swait.ge [sflag:s17], $0x4000  }
0x54: {  	[sflag:s17] =	ssyncset.done $0x0  }
0x55: {  	s22 =	simm.s32 $0x0;
	[sflag:s17] =	ssyncadd.s32 $0xFFFFC000  }
0x56: {  	v1 =	vld [tilespmem:s22+$0x14040]  }
0x57: {  	v0 =	vld [tilespmem:s22+$0x14050]  }
0x58: {  	v5 =	vld [tilespmem:s22+$0xC000]  }
0x59: {  	v4 =	vld [tilespmem:s22+$0xC010]  }
0x5a: {  	v3 =	vld [tilespmem:s22+$0xC020]  }
0x5b: {  	v2 =	vld [tilespmem:s22+$0xC030]  }
0x5c: {  	v8 =	vld [tilespmem:s22+$0x4000]  }
0x5d: {  	v7 =	vld [tilespmem:s22+$0x4010]  }
0x5e: {  	s23 =	simm.s32 $0x200;
	v6 =	vld [tilespmem:s22+$0x4020]  }
.LBB2_5:
0x5f: {  	p0 =	sne.s32 s23, $0xFE00;
	v9 =	vld [tilespmem:s22+$0x4030]  }
0x60: {  	v10 =	vld [tilespmem:s22+$0x14060]  }
0x61: {  	v5 =	vadd.f32 v5, v8;
	v8 =	vld [tilespmem:s22+$0x14070]  }
0x62: {  	s24 =	sshra.s32 s23, $0x2;
	v4 =	vadd.f32 v4, v7  }
0x63: {  	v7 =	vadd.f32 v1, v5;
	v1 =	vld [tilespmem:s24+$0x14040];
	v3 =	vadd.f32 v3, v6  }
0x64: {  	v6 =	vadd.f32 v0, v4;
	v0 =	vld [tilespmem:s24+$0x14050];
	v2 =	vadd.f32 v2, v9  }
0x65: {  	v5 =	vld [tilespmem:s24+$0xC000];
	v9 =	vmul.f32 $9.999999770e-03, v7;
	v10 =	vadd.f32 v10, v3  }
0x66: {  	v4 =	vld [tilespmem:s24+$0xC010];
	v11 =	vmul.f32 $9.999999770e-03, v6;
	v12 =	vadd.f32 v8, v2  }
.Ltmp1:
0x67: {  	v3 =	vld [tilespmem:s24+$0xC020];
	v7 =	vmax.f32 v7, v9;
	v9 =	vmul.f32 $9.999999770e-03, v10;
	(pc) =	sbr.rel @p0 .LBB2_5-.Ltmp1, $4  }
0x68: {  	v2 =	vld [tilespmem:s24+$0xC030];
	[tilespmem:s22+$0x4000] =	vst v7;
	v6 =	vmax.f32 v6, v11;
	v11 =	vmul.f32 $9.999999770e-03, v12  }
0x69: {  	v8 =	vld [tilespmem:s24+$0x4000];
	[tilespmem:s22+$0x4010] =	vst v6;
	v6 =	vmax.f32 v10, v9  }
0x6a: {  	v7 =	vld [tilespmem:s24+$0x4010];
	[tilespmem:s22+$0x4020] =	vst v6;
	v9 =	vmax.f32 v12, v11  }
0x6b: {  	s23 =	sadd.s32 $0x200, s23;
	v6 =	vld [tilespmem:s24+$0x4020];
	[tilespmem:s22+$0x4030] =	vst v9;
	s22 =	smov.u32 s24  }
0x6c: {  	v9 =	vld [tilespmem:s22+$0x4030]  }
0x6d: {  	v10 =	vld [tilespmem:s22+$0x14060]  }
0x6e: {  	v57 =	vld [tilespmem:s22+$0x14070];
	v5 =	vadd.f32 v5, v8  }
0x6f: {  	v4 =	vadd.f32 v4, v7  }
0x70: {  	v1 =	vadd.f32 v1, v5;
	v3 =	vadd.f32 v3, v6  }
0x71: {  	v0 =	vadd.f32 v0, v4;
	v2 =	vadd.f32 v2, v9  }
0x72: {  	v58 =	vmul.f32 $9.999999770e-03, v1;
	v3 =	vadd.f32 v10, v3  }
0x73: {  	v59 =	vmul.f32 $9.999999770e-03, v0;
	v2 =	vadd.f32 v57, v2  }
0x74: {  	v1 =	vmax.f32 v1, v58;
	v60 =	vmul.f32 $9.999999770e-03, v3  }
0x75: {  	[tilespmem:s22+$0x4000] =	vst v1;
	v0 =	vmax.f32 v0, v59;
	v61 =	vmul.f32 $9.999999770e-03, v2  }
0x76: {  	s20 =	sadd.s32 $0x1, s20;
	[tilespmem:s22+$0x4010] =	vst v0;
	v62 =	vmax.f32 v3, v60  }
0x77: {  	p0 =	sne.s32 s20, $0x20;
	[tilespmem:s22+$0x4020] =	vst v62;
	v63 =	vmax.f32 v2, v61  }
.Ltmp2:
0x78: {  	s21 =	sadd.s32 s7, s21;
	[tilespmem:s22+$0x4030] =	vst v63;
	(pc) =	sbr.rel @p0 .LBB2_2-.Ltmp2, $4  }
0x79: {  	[hbm4b:s21+s2] =	stream.linear.scatter [tilespmem:s2], [sflag:$0x4], $0x8000, $0x38;
	[tilespmem:$0x18800] =	vst v63  }
0x7a: {  	_ =	swait.ge [sflag:s18], $0x8000  }
0x7b: {  	[sflag:s18] =	ssyncset.done $0x0  }
0x7c: {  	[sflag:s18] =	ssyncadd.s32 $0xFFFF8000  }
0x7d: {  	s19 =	sadd.s32 $0x1, s19  }
0x7e: {  	p0 =	sne.s32 s19, s9  }
.Ltmp3:
0x7f: {  	_ = 	snop;
	(pc) =	sbr.rel @p0 .LBB2_1-.Ltmp3, $1  }
0x80: {  	_ =	sdelay $0x3  }
0x81: {  	_ =	sfence.sel $0x180000  }
0x82: {  	[bflag:$0x0] =	sbarrier.arrive $0xFFFF  }
0x83: {  	p0 =	sne.s32 s4, $0x0;
	_ =	strace $0x9000004A  }
0x84: {  	s0 =	sadd.s32 @!p0 $0x100000, s0;
	[bflag:$0x2] =	sbarrier.arrive $0xFFFF  }
0x85: {  	[sflag:s0] =	ssyncadd.tile.s32 @!p0 $0x1;
	_ =	shalt  }
.Lfunc_end2:
_tile_overlayer_lowered:
.L_overlay_start_2:
0x86: {  	(tag) =	ssettag $0x2  }
0x87: {  	s0 =	rddreg [dreg:$0x0];
	s2 =	stileid.u32  }
0x88: {  	s1 =	rddreg [dreg:$0x1];
	p0 =	sne.s32 s2, $0x0  }
0x89: {  	s3 =	rddreg [dreg:$0x2];
	[bflag:$0x3] =	sbarrier.arrive $0xFFFF;
	s2 =	simm.s32 @!p0 $0x1C04  }
0x8a: {  	[timem:s3], [sflag:s2] =	dma.local @!p0 [hbm:s0], s1  }
0x8b: {  	s0 =	simm.s32 @!p0 $0x4  }
0x8c: {  	_ =	swait.ge @!p0 [sflag:s0], s1  }
0x8d: {  	s1 =	ssub.s32 @!p0 $0x0, s1;
	[sflag:s0] =	ssyncset.done @!p0 $0x0  }
0x8e: {  	[sflag:s0] =	ssyncadd.s32 @!p0 s1  }
0x8f: {  	[bflag:$0x3] =	sbarrier.arrive $0xFFFF  }
0x90: {  	_ =	shalt  }

</sc_bundles>
